<compile_context>
chip_gen: v7x
topology: tpu7x:2x2x1
jax: 0.10.2.dev20260603
libtpu: 0.0.44.dev20260713+nightly
codegen_flags: <defaults>
</compile_context>

<pallas_src>
import functools

import jax
import jax.numpy as jnp
from jax import lax
from jax.experimental import pallas as pl
from jax.experimental.pallas import tpu as pltpu
from jax.experimental.pallas import tpu_sc as plsc

N = 10000
E = 160000
F = 256
C = 128

_BM = 5000
_CH = 125
_NCHUNKS = E // _CH
_NSUB = 16
_NR1 = _NCHUNKS // _NSUB
_NR2 = _NCHUNKS // (2 * _NSUB)
_RPW = 640
_NPAD = _RPW * _NSUB


def _mm1(x, w1t, ei):
    eb = E // (N // _BM)
    ebr = eb // _CH

    def body(x_ref, w_ref, ei_ref, oa_ref, ob_ref, oe_ref):
        y = jnp.dot(x_ref[...], w_ref[...], preferred_element_type=jnp.float32)
        oa_ref[...] = y[:, :128]
        ob_ref[...] = y[:, 128:]
        oe_ref[...] = ei_ref[...].reshape(2, ebr, _CH)

    return pl.pallas_call(
        body,
        grid=(N // _BM,),
        in_specs=[
            pl.BlockSpec((_BM, F), lambda i: (i, 0)),
            pl.BlockSpec((F, F), lambda i: (0, 0)),
            pl.BlockSpec((2, eb), lambda i: (0, i)),
        ],
        out_specs=[
            pl.BlockSpec((_BM, 128), lambda i: (i, 0)),
            pl.BlockSpec((_BM, 128), lambda i: (i, 0)),
            pl.BlockSpec((2, ebr, _CH), lambda i: (0, i, 0)),
        ],
        out_shape=[
            jax.ShapeDtypeStruct((N, 128), jnp.float32),
            jax.ShapeDtypeStruct((N, 128), jnp.float32),
            jax.ShapeDtypeStruct((2, _NCHUNKS, _CH), jnp.int32),
        ],
    )(x, w1t, ei)


def _mm2(agg1a, agg1b, b1r, w2t):

    def body(aa_ref, ab_ref, b_ref, w_ref, o_ref):
        ha = jnp.maximum(aa_ref[...] + b_ref[:, :128], 0.0)
        hb = jnp.maximum(ab_ref[...] + b_ref[:, 128:], 0.0)
        y = jnp.dot(ha, w_ref[:128, :], preferred_element_type=jnp.float32)
        y = y + jnp.dot(hb, w_ref[128:, :], preferred_element_type=jnp.float32)
        o_ref[...] = y

    return pl.pallas_call(
        body,
        grid=(N // _BM,),
        in_specs=[
            pl.BlockSpec((_BM, 128), lambda i: (i, 0)),
            pl.BlockSpec((_BM, 128), lambda i: (i, 0)),
            pl.BlockSpec((1, F), lambda i: (0, 0)),
            pl.BlockSpec((F, C), lambda i: (0, 0)),
        ],
        out_specs=pl.BlockSpec((_BM, C), lambda i: (i, 0)),
        out_shape=jax.ShapeDtypeStruct((N, C), jnp.float32),
    )(agg1a, agg1b, b1r, w2t)


def _bias_relu(p0, p1, b2r):

    def body(p0_ref, p1_ref, b_ref, o_ref):
        o_ref[...] = jnp.maximum(p0_ref[...] + p1_ref[...] + b_ref[...], 0.0)

    return pl.pallas_call(
        body,
        grid=(N // _BM,),
        in_specs=[
            pl.BlockSpec((_BM, C), lambda i: (i, 0)),
            pl.BlockSpec((_BM, C), lambda i: (i, 0)),
            pl.BlockSpec((1, C), lambda i: (0, 0)),
        ],
        out_specs=pl.BlockSpec((_BM, C), lambda i: (i, 0)),
        out_shape=jax.ShapeDtypeStruct((N, C), jnp.float32),
    )(p0, p1, b2r)


def _zero_acc(rows0, acc, s):

    @pl.loop(0, 64)
    def _(r):
        for j in range(0, 128, 16):
            rows0[r, pl.ds(j, 16)] = jnp.zeros((16,), jnp.float32)

    for k in range(_RPW // 64):
        pltpu.sync_copy(
            rows0.at[pl.ds(0, 64)], acc.at[pl.ds(s * _RPW + 64 * k, 64)]
        )


def _writeout(acc, out, s):

    @pl.when(s < _NSUB - 1)
    def _():
        pltpu.sync_copy(acc.at[pl.ds(s * _RPW, _RPW)], out.at[pl.ds(s * _RPW, _RPW)])

    @pl.when(s == _NSUB - 1)
    def _():
        last = (_NSUB - 1) * _RPW
        pltpu.sync_copy(acc.at[pl.ds(last, N - last)], out.at[pl.ds(last, N - last)])


def _pipeline_chunks(tbl, acc, src_v, dst_v, rows0, rows1, gsem0, gsem1, nr):

    def gather(j, rbuf, sem):
        pltpu.async_copy(tbl.at[src_v.at[j]], rbuf, sem)

    def gwait(rbuf, sem):
        pltpu.make_async_copy(tbl.at[src_v.at[0]], rbuf, sem).wait()

    def scatter(j, rbuf):
        pltpu.sync_copy(rbuf, acc.at[dst_v.at[j]], add=True)

    gather(0, rows0, gsem0)

    @pl.loop(0, nr // 2 - 1)
    def _(k):
        g = 2 * k
        gather(g + 1, rows1, gsem1)
        gwait(rows0, gsem0)
        scatter(g, rows0)
        gather(g + 2, rows0, gsem0)
        gwait(rows1, gsem1)
        scatter(g + 1, rows1)

    gather(nr - 1, rows1, gsem1)
    gwait(rows0, gsem0)
    scatter(nr - 2, rows0)
    gwait(rows1, gsem1)
    scatter(nr - 1, rows1)


def _run_chunks(tbl, acc, ei_h, slab_base, nr, pieces, src_v, dst_v, rows0, rows1, g0, g1):
    piece = nr // pieces
    for h in range(pieces):
        pltpu.sync_copy(ei_h.at[0, pl.ds(slab_base + h * piece, piece)], src_v)
        pltpu.sync_copy(ei_h.at[1, pl.ds(slab_base + h * piece, piece)], dst_v)
        _pipeline_chunks(tbl, acc, src_v, dst_v, rows0, rows1, g0, g1, piece)


def _segsum_featsplit(t0, t1, ei3):
    mesh = plsc.VectorSubcoreMesh(core_axis_name="c", subcore_axis_name="s")

    @functools.partial(
        pl.kernel,
        out_type=[jax.ShapeDtypeStruct((N, 128), jnp.float32)] * 2,
        mesh=mesh,
        scratch_types=[
            pltpu.VMEM((_NR1 // 2, _CH), jnp.int32),
            pltpu.VMEM((_NR1 // 2, _CH), jnp.int32),
            pltpu.VMEM((_CH, 128), jnp.float32),
            pltpu.VMEM((_CH, 128), jnp.float32),
            pltpu.VMEM_SHARED((_NPAD, 128), jnp.float32),
            pltpu.SemaphoreType.DMA,
            pltpu.SemaphoreType.DMA,
        ],
    )
    def k(
        t0_h, t1_h, ei_h, o0_h, o1_h,
        src_v, dst_v, rows0, rows1, acc, gsem0, gsem1,
    ):
        c = lax.axis_index("c")
        s = lax.axis_index("s")
        _zero_acc(rows0, acc, s)
        plsc.subcore_barrier()

        def run(tbl, out):
            _run_chunks(
                tbl, acc, ei_h, s * _NR1, _NR1, 2,
                src_v, dst_v, rows0, rows1, gsem0, gsem1,
            )
            plsc.subcore_barrier()
            _writeout(acc, out, s)

        @pl.when(c == 0)
        def _():
            run(t0_h, o0_h)

        @pl.when(c == 1)
        def _():
            run(t1_h, o1_h)

    return k(t0, t1, ei3)


def _segsum_edgesplit(t, ei3):
    mesh = plsc.VectorSubcoreMesh(core_axis_name="c", subcore_axis_name="s")

    @functools.partial(
        pl.kernel,
        out_type=[jax.ShapeDtypeStruct((N, C), jnp.float32)] * 2,
        mesh=mesh,
        scratch_types=[
            pltpu.VMEM((_NR2, _CH), jnp.int32),
            pltpu.VMEM((_NR2, _CH), jnp.int32),
            pltpu.VMEM((_CH, C), jnp.float32),
            pltpu.VMEM((_CH, C), jnp.float32),
            pltpu.VMEM_SHARED((_NPAD, C), jnp.float32),
            pltpu.SemaphoreType.DMA,
            pltpu.SemaphoreType.DMA,
        ],
    )
    def k(
        t_h, ei_h, o0_h, o1_h,
        src_v, dst_v, rows0, rows1, acc, gsem0, gsem1,
    ):
        c = lax.axis_index("c")
        s = lax.axis_index("s")
        w = c * _NSUB + s
        _zero_acc(rows0, acc, s)
        plsc.subcore_barrier()
        _run_chunks(
            t_h, acc, ei_h, w * _NR2, _NR2, 1,
            src_v, dst_v, rows0, rows1, gsem0, gsem1,
        )
        plsc.subcore_barrier()

        @pl.when(c == 0)
        def _():
            _writeout(acc, o0_h, s)

        @pl.when(c == 1)
        def _():
            _writeout(acc, o1_h, s)

    return k(t, ei3)


def kernel(x, edge_index, W1, b1, W2, b2):
    ei = edge_index.astype(jnp.int32)
    w1t = W1.T
    w2t = W2.T
    b1r = b1.reshape(1, F)
    b2r = b2.reshape(1, C)

    y1a, y1b, ei3 = _mm1(x, w1t, ei)
    agg1a, agg1b = _segsum_featsplit(y1a, y1b, ei3)
    y2 = _mm2(agg1a, agg1b, b1r, w2t)
    p0, p1 = _segsum_edgesplit(y2, ei3)
    return _bias_relu(p0, p1, b2r)

# --- scband reference (transcript-rebuilt; emitter-appended) ---
"""Pipeline reference for scband-gcn-24300924961481 (READ-ONLY COPY).

The authoritative reference and input builder live on the scoring server;
editing this copy changes nothing except your own understanding.
"""

import jax, jax.numpy as jnp
import numpy as np

N_NODES = 10000
N_EDGES = 160000
IN_FEATS = 256
HIDDEN = 256
NUM_CLASSES = 128


def setup_inputs(seed: int = 0) -> dict:
    key = jax.random.key(seed)
    k1, k2, k3, k4, k5, k6 = jax.random.split(key, 6)
    x = jax.random.normal(k1, (N_NODES, IN_FEATS), dtype=jnp.float32)
    edge_index = jax.random.randint(k2, (2, N_EDGES), 0, N_NODES, dtype=jnp.int64)
    # Linear layer params (torch nn.Linear: y = x @ W.T + b), Kaiming-uniform-ish init
    lim1 = 1.0 / np.sqrt(IN_FEATS)
    W1 = jax.random.uniform(k3, (HIDDEN, IN_FEATS), dtype=jnp.float32, minval=-lim1, maxval=lim1)
    b1 = jax.random.uniform(k4, (HIDDEN,), dtype=jnp.float32, minval=-lim1, maxval=lim1)
    lim2 = 1.0 / np.sqrt(HIDDEN)
    W2 = jax.random.uniform(k5, (NUM_CLASSES, HIDDEN), dtype=jnp.float32, minval=-lim2, maxval=lim2)
    b2 = jax.random.uniform(k6, (NUM_CLASSES,), dtype=jnp.float32, minval=-lim2, maxval=lim2)
    return {"x": x, "edge_index": edge_index, "W1": W1, "b1": b1, "W2": W2, "b2": b2}


def reference(x, edge_index, W1, b1, W2, b2):
    # DGL GCN: update_all(copy_src -> sum over mailbox), then apply Linear+activation per node.
    src = edge_index[0]
    dst = edge_index[1]
    n = x.shape[0]
    # Layer 1: aggregate (scatter-add of src features onto dst), then Linear + relu
    agg1 = jax.ops.segment_sum(x[src], dst, num_segments=n)
    h = jax.nn.relu(agg1 @ W1.T + b1)
    # extra relu between layers (torch.relu in GCN.forward)
    h = jax.nn.relu(h)
    # Layer 2: aggregate again, Linear + relu
    agg2 = jax.ops.segment_sum(h[src], dst, num_segments=n)
    out = jax.nn.relu(agg2 @ W2.T + b2)
    return out

if __name__ == "__main__":
    import jax
    _d = setup_inputs()
    print(jax.jit(kernel)(*tuple(_d.values())))

</pallas_src>

<mosaic_0001>
#map = affine_map<(d0, d1) -> (0, 0)>
#map1 = affine_map<(d0, d1) -> (0, 0, 0)>
module attributes {stable_mosaic.version = 14 : i64} {
  func.func @k(%arg0: i32, %arg1: i32, %arg2: memref<10000x128xf32, #tpu.memory_space<hbm>>, %arg3: memref<10000x128xf32, #tpu.memory_space<hbm>>, %arg4: memref<2x1280x125xi32, #tpu.memory_space<hbm>>, %arg5: memref<10000x128xf32, #tpu.memory_space<hbm>>, %arg6: memref<10000x128xf32, #tpu.memory_space<hbm>>, %arg7: memref<40x125xi32, #tpu.memory_space<vmem>>, %arg8: memref<40x125xi32, #tpu.memory_space<vmem>>, %arg9: memref<125x128xf32, #tpu.memory_space<vmem>>, %arg10: memref<125x128xf32, #tpu.memory_space<vmem>>, %arg11: memref<10240x128xf32, #tpu.memory_space<vmem_shared>>, %arg12: memref<!tpu.dma_semaphore, #tpu.memory_space<semaphore_mem>>, %arg13: memref<!tpu.dma_semaphore, #tpu.memory_space<semaphore_mem>>) attributes {dimension_semantics = [#tpu.dimension_semantics<core_parallel>, #tpu.dimension_semantics<subcore_parallel>], iteration_bounds = array<i64: 2, 16>, scalar_prefetch = 0 : i64, scratch_operands = 7 : i64, tpu.core_type = #tpu.core_type<sc_vector_subcore>, window_params = [{transform_indices = #map}, {transform_indices = #map}, {transform_indices = #map1}, {transform_indices = #map}, {transform_indices = #map}]} {
    %scan3A = arith.constant 0 : i32
    %scan3A_0 = arith.constant 64 : i32
    %scan3A_1 = arith.addi %scan3A, %scan3A_0 : i32
    %scan3A_2 = arith.constant 1 : i32
    scf.for %scan3A_49 = %scan3A to %scan3A_1 step %scan3A_2  : i32 {
      %mul3A_50 = arith.constant 1 : i32
      %mul3A_51 = arith.muli %scan3A_49, %mul3A_50 : i32
      %add3A_52 = arith.constant 0 : i32
      %add3A_53 = arith.addi %add3A_52, %mul3A_51 : i32
      %broadcast_in_dim3A = arith.constant 0.000000e+00 : f32
      %broadcast_in_dim3A_54 = vector.broadcast %broadcast_in_dim3A : f32 to vector<16xf32>
      %swap3A = arith.index_cast %add3A_53 : i32 to index
      %swap3A_55 = arith.constant 0 : index
      %swap3A_56 = tpu.vector_load %arg9[%swap3A, %swap3A_55] {strides = array<i32>} : memref<125x128xf32, #tpu.memory_space<vmem>>, vector<1x16xf32>,
      %swap3A_57 = vector.shape_cast %swap3A_56 : vector<1x16xf32> to vector<16xf32>
      %swap3A_58 = vector.shape_cast %broadcast_in_dim3A_54 : vector<16xf32> to vector<1x16xf32>
      tpu.vector_store %arg9[%swap3A, %swap3A_55], %swap3A_58 {strides = array<i32>} : memref<125x128xf32, #tpu.memory_space<vmem>>, vector<1x16xf32>,
      %broadcast_in_dim3A_59 = arith.constant 0.000000e+00 : f32
      %broadcast_in_dim3A_60 = vector.broadcast %broadcast_in_dim3A_59 : f32 to vector<16xf32>
      %swap3A_61 = arith.index_cast %add3A_53 : i32 to index
      %swap3A_62 = arith.constant 16 : index
      %swap3A_63 = tpu.vector_load %arg9[%swap3A_61, %swap3A_62] {strides = array<i32>} : memref<125x128xf32, #tpu.memory_space<vmem>>, vector<1x16xf32>,
      %swap3A_64 = vector.shape_cast %swap3A_63 : vector<1x16xf32> to vector<16xf32>
      %swap3A_65 = vector.shape_cast %broadcast_in_dim3A_60 : vector<16xf32> to vector<1x16xf32>
      tpu.vector_store %arg9[%swap3A_61, %swap3A_62], %swap3A_65 {strides = array<i32>} : memref<125x128xf32, #tpu.memory_space<vmem>>, vector<1x16xf32>,
      %broadcast_in_dim3A_66 = arith.constant 0.000000e+00 : f32
      %broadcast_in_dim3A_67 = vector.broadcast %broadcast_in_dim3A_66 : f32 to vector<16xf32>
      %swap3A_68 = arith.index_cast %add3A_53 : i32 to index
      %swap3A_69 = arith.constant 32 : index
      %swap3A_70 = tpu.vector_load %arg9[%swap3A_68, %swap3A_69] {strides = array<i32>} : memref<125x128xf32, #tpu.memory_space<vmem>>, vector<1x16xf32>,
      %swap3A_71 = vector.shape_cast %swap3A_70 : vector<1x16xf32> to vector<16xf32>
      %swap3A_72 = vector.shape_cast %broadcast_in_dim3A_67 : vector<16xf32> to vector<1x16xf32>
      tpu.vector_store %arg9[%swap3A_68, %swap3A_69], %swap3A_72 {strides = array<i32>} : memref<125x128xf32, #tpu.memory_space<vmem>>, vector<1x16xf32>,
      %broadcast_in_dim3A_73 = arith.constant 0.000000e+00 : f32
      %broadcast_in_dim3A_74 = vector.broadcast %broadcast_in_dim3A_73 : f32 to vector<16xf32>
      %swap3A_75 = arith.index_cast %add3A_53 : i32 to index
      %swap3A_76 = arith.constant 48 : index
      %swap3A_77 = tpu.vector_load %arg9[%swap3A_75, %swap3A_76] {strides = array<i32>} : memref<125x128xf32, #tpu.memory_space<vmem>>, vector<1x16xf32>,
      %swap3A_78 = vector.shape_cast %swap3A_77 : vector<1x16xf32> to vector<16xf32>
      %swap3A_79 = vector.shape_cast %broadcast_in_dim3A_74 : vector<16xf32> to vector<1x16xf32>
      tpu.vector_store %arg9[%swap3A_75, %swap3A_76], %swap3A_79 {strides = array<i32>} : memref<125x128xf32, #tpu.memory_space<vmem>>, vector<1x16xf32>,
      %broadcast_in_dim3A_80 = arith.constant 0.000000e+00 : f32
      %broadcast_in_dim3A_81 = vector.broadcast %broadcast_in_dim3A_80 : f32 to vector<16xf32>
      %swap3A_82 = arith.index_cast %add3A_53 : i32 to index
      %swap3A_83 = arith.constant 64 : index
      %swap3A_84 = tpu.vector_load %arg9[%swap3A_82, %swap3A_83] {strides = array<i32>} : memref<125x128xf32, #tpu.memory_space<vmem>>, vector<1x16xf32>,
      %swap3A_85 = vector.shape_cast %swap3A_84 : vector<1x16xf32> to vector<16xf32>
      %swap3A_86 = vector.shape_cast %broadcast_in_dim3A_81 : vector<16xf32> to vector<1x16xf32>
      tpu.vector_store %arg9[%swap3A_82, %swap3A_83], %swap3A_86 {strides = array<i32>} : memref<125x128xf32, #tpu.memory_space<vmem>>, vector<1x16xf32>,
      %broadcast_in_dim3A_87 = arith.constant 0.000000e+00 : f32
      %broadcast_in_dim3A_88 = vector.broadcast %broadcast_in_dim3A_87 : f32 to vector<16xf32>
      %swap3A_89 = arith.index_cast %add3A_53 : i32 to index
      %swap3A_90 = arith.constant 80 : index
      %swap3A_91 = tpu.vector_load %arg9[%swap3A_89, %swap3A_90] {strides = array<i32>} : memref<125x128xf32, #tpu.memory_space<vmem>>, vector<1x16xf32>,
      %swap3A_92 = vector.shape_cast %swap3A_91 : vector<1x16xf32> to vector<16xf32>
      %swap3A_93 = vector.shape_cast %broadcast_in_dim3A_88 : vector<16xf32> to vector<1x16xf32>
      tpu.vector_store %arg9[%swap3A_89, %swap3A_90], %swap3A_93 {strides = array<i32>} : memref<125x128xf32, #tpu.memory_space<vmem>>, vector<1x16xf32>,
      %broadcast_in_dim3A_94 = arith.constant 0.000000e+00 : f32
      %broadcast_in_dim3A_95 = vector.broadcast %broadcast_in_dim3A_94 : f32 to vector<16xf32>
      %swap3A_96 = arith.index_cast %add3A_53 : i32 to index
      %swap3A_97 = arith.constant 96 : index
      %swap3A_98 = tpu.vector_load %arg9[%swap3A_96, %swap3A_97] {strides = array<i32>} : memref<125x128xf32, #tpu.memory_space<vmem>>, vector<1x16xf32>,
      %swap3A_99 = vector.shape_cast %swap3A_98 : vector<1x16xf32> to vector<16xf32>
      %swap3A_100 = vector.shape_cast %broadcast_in_dim3A_95 : vector<16xf32> to vector<1x16xf32>
      tpu.vector_store %arg9[%swap3A_96, %swap3A_97], %swap3A_100 {strides = array<i32>} : memref<125x128xf32, #tpu.memory_space<vmem>>, vector<1x16xf32>,
      %broadcast_in_dim3A_101 = arith.constant 0.000000e+00 : f32
      %broadcast_in_dim3A_102 = vector.broadcast %broadcast_in_dim3A_101 : f32 to vector<16xf32>
      %swap3A_103 = arith.index_cast %add3A_53 : i32 to index
      %swap3A_104 = arith.constant 112 : index
      %swap3A_105 = tpu.vector_load %arg9[%swap3A_103, %swap3A_104] {strides = array<i32>} : memref<125x128xf32, #tpu.memory_space<vmem>>, vector<1x16xf32>,
      %swap3A_106 = vector.shape_cast %swap3A_105 : vector<1x16xf32> to vector<16xf32>
      %swap3A_107 = vector.shape_cast %broadcast_in_dim3A_102 : vector<16xf32> to vector<1x16xf32>
      tpu.vector_store %arg9[%swap3A_103, %swap3A_104], %swap3A_107 {strides = array<i32>} : memref<125x128xf32, #tpu.memory_space<vmem>>, vector<1x16xf32>,
    }
    %scan3A_3 = arith.constant 64 : i32
    %mul3A = arith.constant 640 : i32
    %mul3A_4 = arith.muli %arg1, %mul3A : i32
    %add3A = arith.constant 0 : i32
    %add3A_5 = arith.addi %mul3A_4, %add3A : i32
    "tpu.region"() ({
      %run_scoped3A = tpu.sem_alloc : memref<!tpu.dma_semaphore, #tpu.memory_space<semaphore_mem>>
      %dma_start3A = arith.constant 0 : i32
      %dma_start3A_49 = arith.constant 0 : i32
      %dma_start3A_50 = tpu.memref_slice %arg9[%dma_start3A, %dma_start3A_49] : memref<125x128xf32, #tpu.memory_space<vmem>> -> memref<64x128xf32, #tpu.memory_space<vmem>>
      %dma_start3A_51 = arith.constant 0 : i32
      %dma_start3A_52 = tpu.memref_slice %arg11[%add3A_5, %dma_start3A_51] : memref<10240x128xf32, #tpu.memory_space<vmem_shared>> -> memref<64x128xf32, #tpu.memory_space<vmem_shared>>
      %dma_start3A_53 = arith.constant 0 : i32
      %dma_start3A_54 = tpu.memref_slice %arg11[%add3A_5, %dma_start3A_53] : memref<10240x128xf32, #tpu.memory_space<vmem_shared>> -> memref<64x128xf32, #tpu.memory_space<vmem_shared>>
      %dma_start3A_55 = arith.constant 0 : i32
      %dma_start3A_56 = arith.constant 0 : i32
      %dma_start3A_57 = tpu.memref_slice %arg9[%dma_start3A_55, %dma_start3A_56] : memref<125x128xf32, #tpu.memory_space<vmem>> -> memref<64x128xf32, #tpu.memory_space<vmem>>
      tpu.enqueue_dma source(%dma_start3A_57 : memref<64x128xf32, #tpu.memory_space<vmem>>) target(%dma_start3A_54 : memref<64x128xf32, #tpu.memory_space<vmem_shared>>) target_semaphore(%run_scoped3A : memref<!tpu.dma_semaphore, #tpu.memory_space<semaphore_mem>>)
      %dma_wait3A = arith.constant 0 : i32
      %dma_wait3A_58 = arith.constant 0 : i32
      %dma_wait3A_59 = tpu.memref_slice %arg9[%dma_wait3A, %dma_wait3A_58] : memref<125x128xf32, #tpu.memory_space<vmem>> -> memref<64x128xf32, #tpu.memory_space<vmem>>
      %dma_wait3A_60 = arith.constant 0 : i32
      %dma_wait3A_61 = tpu.memref_slice %arg11[%add3A_5, %dma_wait3A_60] : memref<10240x128xf32, #tpu.memory_space<vmem_shared>> -> memref<64x128xf32, #tpu.memory_space<vmem_shared>>
      %dma_wait3A_62 = arith.constant 0 : i32
      %dma_wait3A_63 = tpu.memref_slice %arg11[%add3A_5, %dma_wait3A_62] : memref<10240x128xf32, #tpu.memory_space<vmem_shared>> -> memref<64x128xf32, #tpu.memory_space<vmem_shared>>
      %dma_wait3A_64 = arith.constant 0 : i32
      %dma_wait3A_65 = arith.constant 0 : i32
      %dma_wait3A_66 = tpu.memref_slice %arg9[%dma_wait3A_64, %dma_wait3A_65] : memref<125x128xf32, #tpu.memory_space<vmem>> -> memref<64x128xf32, #tpu.memory_space<vmem>>
      tpu.wait_dma2 semaphore(%run_scoped3A : memref<!tpu.dma_semaphore, #tpu.memory_space<semaphore_mem>>) src(%dma_wait3A_66 : memref<64x128xf32, #tpu.memory_space<vmem>>) dst(%dma_wait3A_63 : memref<64x128xf32, #tpu.memory_space<vmem_shared>>)
      tpu.yield
    }) : () -> ()
    %mul3A_6 = arith.constant 640 : i32
    %mul3A_7 = arith.muli %arg1, %mul3A_6 : i32
    %add3A_8 = arith.constant 64 : i32
    %add3A_9 = arith.addi %mul3A_7, %add3A_8 : i32
    "tpu.region"() ({
      %run_scoped3A = tpu.sem_alloc : memref<!tpu.dma_semaphore, #tpu.memory_space<semaphore_mem>>
      %dma_start3A = arith.constant 0 : i32
      %dma_start3A_49 = arith.constant 0 : i32
      %dma_start3A_50 = tpu.memref_slice %arg9[%dma_start3A, %dma_start3A_49] : memref<125x128xf32, #tpu.memory_space<vmem>> -> memref<64x128xf32, #tpu.memory_space<vmem>>
      %dma_start3A_51 = arith.constant 0 : i32
      %dma_start3A_52 = tpu.memref_slice %arg11[%add3A_9, %dma_start3A_51] : memref<10240x128xf32, #tpu.memory_space<vmem_shared>> -> memref<64x128xf32, #tpu.memory_space<vmem_shared>>
      %dma_start3A_53 = arith.constant 0 : i32
      %dma_start3A_54 = tpu.memref_slice %arg11[%add3A_9, %dma_start3A_53] : memref<10240x128xf32, #tpu.memory_space<vmem_shared>> -> memref<64x128xf32, #tpu.memory_space<vmem_shared>>
      %dma_start3A_55 = arith.constant 0 : i32
      %dma_start3A_56 = arith.constant 0 : i32
      %dma_start3A_57 = tpu.memref_slice %arg9[%dma_start3A_55, %dma_start3A_56] : memref<125x128xf32, #tpu.memory_space<vmem>> -> memref<64x128xf32, #tpu.memory_space<vmem>>
      tpu.enqueue_dma source(%dma_start3A_57 : memref<64x128xf32, #tpu.memory_space<vmem>>) target(%dma_start3A_54 : memref<64x128xf32, #tpu.memory_space<vmem_shared>>) target_semaphore(%run_scoped3A : memref<!tpu.dma_semaphore, #tpu.memory_space<semaphore_mem>>)
      %dma_wait3A = arith.constant 0 : i32
      %dma_wait3A_58 = arith.constant 0 : i32
      %dma_wait3A_59 = tpu.memref_slice %arg9[%dma_wait3A, %dma_wait3A_58] : memref<125x128xf32, #tpu.memory_space<vmem>> -> memref<64x128xf32, #tpu.memory_space<vmem>>
      %dma_wait3A_60 = arith.constant 0 : i32
      %dma_wait3A_61 = tpu.memref_slice %arg11[%add3A_9, %dma_wait3A_60] : memref<10240x128xf32, #tpu.memory_space<vmem_shared>> -> memref<64x128xf32, #tpu.memory_space<vmem_shared>>
      %dma_wait3A_62 = arith.constant 0 : i32
      %dma_wait3A_63 = tpu.memref_slice %arg11[%add3A_9, %dma_wait3A_62] : memref<10240x128xf32, #tpu.memory_space<vmem_shared>> -> memref<64x128xf32, #tpu.memory_space<vmem_shared>>
      %dma_wait3A_64 = arith.constant 0 : i32
      %dma_wait3A_65 = arith.constant 0 : i32
      %dma_wait3A_66 = tpu.memref_slice %arg9[%dma_wait3A_64, %dma_wait3A_65] : memref<125x128xf32, #tpu.memory_space<vmem>> -> memref<64x128xf32, #tpu.memory_space<vmem>>
      tpu.wait_dma2 semaphore(%run_scoped3A : memref<!tpu.dma_semaphore, #tpu.memory_space<semaphore_mem>>) src(%dma_wait3A_66 : memref<64x128xf32, #tpu.memory_space<vmem>>) dst(%dma_wait3A_63 : memref<64x128xf32, #tpu.memory_space<vmem_shared>>)
      tpu.yield
    }) : () -> ()
    %mul3A_10 = arith.constant 640 : i32
    %mul3A_11 = arith.muli %arg1, %mul3A_10 : i32
    %add3A_12 = arith.constant 128 : i32
    %add3A_13 = arith.addi %mul3A_11, %add3A_12 : i32
    "tpu.region"() ({
      %run_scoped3A = tpu.sem_alloc : memref<!tpu.dma_semaphore, #tpu.memory_space<semaphore_mem>>
      %dma_start3A = arith.constant 0 : i32
      %dma_start3A_49 = arith.constant 0 : i32
      %dma_start3A_50 = tpu.memref_slice %arg9[%dma_start3A, %dma_start3A_49] : memref<125x128xf32, #tpu.memory_space<vmem>> -> memref<64x128xf32, #tpu.memory_space<vmem>>
      %dma_start3A_51 = arith.constant 0 : i32
      %dma_start3A_52 = tpu.memref_slice %arg11[%add3A_13, %dma_start3A_51] : memref<10240x128xf32, #tpu.memory_space<vmem_shared>> -> memref<64x128xf32, #tpu.memory_space<vmem_shared>>
      %dma_start3A_53 = arith.constant 0 : i32
      %dma_start3A_54 = tpu.memref_slice %arg11[%add3A_13, %dma_start3A_53] : memref<10240x128xf32, #tpu.memory_space<vmem_shared>> -> memref<64x128xf32, #tpu.memory_space<vmem_shared>>
      %dma_start3A_55 = arith.constant 0 : i32
      %dma_start3A_56 = arith.constant 0 : i32
      %dma_start3A_57 = tpu.memref_slice %arg9[%dma_start3A_55, %dma_start3A_56] : memref<125x128xf32, #tpu.memory_space<vmem>> -> memref<64x128xf32, #tpu.memory_space<vmem>>
      tpu.enqueue_dma source(%dma_start3A_57 : memref<64x128xf32, #tpu.memory_space<vmem>>) target(%dma_start3A_54 : memref<64x128xf32, #tpu.memory_space<vmem_shared>>) target_semaphore(%run_scoped3A : memref<!tpu.dma_semaphore, #tpu.memory_space<semaphore_mem>>)
      %dma_wait3A = arith.constant 0 : i32
      %dma_wait3A_58 = arith.constant 0 : i32
      %dma_wait3A_59 = tpu.memref_slice %arg9[%dma_wait3A, %dma_wait3A_58] : memref<125x128xf32, #tpu.memory_space<vmem>> -> memref<64x128xf32, #tpu.memory_space<vmem>>
      %dma_wait3A_60 = arith.constant 0 : i32
      %dma_wait3A_61 = tpu.memref_slice %arg11[%add3A_13, %dma_wait3A_60] : memref<10240x128xf32, #tpu.memory_space<vmem_shared>> -> memref<64x128xf32, #tpu.memory_space<vmem_shared>>
      %dma_wait3A_62 = arith.constant 0 : i32
      %dma_wait3A_63 = tpu.memref_slice %arg11[%add3A_13, %dma_wait3A_62] : memref<10240x128xf32, #tpu.memory_space<vmem_shared>> -> memref<64x128xf32, #tpu.memory_space<vmem_shared>>
      %dma_wait3A_64 = arith.constant 0 : i32
      %dma_wait3A_65 = arith.constant 0 : i32
      %dma_wait3A_66 = tpu.memref_slice %arg9[%dma_wait3A_64, %dma_wait3A_65] : memref<125x128xf32, #tpu.memory_space<vmem>> -> memref<64x128xf32, #tpu.memory_space<vmem>>
      tpu.wait_dma2 semaphore(%run_scoped3A : memref<!tpu.dma_semaphore, #tpu.memory_space<semaphore_mem>>) src(%dma_wait3A_66 : memref<64x128xf32, #tpu.memory_space<vmem>>) dst(%dma_wait3A_63 : memref<64x128xf32, #tpu.memory_space<vmem_shared>>)
      tpu.yield
    }) : () -> ()
    %mul3A_14 = arith.constant 640 : i32
    %mul3A_15 = arith.muli %arg1, %mul3A_14 : i32
    %add3A_16 = arith.constant 192 : i32
    %add3A_17 = arith.addi %mul3A_15, %add3A_16 : i32
    "tpu.region"() ({
      %run_scoped3A = tpu.sem_alloc : memref<!tpu.dma_semaphore, #tpu.memory_space<semaphore_mem>>
      %dma_start3A = arith.constant 0 : i32
      %dma_start3A_49 = arith.constant 0 : i32
      %dma_start3A_50 = tpu.memref_slice %arg9[%dma_start3A, %dma_start3A_49] : memref<125x128xf32, #tpu.memory_space<vmem>> -> memref<64x128xf32, #tpu.memory_space<vmem>>
      %dma_start3A_51 = arith.constant 0 : i32
      %dma_start3A_52 = tpu.memref_slice %arg11[%add3A_17, %dma_start3A_51] : memref<10240x128xf32, #tpu.memory_space<vmem_shared>> -> memref<64x128xf32, #tpu.memory_space<vmem_shared>>
      %dma_start3A_53 = arith.constant 0 : i32
      %dma_start3A_54 = tpu.memref_slice %arg11[%add3A_17, %dma_start3A_53] : memref<10240x128xf32, #tpu.memory_space<vmem_shared>> -> memref<64x128xf32, #tpu.memory_space<vmem_shared>>
      %dma_start3A_55 = arith.constant 0 : i32
      %dma_start3A_56 = arith.constant 0 : i32
      %dma_start3A_57 = tpu.memref_slice %arg9[%dma_start3A_55, %dma_start3A_56] : memref<125x128xf32, #tpu.memory_space<vmem>> -> memref<64x128xf32, #tpu.memory_space<vmem>>
      tpu.enqueue_dma source(%dma_start3A_57 : memref<64x128xf32, #tpu.memory_space<vmem>>) target(%dma_start3A_54 : memref<64x128xf32, #tpu.memory_space<vmem_shared>>) target_semaphore(%run_scoped3A : memref<!tpu.dma_semaphore, #tpu.memory_space<semaphore_mem>>)
      %dma_wait3A = arith.constant 0 : i32
      %dma_wait3A_58 = arith.constant 0 : i32
      %dma_wait3A_59 = tpu.memref_slice %arg9[%dma_wait3A, %dma_wait3A_58] : memref<125x128xf32, #tpu.memory_space<vmem>> -> memref<64x128xf32, #tpu.memory_space<vmem>>
      %dma_wait3A_60 = arith.constant 0 : i32
      %dma_wait3A_61 = tpu.memref_slice %arg11[%add3A_17, %dma_wait3A_60] : memref<10240x128xf32, #tpu.memory_space<vmem_shared>> -> memref<64x128xf32, #tpu.memory_space<vmem_shared>>
      %dma_wait3A_62 = arith.constant 0 : i32
      %dma_wait3A_63 = tpu.memref_slice %arg11[%add3A_17, %dma_wait3A_62] : memref<10240x128xf32, #tpu.memory_space<vmem_shared>> -> memref<64x128xf32, #tpu.memory_space<vmem_shared>>
      %dma_wait3A_64 = arith.constant 0 : i32
      %dma_wait3A_65 = arith.constant 0 : i32
      %dma_wait3A_66 = tpu.memref_slice %arg9[%dma_wait3A_64, %dma_wait3A_65] : memref<125x128xf32, #tpu.memory_space<vmem>> -> memref<64x128xf32, #tpu.memory_space<vmem>>
      tpu.wait_dma2 semaphore(%run_scoped3A : memref<!tpu.dma_semaphore, #tpu.memory_space<semaphore_mem>>) src(%dma_wait3A_66 : memref<64x128xf32, #tpu.memory_space<vmem>>) dst(%dma_wait3A_63 : memref<64x128xf32, #tpu.memory_space<vmem_shared>>)
      tpu.yield
    }) : () -> ()
    %mul3A_18 = arith.constant 640 : i32
    %mul3A_19 = arith.muli %arg1, %mul3A_18 : i32
    %add3A_20 = arith.constant 256 : i32
    %add3A_21 = arith.addi %mul3A_19, %add3A_20 : i32
    "tpu.region"() ({
      %run_scoped3A = tpu.sem_alloc : memref<!tpu.dma_semaphore, #tpu.memory_space<semaphore_mem>>
      %dma_start3A = arith.constant 0 : i32
      %dma_start3A_49 = arith.constant 0 : i32
      %dma_start3A_50 = tpu.memref_slice %arg9[%dma_start3A, %dma_start3A_49] : memref<125x128xf32, #tpu.memory_space<vmem>> -> memref<64x128xf32, #tpu.memory_space<vmem>>
      %dma_start3A_51 = arith.constant 0 : i32
      %dma_start3A_52 = tpu.memref_slice %arg11[%add3A_21, %dma_start3A_51] : memref<10240x128xf32, #tpu.memory_space<vmem_shared>> -> memref<64x128xf32, #tpu.memory_space<vmem_shared>>
      %dma_start3A_53 = arith.constant 0 : i32
      %dma_start3A_54 = tpu.memref_slice %arg11[%add3A_21, %dma_start3A_53] : memref<10240x128xf32, #tpu.memory_space<vmem_shared>> -> memref<64x128xf32, #tpu.memory_space<vmem_shared>>
      %dma_start3A_55 = arith.constant 0 : i32
      %dma_start3A_56 = arith.constant 0 : i32
      %dma_start3A_57 = tpu.memref_slice %arg9[%dma_start3A_55, %dma_start3A_56] : memref<125x128xf32, #tpu.memory_space<vmem>> -> memref<64x128xf32, #tpu.memory_space<vmem>>
      tpu.enqueue_dma source(%dma_start3A_57 : memref<64x128xf32, #tpu.memory_space<vmem>>) target(%dma_start3A_54 : memref<64x128xf32, #tpu.memory_space<vmem_shared>>) target_semaphore(%run_scoped3A : memref<!tpu.dma_semaphore, #tpu.memory_space<semaphore_mem>>)
      %dma_wait3A = arith.constant 0 : i32
      %dma_wait3A_58 = arith.constant 0 : i32
      %dma_wait3A_59 = tpu.memref_slice %arg9[%dma_wait3A, %dma_wait3A_58] : memref<125x128xf32, #tpu.memory_space<vmem>> -> memref<64x128xf32, #tpu.memory_space<vmem>>
      %dma_wait3A_60 = arith.constant 0 : i32
      %dma_wait3A_61 = tpu.memref_slice %arg11[%add3A_21, %dma_wait3A_60] : memref<10240x128xf32, #tpu.memory_space<vmem_shared>> -> memref<64x128xf32, #tpu.memory_space<vmem_shared>>
      %dma_wait3A_62 = arith.constant 0 : i32
      %dma_wait3A_63 = tpu.memref_slice %arg11[%add3A_21, %dma_wait3A_62] : memref<10240x128xf32, #tpu.memory_space<vmem_shared>> -> memref<64x128xf32, #tpu.memory_space<vmem_shared>>
      %dma_wait3A_64 = arith.constant 0 : i32
      %dma_wait3A_65 = arith.constant 0 : i32
      %dma_wait3A_66 = tpu.memref_slice %arg9[%dma_wait3A_64, %dma_wait3A_65] : memref<125x128xf32, #tpu.memory_space<vmem>> -> memref<64x128xf32, #tpu.memory_space<vmem>>
      tpu.wait_dma2 semaphore(%run_scoped3A : memref<!tpu.dma_semaphore, #tpu.memory_space<semaphore_mem>>) src(%dma_wait3A_66 : memref<64x128xf32, #tpu.memory_space<vmem>>) dst(%dma_wait3A_63 : memref<64x128xf32, #tpu.memory_space<vmem_shared>>)
      tpu.yield
    }) : () -> ()
    %mul3A_22 = arith.constant 640 : i32
    %mul3A_23 = arith.muli %arg1, %mul3A_22 : i32
    %add3A_24 = arith.constant 320 : i32
    %add3A_25 = arith.addi %mul3A_23, %add3A_24 : i32
    "tpu.region"() ({
      %run_scoped3A = tpu.sem_alloc : memref<!tpu.dma_semaphore, #tpu.memory_space<semaphore_mem>>
      %dma_start3A = arith.constant 0 : i32
      %dma_start3A_49 = arith.constant 0 : i32
      %dma_start3A_50 = tpu.memref_slice %arg9[%dma_start3A, %dma_start3A_49] : memref<125x128xf32, #tpu.memory_space<vmem>> -> memref<64x128xf32, #tpu.memory_space<vmem>>
      %dma_start3A_51 = arith.constant 0 : i32
      %dma_start3A_52 = tpu.memref_slice %arg11[%add3A_25, %dma_start3A_51] : memref<10240x128xf32, #tpu.memory_space<vmem_shared>> -> memref<64x128xf32, #tpu.memory_space<vmem_shared>>
      %dma_start3A_53 = arith.constant 0 : i32
      %dma_start3A_54 = tpu.memref_slice %arg11[%add3A_25, %dma_start3A_53] : memref<10240x128xf32, #tpu.memory_space<vmem_shared>> -> memref<64x128xf32, #tpu.memory_space<vmem_shared>>
      %dma_start3A_55 = arith.constant 0 : i32
      %dma_start3A_56 = arith.constant 0 : i32
      %dma_start3A_57 = tpu.memref_slice %arg9[%dma_start3A_55, %dma_start3A_56] : memref<125x128xf32, #tpu.memory_space<vmem>> -> memref<64x128xf32, #tpu.memory_space<vmem>>
      tpu.enqueue_dma source(%dma_start3A_57 : memref<64x128xf32, #tpu.memory_space<vmem>>) target(%dma_start3A_54 : memref<64x128xf32, #tpu.memory_space<vmem_shared>>) target_semaphore(%run_scoped3A : memref<!tpu.dma_semaphore, #tpu.memory_space<semaphore_mem>>)
      %dma_wait3A = arith.constant 0 : i32
      %dma_wait3A_58 = arith.constant 0 : i32
      %dma_wait3A_59 = tpu.memref_slice %arg9[%dma_wait3A, %dma_wait3A_58] : memref<125x128xf32, #tpu.memory_space<vmem>> -> memref<64x128xf32, #tpu.memory_space<vmem>>
      %dma_wait3A_60 = arith.constant 0 : i32
      %dma_wait3A_61 = tpu.memref_slice %arg11[%add3A_25, %dma_wait3A_60] : memref<10240x128xf32, #tpu.memory_space<vmem_shared>> -> memref<64x128xf32, #tpu.memory_space<vmem_shared>>
      %dma_wait3A_62 = arith.constant 0 : i32
      %dma_wait3A_63 = tpu.memref_slice %arg11[%add3A_25, %dma_wait3A_62] : memref<10240x128xf32, #tpu.memory_space<vmem_shared>> -> memref<64x128xf32, #tpu.memory_space<vmem_shared>>
      %dma_wait3A_64 = arith.constant 0 : i32
      %dma_wait3A_65 = arith.constant 0 : i32
      %dma_wait3A_66 = tpu.memref_slice %arg9[%dma_wait3A_64, %dma_wait3A_65] : memref<125x128xf32, #tpu.memory_space<vmem>> -> memref<64x128xf32, #tpu.memory_space<vmem>>
      tpu.wait_dma2 semaphore(%run_scoped3A : memref<!tpu.dma_semaphore, #tpu.memory_space<semaphore_mem>>) src(%dma_wait3A_66 : memref<64x128xf32, #tpu.memory_space<vmem>>) dst(%dma_wait3A_63 : memref<64x128xf32, #tpu.memory_space<vmem_shared>>)
      tpu.yield
    }) : () -> ()
    %mul3A_26 = arith.constant 640 : i32
    %mul3A_27 = arith.muli %arg1, %mul3A_26 : i32
    %add3A_28 = arith.constant 384 : i32
    %add3A_29 = arith.addi %mul3A_27, %add3A_28 : i32
    "tpu.region"() ({
      %run_scoped3A = tpu.sem_alloc : memref<!tpu.dma_semaphore, #tpu.memory_space<semaphore_mem>>
      %dma_start3A = arith.constant 0 : i32
      %dma_start3A_49 = arith.constant 0 : i32
      %dma_start3A_50 = tpu.memref_slice %arg9[%dma_start3A, %dma_start3A_49] : memref<125x128xf32, #tpu.memory_space<vmem>> -> memref<64x128xf32, #tpu.memory_space<vmem>>
      %dma_start3A_51 = arith.constant 0 : i32
      %dma_start3A_52 = tpu.memref_slice %arg11[%add3A_29, %dma_start3A_51] : memref<10240x128xf32, #tpu.memory_space<vmem_shared>> -> memref<64x128xf32, #tpu.memory_space<vmem_shared>>
      %dma_start3A_53 = arith.constant 0 : i32
      %dma_start3A_54 = tpu.memref_slice %arg11[%add3A_29, %dma_start3A_53] : memref<10240x128xf32, #tpu.memory_space<vmem_shared>> -> memref<64x128xf32, #tpu.memory_space<vmem_shared>>
      %dma_start3A_55 = arith.constant 0 : i32
      %dma_start3A_56 = arith.constant 0 : i32
      %dma_start3A_57 = tpu.memref_slice %arg9[%dma_start3A_55, %dma_start3A_56] : memref<125x128xf32, #tpu.memory_space<vmem>> -> memref<64x128xf32, #tpu.memory_space<vmem>>
      tpu.enqueue_dma source(%dma_start3A_57 : memref<64x128xf32, #tpu.memory_space<vmem>>) target(%dma_start3A_54 : memref<64x128xf32, #tpu.memory_space<vmem_shared>>) target_semaphore(%run_scoped3A : memref<!tpu.dma_semaphore, #tpu.memory_space<semaphore_mem>>)
      %dma_wait3A = arith.constant 0 : i32
      %dma_wait3A_58 = arith.constant 0 : i32
      %dma_wait3A_59 = tpu.memref_slice %arg9[%dma_wait3A, %dma_wait3A_58] : memref<125x128xf32, #tpu.memory_space<vmem>> -> memref<64x128xf32, #tpu.memory_space<vmem>>
      %dma_wait3A_60 = arith.constant 0 : i32
      %dma_wait3A_61 = tpu.memref_slice %arg11[%add3A_29, %dma_wait3A_60] : memref<10240x128xf32, #tpu.memory_space<vmem_shared>> -> memref<64x128xf32, #tpu.memory_space<vmem_shared>>
      %dma_wait3A_62 = arith.constant 0 : i32
      %dma_wait3A_63 = tpu.memref_slice %arg11[%add3A_29, %dma_wait3A_62] : memref<10240x128xf32, #tpu.memory_space<vmem_shared>> -> memref<64x128xf32, #tpu.memory_space<vmem_shared>>
      %dma_wait3A_64 = arith.constant 0 : i32
      %dma_wait3A_65 = arith.constant 0 : i32
      %dma_wait3A_66 = tpu.memref_slice %arg9[%dma_wait3A_64, %dma_wait3A_65] : memref<125x128xf32, #tpu.memory_space<vmem>> -> memref<64x128xf32, #tpu.memory_space<vmem>>
      tpu.wait_dma2 semaphore(%run_scoped3A : memref<!tpu.dma_semaphore, #tpu.memory_space<semaphore_mem>>) src(%dma_wait3A_66 : memref<64x128xf32, #tpu.memory_space<vmem>>) dst(%dma_wait3A_63 : memref<64x128xf32, #tpu.memory_space<vmem_shared>>)
      tpu.yield
    }) : () -> ()
    %mul3A_30 = arith.constant 640 : i32
    %mul3A_31 = arith.muli %arg1, %mul3A_30 : i32
    %add3A_32 = arith.constant 448 : i32
    %add3A_33 = arith.addi %mul3A_31, %add3A_32 : i32
    "tpu.region"() ({
      %run_scoped3A = tpu.sem_alloc : memref<!tpu.dma_semaphore, #tpu.memory_space<semaphore_mem>>
      %dma_start3A = arith.constant 0 : i32
      %dma_start3A_49 = arith.constant 0 : i32
      %dma_start3A_50 = tpu.memref_slice %arg9[%dma_start3A, %dma_start3A_49] : memref<125x128xf32, #tpu.memory_space<vmem>> -> memref<64x128xf32, #tpu.memory_space<vmem>>
      %dma_start3A_51 = arith.constant 0 : i32
      %dma_start3A_52 = tpu.memref_slice %arg11[%add3A_33, %dma_start3A_51] : memref<10240x128xf32, #tpu.memory_space<vmem_shared>> -> memref<64x128xf32, #tpu.memory_space<vmem_shared>>
      %dma_start3A_53 = arith.constant 0 : i32
      %dma_start3A_54 = tpu.memref_slice %arg11[%add3A_33, %dma_start3A_53] : memref<10240x128xf32, #tpu.memory_space<vmem_shared>> -> memref<64x128xf32, #tpu.memory_space<vmem_shared>>
      %dma_start3A_55 = arith.constant 0 : i32
      %dma_start3A_56 = arith.constant 0 : i32
      %dma_start3A_57 = tpu.memref_slice %arg9[%dma_start3A_55, %dma_start3A_56] : memref<125x128xf32, #tpu.memory_space<vmem>> -> memref<64x128xf32, #tpu.memory_space<vmem>>
      tpu.enqueue_dma source(%dma_start3A_57 : memref<64x128xf32, #tpu.memory_space<vmem>>) target(%dma_start3A_54 : memref<64x128xf32, #tpu.memory_space<vmem_shared>>) target_semaphore(%run_scoped3A : memref<!tpu.dma_semaphore, #tpu.memory_space<semaphore_mem>>)
      %dma_wait3A = arith.constant 0 : i32
      %dma_wait3A_58 = arith.constant 0 : i32
      %dma_wait3A_59 = tpu.memref_slice %arg9[%dma_wait3A, %dma_wait3A_58] : memref<125x128xf32, #tpu.memory_space<vmem>> -> memref<64x128xf32, #tpu.memory_space<vmem>>
      %dma_wait3A_60 = arith.constant 0 : i32
      %dma_wait3A_61 = tpu.memref_slice %arg11[%add3A_33, %dma_wait3A_60] : memref<10240x128xf32, #tpu.memory_space<vmem_shared>> -> memref<64x128xf32, #tpu.memory_space<vmem_shared>>
      %dma_wait3A_62 = arith.constant 0 : i32
      %dma_wait3A_63 = tpu.memref_slice %arg11[%add3A_33, %dma_wait3A_62] : memref<10240x128xf32, #tpu.memory_space<vmem_shared>> -> memref<64x128xf32, #tpu.memory_space<vmem_shared>>
      %dma_wait3A_64 = arith.constant 0 : i32
      %dma_wait3A_65 = arith.constant 0 : i32
      %dma_wait3A_66 = tpu.memref_slice %arg9[%dma_wait3A_64, %dma_wait3A_65] : memref<125x128xf32, #tpu.memory_space<vmem>> -> memref<64x128xf32, #tpu.memory_space<vmem>>
      tpu.wait_dma2 semaphore(%run_scoped3A : memref<!tpu.dma_semaphore, #tpu.memory_space<semaphore_mem>>) src(%dma_wait3A_66 : memref<64x128xf32, #tpu.memory_space<vmem>>) dst(%dma_wait3A_63 : memref<64x128xf32, #tpu.memory_space<vmem_shared>>)
      tpu.yield
    }) : () -> ()
    %mul3A_34 = arith.constant 640 : i32
    %mul3A_35 = arith.muli %arg1, %mul3A_34 : i32
    %add3A_36 = arith.constant 512 : i32
    %add3A_37 = arith.addi %mul3A_35, %add3A_36 : i32
    "tpu.region"() ({
      %run_scoped3A = tpu.sem_alloc : memref<!tpu.dma_semaphore, #tpu.memory_space<semaphore_mem>>
      %dma_start3A = arith.constant 0 : i32
      %dma_start3A_49 = arith.constant 0 : i32
      %dma_start3A_50 = tpu.memref_slice %arg9[%dma_start3A, %dma_start3A_49] : memref<125x128xf32, #tpu.memory_space<vmem>> -> memref<64x128xf32, #tpu.memory_space<vmem>>
      %dma_start3A_51 = arith.constant 0 : i32
      %dma_start3A_52 = tpu.memref_slice %arg11[%add3A_37, %dma_start3A_51] : memref<10240x128xf32, #tpu.memory_space<vmem_shared>> -> memref<64x128xf32, #tpu.memory_space<vmem_shared>>
      %dma_start3A_53 = arith.constant 0 : i32
      %dma_start3A_54 = tpu.memref_slice %arg11[%add3A_37, %dma_start3A_53] : memref<10240x128xf32, #tpu.memory_space<vmem_shared>> -> memref<64x128xf32, #tpu.memory_space<vmem_shared>>
      %dma_start3A_55 = arith.constant 0 : i32
      %dma_start3A_56 = arith.constant 0 : i32
      %dma_start3A_57 = tpu.memref_slice %arg9[%dma_start3A_55, %dma_start3A_56] : memref<125x128xf32, #tpu.memory_space<vmem>> -> memref<64x128xf32, #tpu.memory_space<vmem>>
      tpu.enqueue_dma source(%dma_start3A_57 : memref<64x128xf32, #tpu.memory_space<vmem>>) target(%dma_start3A_54 : memref<64x128xf32, #tpu.memory_space<vmem_shared>>) target_semaphore(%run_scoped3A : memref<!tpu.dma_semaphore, #tpu.memory_space<semaphore_mem>>)
      %dma_wait3A = arith.constant 0 : i32
      %dma_wait3A_58 = arith.constant 0 : i32
      %dma_wait3A_59 = tpu.memref_slice %arg9[%dma_wait3A, %dma_wait3A_58] : memref<125x128xf32, #tpu.memory_space<vmem>> -> memref<64x128xf32, #tpu.memory_space<vmem>>
      %dma_wait3A_60 = arith.constant 0 : i32
      %dma_wait3A_61 = tpu.memref_slice %arg11[%add3A_37, %dma_wait3A_60] : memref<10240x128xf32, #tpu.memory_space<vmem_shared>> -> memref<64x128xf32, #tpu.memory_space<vmem_shared>>
      %dma_wait3A_62 = arith.constant 0 : i32
      %dma_wait3A_63 = tpu.memref_slice %arg11[%add3A_37, %dma_wait3A_62] : memref<10240x128xf32, #tpu.memory_space<vmem_shared>> -> memref<64x128xf32, #tpu.memory_space<vmem_shared>>
      %dma_wait3A_64 = arith.constant 0 : i32
      %dma_wait3A_65 = arith.constant 0 : i32
      %dma_wait3A_66 = tpu.memref_slice %arg9[%dma_wait3A_64, %dma_wait3A_65] : memref<125x128xf32, #tpu.memory_space<vmem>> -> memref<64x128xf32, #tpu.memory_space<vmem>>
      tpu.wait_dma2 semaphore(%run_scoped3A : memref<!tpu.dma_semaphore, #tpu.memory_space<semaphore_mem>>) src(%dma_wait3A_66 : memref<64x128xf32, #tpu.memory_space<vmem>>) dst(%dma_wait3A_63 : memref<64x128xf32, #tpu.memory_space<vmem_shared>>)
      tpu.yield
    }) : () -> ()
    %mul3A_38 = arith.constant 640 : i32
    %mul3A_39 = arith.muli %arg1, %mul3A_38 : i32
    %add3A_40 = arith.constant 576 : i32
    %add3A_41 = arith.addi %mul3A_39, %add3A_40 : i32
    "tpu.region"() ({
      %run_scoped3A = tpu.sem_alloc : memref<!tpu.dma_semaphore, #tpu.memory_space<semaphore_mem>>
      %dma_start3A = arith.constant 0 : i32
      %dma_start3A_49 = arith.constant 0 : i32
      %dma_start3A_50 = tpu.memref_slice %arg9[%dma_start3A, %dma_start3A_49] : memref<125x128xf32, #tpu.memory_space<vmem>> -> memref<64x128xf32, #tpu.memory_space<vmem>>
      %dma_start3A_51 = arith.constant 0 : i32
      %dma_start3A_52 = tpu.memref_slice %arg11[%add3A_41, %dma_start3A_51] : memref<10240x128xf32, #tpu.memory_space<vmem_shared>> -> memref<64x128xf32, #tpu.memory_space<vmem_shared>>
      %dma_start3A_53 = arith.constant 0 : i32
      %dma_start3A_54 = tpu.memref_slice %arg11[%add3A_41, %dma_start3A_53] : memref<10240x128xf32, #tpu.memory_space<vmem_shared>> -> memref<64x128xf32, #tpu.memory_space<vmem_shared>>
      %dma_start3A_55 = arith.constant 0 : i32
      %dma_start3A_56 = arith.constant 0 : i32
      %dma_start3A_57 = tpu.memref_slice %arg9[%dma_start3A_55, %dma_start3A_56] : memref<125x128xf32, #tpu.memory_space<vmem>> -> memref<64x128xf32, #tpu.memory_space<vmem>>
      tpu.enqueue_dma source(%dma_start3A_57 : memref<64x128xf32, #tpu.memory_space<vmem>>) target(%dma_start3A_54 : memref<64x128xf32, #tpu.memory_space<vmem_shared>>) target_semaphore(%run_scoped3A : memref<!tpu.dma_semaphore, #tpu.memory_space<semaphore_mem>>)
      %dma_wait3A = arith.constant 0 : i32
      %dma_wait3A_58 = arith.constant 0 : i32
      %dma_wait3A_59 = tpu.memref_slice %arg9[%dma_wait3A, %dma_wait3A_58] : memref<125x128xf32, #tpu.memory_space<vmem>> -> memref<64x128xf32, #tpu.memory_space<vmem>>
      %dma_wait3A_60 = arith.constant 0 : i32
      %dma_wait3A_61 = tpu.memref_slice %arg11[%add3A_41, %dma_wait3A_60] : memref<10240x128xf32, #tpu.memory_space<vmem_shared>> -> memref<64x128xf32, #tpu.memory_space<vmem_shared>>
      %dma_wait3A_62 = arith.constant 0 : i32
      %dma_wait3A_63 = tpu.memref_slice %arg11[%add3A_41, %dma_wait3A_62] : memref<10240x128xf32, #tpu.memory_space<vmem_shared>> -> memref<64x128xf32, #tpu.memory_space<vmem_shared>>
      %dma_wait3A_64 = arith.constant 0 : i32
      %dma_wait3A_65 = arith.constant 0 : i32
      %dma_wait3A_66 = tpu.memref_slice %arg9[%dma_wait3A_64, %dma_wait3A_65] : memref<125x128xf32, #tpu.memory_space<vmem>> -> memref<64x128xf32, #tpu.memory_space<vmem>>
      tpu.wait_dma2 semaphore(%run_scoped3A : memref<!tpu.dma_semaphore, #tpu.memory_space<semaphore_mem>>) src(%dma_wait3A_66 : memref<64x128xf32, #tpu.memory_space<vmem>>) dst(%dma_wait3A_63 : memref<64x128xf32, #tpu.memory_space<vmem_shared>>)
      tpu.yield
    }) : () -> ()
    %barrier3A = arith.constant 0 : index
    tpu.barrier barrier_id(%barrier3A)
    %eq3A = arith.constant 0 : i32
    %eq3A_42 = arith.cmpi eq, %arg0, %eq3A : i32
    %convert_element_type3A = arith.extui %eq3A_42 : i1 to i32
    %cond3A = arith.constant 0 : i32
    %cond3A_43 = arith.cmpi ne, %convert_element_type3A, %cond3A : i32
    scf.if %cond3A_43 {
      %mul3A_49 = arith.constant 80 : i32
      %mul3A_50 = arith.muli %arg1, %mul3A_49 : i32
      %add3A_51 = arith.constant 0 : i32
      %add3A_52 = arith.addi %mul3A_50, %add3A_51 : i32
      %run_scoped3A = arith.constant 0 : i32
      "tpu.region"() ({
        %run_scoped3A_140 = tpu.sem_alloc : memref<!tpu.dma_semaphore, #tpu.memory_space<semaphore_mem>>
        %dma_start3A_141 = arith.constant 0 : i32
        %dma_start3A_142 = tpu.memref_slice %arg4[%run_scoped3A, %add3A_52, %dma_start3A_141] : memref<2x1280x125xi32, #tpu.memory_space<hbm>> -> memref<1x40x125xi32, #tpu.memory_space<hbm>>
        %dma_start3A_143 = tpu.memref_squeeze %dma_start3A_142 : memref<1x40x125xi32, #tpu.memory_space<hbm>> -> memref<40x125xi32, #tpu.memory_space<hbm>>
        %dma_start3A_144 = arith.constant 0 : i32
        %dma_start3A_145 = tpu.memref_slice %arg4[%run_scoped3A, %add3A_52, %dma_start3A_144] : memref<2x1280x125xi32, #tpu.memory_space<hbm>> -> memref<1x40x125xi32, #tpu.memory_space<hbm>>
        %dma_start3A_146 = tpu.memref_squeeze %dma_start3A_145 : memref<1x40x125xi32, #tpu.memory_space<hbm>> -> memref<40x125xi32, #tpu.memory_space<hbm>>
        tpu.enqueue_dma source(%dma_start3A_146 : memref<40x125xi32, #tpu.memory_space<hbm>>) target(%arg7 : memref<40x125xi32, #tpu.memory_space<vmem>>) target_semaphore(%run_scoped3A_140 : memref<!tpu.dma_semaphore, #tpu.memory_space<semaphore_mem>>)
        %dma_wait3A_147 = arith.constant 0 : i32
        %dma_wait3A_148 = tpu.memref_slice %arg4[%run_scoped3A, %add3A_52, %dma_wait3A_147] : memref<2x1280x125xi32, #tpu.memory_space<hbm>> -> memref<1x40x125xi32, #tpu.memory_space<hbm>>
        %dma_wait3A_149 = tpu.memref_squeeze %dma_wait3A_148 : memref<1x40x125xi32, #tpu.memory_space<hbm>> -> memref<40x125xi32, #tpu.memory_space<hbm>>
        %dma_wait3A_150 = arith.constant 0 : i32
        %dma_wait3A_151 = tpu.memref_slice %arg4[%run_scoped3A, %add3A_52, %dma_wait3A_150] : memref<2x1280x125xi32, #tpu.memory_space<hbm>> -> memref<1x40x125xi32, #tpu.memory_space<hbm>>
        %dma_wait3A_152 = tpu.memref_squeeze %dma_wait3A_151 : memref<1x40x125xi32, #tpu.memory_space<hbm>> -> memref<40x125xi32, #tpu.memory_space<hbm>>
        tpu.wait_dma2 semaphore(%run_scoped3A_140 : memref<!tpu.dma_semaphore, #tpu.memory_space<semaphore_mem>>) src(%dma_wait3A_152 : memref<40x125xi32, #tpu.memory_space<hbm>>) dst(%arg7 : memref<40x125xi32, #tpu.memory_space<vmem>>)
        tpu.yield
      }) : () -> ()
      %add3A_53 = arith.constant 0 : i32
      %add3A_54 = arith.addi %mul3A_50, %add3A_53 : i32
      %run_scoped3A_55 = arith.constant 1 : i32
      "tpu.region"() ({
        %run_scoped3A_140 = tpu.sem_alloc : memref<!tpu.dma_semaphore, #tpu.memory_space<semaphore_mem>>
        %dma_start3A_141 = arith.constant 0 : i32
        %dma_start3A_142 = tpu.memref_slice %arg4[%run_scoped3A_55, %add3A_54, %dma_start3A_141] : memref<2x1280x125xi32, #tpu.memory_space<hbm>> -> memref<1x40x125xi32, #tpu.memory_space<hbm>>
        %dma_start3A_143 = tpu.memref_squeeze %dma_start3A_142 : memref<1x40x125xi32, #tpu.memory_space<hbm>> -> memref<40x125xi32, #tpu.memory_space<hbm>>
        %dma_start3A_144 = arith.constant 0 : i32
        %dma_start3A_145 = tpu.memref_slice %arg4[%run_scoped3A_55, %add3A_54, %dma_start3A_144] : memref<2x1280x125xi32, #tpu.memory_space<hbm>> -> memref<1x40x125xi32, #tpu.memory_space<hbm>>
        %dma_start3A_146 = tpu.memref_squeeze %dma_start3A_145 : memref<1x40x125xi32, #tpu.memory_space<hbm>> -> memref<40x125xi32, #tpu.memory_space<hbm>>
        tpu.enqueue_dma source(%dma_start3A_146 : memref<40x125xi32, #tpu.memory_space<hbm>>) target(%arg8 : memref<40x125xi32, #tpu.memory_space<vmem>>) target_semaphore(%run_scoped3A_140 : memref<!tpu.dma_semaphore, #tpu.memory_space<semaphore_mem>>)
        %dma_wait3A_147 = arith.constant 0 : i32
        %dma_wait3A_148 = tpu.memref_slice %arg4[%run_scoped3A_55, %add3A_54, %dma_wait3A_147] : memref<2x1280x125xi32, #tpu.memory_space<hbm>> -> memref<1x40x125xi32, #tpu.memory_space<hbm>>
        %dma_wait3A_149 = tpu.memref_squeeze %dma_wait3A_148 : memref<1x40x125xi32, #tpu.memory_space<hbm>> -> memref<40x125xi32, #tpu.memory_space<hbm>>
        %dma_wait3A_150 = arith.constant 0 : i32
        %dma_wait3A_151 = tpu.memref_slice %arg4[%run_scoped3A_55, %add3A_54, %dma_wait3A_150] : memref<2x1280x125xi32, #tpu.memory_space<hbm>> -> memref<1x40x125xi32, #tpu.memory_space<hbm>>
        %dma_wait3A_152 = tpu.memref_squeeze %dma_wait3A_151 : memref<1x40x125xi32, #tpu.memory_space<hbm>> -> memref<40x125xi32, #tpu.memory_space<hbm>>
        tpu.wait_dma2 semaphore(%run_scoped3A_140 : memref<!tpu.dma_semaphore, #tpu.memory_space<semaphore_mem>>) src(%dma_wait3A_152 : memref<40x125xi32, #tpu.memory_space<hbm>>) dst(%arg8 : memref<40x125xi32, #tpu.memory_space<vmem>>)
        tpu.yield
      }) : () -> ()
      %dma_start3A = arith.constant 0 : i32
      %dma_start3A_56 = arith.constant 0 : i32
      %dma_start3A_57 = tpu.memref_slice %arg7[%dma_start3A, %dma_start3A_56] : memref<40x125xi32, #tpu.memory_space<vmem>> -> memref<1x125xi32, #tpu.memory_space<vmem>>
      %dma_start3A_58 = tpu.memref_squeeze %dma_start3A_57 : memref<1x125xi32, #tpu.memory_space<vmem>> -> memref<125xi32, #tpu.memory_space<vmem>>
      %dma_start3A_59 = arith.constant 0 : i32
      %dma_start3A_60 = arith.constant 0 : i32
      %dma_start3A_61 = tpu.memref_slice %arg2[%dma_start3A_59, %dma_start3A_60] : memref<10000x128xf32, #tpu.memory_space<hbm>> -> memref<10000x128xf32, #tpu.memory_space<hbm>>
      tpu.enqueue_indirect_dma source(%dma_start3A_61 : memref<10000x128xf32, #tpu.memory_space<hbm>>) target(%arg9 : memref<125x128xf32, #tpu.memory_space<vmem>>) offsets(%dma_start3A_58 : memref<125xi32, #tpu.memory_space<vmem>>) semaphore(%arg12 : memref<!tpu.dma_semaphore, #tpu.memory_space<semaphore_mem>>)
      %scan3A_62 = arith.constant 0 : i32
      %scan3A_63 = arith.constant 19 : i32
      %scan3A_64 = arith.addi %scan3A_62, %scan3A_63 : i32
      %scan3A_65 = arith.constant 1 : i32
      scf.for %scan3A_140 = %scan3A_62 to %scan3A_64 step %scan3A_65  : i32 {
        %mul3A_141 = arith.constant 1 : i32
        %mul3A_142 = arith.muli %scan3A_140, %mul3A_141 : i32
        %add3A_143 = arith.constant 0 : i32
        %add3A_144 = arith.addi %add3A_143, %mul3A_142 : i32
        %mul3A_145 = arith.constant 2 : i32
        %mul3A_146 = arith.muli %mul3A_145, %add3A_144 : i32
        %add3A_147 = arith.constant 1 : i32
        %add3A_148 = arith.addi %mul3A_146, %add3A_147 : i32
        %dma_start3A_149 = arith.constant 0 : i32
        %dma_start3A_150 = tpu.memref_slice %arg7[%add3A_148, %dma_start3A_149] : memref<40x125xi32, #tpu.memory_space<vmem>> -> memref<1x125xi32, #tpu.memory_space<vmem>>
        %dma_start3A_151 = tpu.memref_squeeze %dma_start3A_150 : memref<1x125xi32, #tpu.memory_space<vmem>> -> memref<125xi32, #tpu.memory_space<vmem>>
        %dma_start3A_152 = arith.constant 0 : i32
        %dma_start3A_153 = arith.constant 0 : i32
        %dma_start3A_154 = tpu.memref_slice %arg2[%dma_start3A_152, %dma_start3A_153] : memref<10000x128xf32, #tpu.memory_space<hbm>> -> memref<10000x128xf32, #tpu.memory_space<hbm>>
        tpu.enqueue_indirect_dma source(%dma_start3A_154 : memref<10000x128xf32, #tpu.memory_space<hbm>>) target(%arg10 : memref<125x128xf32, #tpu.memory_space<vmem>>) offsets(%dma_start3A_151 : memref<125xi32, #tpu.memory_space<vmem>>) semaphore(%arg13 : memref<!tpu.dma_semaphore, #tpu.memory_space<semaphore_mem>>)
        %dma_wait3A_155 = arith.constant 0 : i32
        %dma_wait3A_156 = arith.constant 0 : i32
        %dma_wait3A_157 = tpu.memref_slice %arg7[%dma_wait3A_155, %dma_wait3A_156] : memref<40x125xi32, #tpu.memory_space<vmem>> -> memref<1x125xi32, #tpu.memory_space<vmem>>
        %dma_wait3A_158 = tpu.memref_squeeze %dma_wait3A_157 : memref<1x125xi32, #tpu.memory_space<vmem>> -> memref<125xi32, #tpu.memory_space<vmem>>
        %dma_wait3A_159 = arith.constant 0 : i32
        %dma_wait3A_160 = arith.constant 0 : i32
        %dma_wait3A_161 = tpu.memref_slice %arg2[%dma_wait3A_159, %dma_wait3A_160] : memref<10000x128xf32, #tpu.memory_space<hbm>> -> memref<10000x128xf32, #tpu.memory_space<hbm>>
        tpu.wait_indirect_dma semaphore(%arg12 : memref<!tpu.dma_semaphore, #tpu.memory_space<semaphore_mem>>) src(%dma_wait3A_161 : memref<10000x128xf32, #tpu.memory_space<hbm>>) dst(%arg9 : memref<125x128xf32, #tpu.memory_space<vmem>>)
        "tpu.region"() ({
          %run_scoped3A_179 = tpu.sem_alloc : memref<!tpu.dma_semaphore, #tpu.memory_space<semaphore_mem>>
          %dma_start3A_180 = arith.constant 0 : i32
          %dma_start3A_181 = tpu.memref_slice %arg8[%mul3A_146, %dma_start3A_180] : memref<40x125xi32, #tpu.memory_space<vmem>> -> memref<1x125xi32, #tpu.memory_space<vmem>>
          %dma_start3A_182 = tpu.memref_squeeze %dma_start3A_181 : memref<1x125xi32, #tpu.memory_space<vmem>> -> memref<125xi32, #tpu.memory_space<vmem>>
          %dma_start3A_183 = arith.constant 0 : i32
          %dma_start3A_184 = arith.constant 0 : i32
          %dma_start3A_185 = tpu.memref_slice %arg11[%dma_start3A_183, %dma_start3A_184] : memref<10240x128xf32, #tpu.memory_space<vmem_shared>> -> memref<10240x128xf32, #tpu.memory_space<vmem_shared>>
          tpu.enqueue_indirect_dma source(%arg9 : memref<125x128xf32, #tpu.memory_space<vmem>>) target(%dma_start3A_185 : memref<10240x128xf32, #tpu.memory_space<vmem_shared>>) offsets(%dma_start3A_182 : memref<125xi32, #tpu.memory_space<vmem>>) semaphore(%run_scoped3A_179 : memref<!tpu.dma_semaphore, #tpu.memory_space<semaphore_mem>>) {add = true}
          %dma_wait3A_186 = arith.constant 0 : i32
          %dma_wait3A_187 = tpu.memref_slice %arg8[%mul3A_146, %dma_wait3A_186] : memref<40x125xi32, #tpu.memory_space<vmem>> -> memref<1x125xi32, #tpu.memory_space<vmem>>
          %dma_wait3A_188 = tpu.memref_squeeze %dma_wait3A_187 : memref<1x125xi32, #tpu.memory_space<vmem>> -> memref<125xi32, #tpu.memory_space<vmem>>
          %dma_wait3A_189 = arith.constant 0 : i32
          %dma_wait3A_190 = arith.constant 0 : i32
          %dma_wait3A_191 = tpu.memref_slice %arg11[%dma_wait3A_189, %dma_wait3A_190] : memref<10240x128xf32, #tpu.memory_space<vmem_shared>> -> memref<10240x128xf32, #tpu.memory_space<vmem_shared>>
          tpu.wait_indirect_dma semaphore(%run_scoped3A_179 : memref<!tpu.dma_semaphore, #tpu.memory_space<semaphore_mem>>) src(%arg9 : memref<125x128xf32, #tpu.memory_space<vmem>>) dst(%dma_wait3A_191 : memref<10240x128xf32, #tpu.memory_space<vmem_shared>>)
          tpu.yield
        }) : () -> ()
        %add3A_162 = arith.constant 2 : i32
        %add3A_163 = arith.addi %mul3A_146, %add3A_162 : i32
        %dma_start3A_164 = arith.constant 0 : i32
        %dma_start3A_165 = tpu.memref_slice %arg7[%add3A_163, %dma_start3A_164] : memref<40x125xi32, #tpu.memory_space<vmem>> -> memref<1x125xi32, #tpu.memory_space<vmem>>
        %dma_start3A_166 = tpu.memref_squeeze %dma_start3A_165 : memref<1x125xi32, #tpu.memory_space<vmem>> -> memref<125xi32, #tpu.memory_space<vmem>>
        %dma_start3A_167 = arith.constant 0 : i32
        %dma_start3A_168 = arith.constant 0 : i32
        %dma_start3A_169 = tpu.memref_slice %arg2[%dma_start3A_167, %dma_start3A_168] : memref<10000x128xf32, #tpu.memory_space<hbm>> -> memref<10000x128xf32, #tpu.memory_space<hbm>>
        tpu.enqueue_indirect_dma source(%dma_start3A_169 : memref<10000x128xf32, #tpu.memory_space<hbm>>) target(%arg9 : memref<125x128xf32, #tpu.memory_space<vmem>>) offsets(%dma_start3A_166 : memref<125xi32, #tpu.memory_space<vmem>>) semaphore(%arg12 : memref<!tpu.dma_semaphore, #tpu.memory_space<semaphore_mem>>)
        %dma_wait3A_170 = arith.constant 0 : i32
        %dma_wait3A_171 = arith.constant 0 : i32
        %dma_wait3A_172 = tpu.memref_slice %arg7[%dma_wait3A_170, %dma_wait3A_171] : memref<40x125xi32, #tpu.memory_space<vmem>> -> memref<1x125xi32, #tpu.memory_space<vmem>>
        %dma_wait3A_173 = tpu.memref_squeeze %dma_wait3A_172 : memref<1x125xi32, #tpu.memory_space<vmem>> -> memref<125xi32, #tpu.memory_space<vmem>>
        %dma_wait3A_174 = arith.constant 0 : i32
        %dma_wait3A_175 = arith.constant 0 : i32
        %dma_wait3A_176 = tpu.memref_slice %arg2[%dma_wait3A_174, %dma_wait3A_175] : memref<10000x128xf32, #tpu.memory_space<hbm>> -> memref<10000x128xf32, #tpu.memory_space<hbm>>
        tpu.wait_indirect_dma semaphore(%arg13 : memref<!tpu.dma_semaphore, #tpu.memory_space<semaphore_mem>>) src(%dma_wait3A_176 : memref<10000x128xf32, #tpu.memory_space<hbm>>) dst(%arg10 : memref<125x128xf32, #tpu.memory_space<vmem>>)
        %add3A_177 = arith.constant 1 : i32
        %add3A_178 = arith.addi %mul3A_146, %add3A_177 : i32
        "tpu.region"() ({
          %run_scoped3A_179 = tpu.sem_alloc : memref<!tpu.dma_semaphore, #tpu.memory_space<semaphore_mem>>
          %dma_start3A_180 = arith.constant 0 : i32
          %dma_start3A_181 = tpu.memref_slice %arg8[%add3A_178, %dma_start3A_180] : memref<40x125xi32, #tpu.memory_space<vmem>> -> memref<1x125xi32, #tpu.memory_space<vmem>>
          %dma_start3A_182 = tpu.memref_squeeze %dma_start3A_181 : memref<1x125xi32, #tpu.memory_space<vmem>> -> memref<125xi32, #tpu.memory_space<vmem>>
          %dma_start3A_183 = arith.constant 0 : i32
          %dma_start3A_184 = arith.constant 0 : i32
          %dma_start3A_185 = tpu.memref_slice %arg11[%dma_start3A_183, %dma_start3A_184] : memref<10240x128xf32, #tpu.memory_space<vmem_shared>> -> memref<10240x128xf32, #tpu.memory_space<vmem_shared>>
          tpu.enqueue_indirect_dma source(%arg10 : memref<125x128xf32, #tpu.memory_space<vmem>>) target(%dma_start3A_185 : memref<10240x128xf32, #tpu.memory_space<vmem_shared>>) offsets(%dma_start3A_182 : memref<125xi32, #tpu.memory_space<vmem>>) semaphore(%run_scoped3A_179 : memref<!tpu.dma_semaphore, #tpu.memory_space<semaphore_mem>>) {add = true}
          %dma_wait3A_186 = arith.constant 0 : i32
          %dma_wait3A_187 = tpu.memref_slice %arg8[%add3A_178, %dma_wait3A_186] : memref<40x125xi32, #tpu.memory_space<vmem>> -> memref<1x125xi32, #tpu.memory_space<vmem>>
          %dma_wait3A_188 = tpu.memref_squeeze %dma_wait3A_187 : memref<1x125xi32, #tpu.memory_space<vmem>> -> memref<125xi32, #tpu.memory_space<vmem>>
          %dma_wait3A_189 = arith.constant 0 : i32
          %dma_wait3A_190 = arith.constant 0 : i32
          %dma_wait3A_191 = tpu.memref_slice %arg11[%dma_wait3A_189, %dma_wait3A_190] : memref<10240x128xf32, #tpu.memory_space<vmem_shared>> -> memref<10240x128xf32, #tpu.memory_space<vmem_shared>>
          tpu.wait_indirect_dma semaphore(%run_scoped3A_179 : memref<!tpu.dma_semaphore, #tpu.memory_space<semaphore_mem>>) src(%arg10 : memref<125x128xf32, #tpu.memory_space<vmem>>) dst(%dma_wait3A_191 : memref<10240x128xf32, #tpu.memory_space<vmem_shared>>)
          tpu.yield
        }) : () -> ()
      }
      %scan3A_66 = arith.constant 19 : i32
      %dma_start3A_67 = arith.constant 39 : i32
      %dma_start3A_68 = arith.constant 0 : i32
      %dma_start3A_69 = tpu.memref_slice %arg7[%dma_start3A_67, %dma_start3A_68] : memref<40x125xi32, #tpu.memory_space<vmem>> -> memref<1x125xi32, #tpu.memory_space<vmem>>
      %dma_start3A_70 = tpu.memref_squeeze %dma_start3A_69 : memref<1x125xi32, #tpu.memory_space<vmem>> -> memref<125xi32, #tpu.memory_space<vmem>>
      %dma_start3A_71 = arith.constant 0 : i32
      %dma_start3A_72 = arith.constant 0 : i32
      %dma_start3A_73 = tpu.memref_slice %arg2[%dma_start3A_71, %dma_start3A_72] : memref<10000x128xf32, #tpu.memory_space<hbm>> -> memref<10000x128xf32, #tpu.memory_space<hbm>>
      tpu.enqueue_indirect_dma source(%dma_start3A_73 : memref<10000x128xf32, #tpu.memory_space<hbm>>) target(%arg10 : memref<125x128xf32, #tpu.memory_space<vmem>>) offsets(%dma_start3A_70 : memref<125xi32, #tpu.memory_space<vmem>>) semaphore(%arg13 : memref<!tpu.dma_semaphore, #tpu.memory_space<semaphore_mem>>)
      %dma_wait3A = arith.constant 0 : i32
      %dma_wait3A_74 = arith.constant 0 : i32
      %dma_wait3A_75 = tpu.memref_slice %arg7[%dma_wait3A, %dma_wait3A_74] : memref<40x125xi32, #tpu.memory_space<vmem>> -> memref<1x125xi32, #tpu.memory_space<vmem>>
      %dma_wait3A_76 = tpu.memref_squeeze %dma_wait3A_75 : memref<1x125xi32, #tpu.memory_space<vmem>> -> memref<125xi32, #tpu.memory_space<vmem>>
      %dma_wait3A_77 = arith.constant 0 : i32
      %dma_wait3A_78 = arith.constant 0 : i32
      %dma_wait3A_79 = tpu.memref_slice %arg2[%dma_wait3A_77, %dma_wait3A_78] : memref<10000x128xf32, #tpu.memory_space<hbm>> -> memref<10000x128xf32, #tpu.memory_space<hbm>>
      tpu.wait_indirect_dma semaphore(%arg12 : memref<!tpu.dma_semaphore, #tpu.memory_space<semaphore_mem>>) src(%dma_wait3A_79 : memref<10000x128xf32, #tpu.memory_space<hbm>>) dst(%arg9 : memref<125x128xf32, #tpu.memory_space<vmem>>)
      %run_scoped3A_80 = arith.constant 38 : i32
      "tpu.region"() ({
        %run_scoped3A_140 = tpu.sem_alloc : memref<!tpu.dma_semaphore, #tpu.memory_space<semaphore_mem>>
        %dma_start3A_141 = arith.constant 0 : i32
        %dma_start3A_142 = tpu.memref_slice %arg8[%run_scoped3A_80, %dma_start3A_141] : memref<40x125xi32, #tpu.memory_space<vmem>> -> memref<1x125xi32, #tpu.memory_space<vmem>>
        %dma_start3A_143 = tpu.memref_squeeze %dma_start3A_142 : memref<1x125xi32, #tpu.memory_space<vmem>> -> memref<125xi32, #tpu.memory_space<vmem>>
        %dma_start3A_144 = arith.constant 0 : i32
        %dma_start3A_145 = arith.constant 0 : i32
        %dma_start3A_146 = tpu.memref_slice %arg11[%dma_start3A_144, %dma_start3A_145] : memref<10240x128xf32, #tpu.memory_space<vmem_shared>> -> memref<10240x128xf32, #tpu.memory_space<vmem_shared>>
        tpu.enqueue_indirect_dma source(%arg9 : memref<125x128xf32, #tpu.memory_space<vmem>>) target(%dma_start3A_146 : memref<10240x128xf32, #tpu.memory_space<vmem_shared>>) offsets(%dma_start3A_143 : memref<125xi32, #tpu.memory_space<vmem>>) semaphore(%run_scoped3A_140 : memref<!tpu.dma_semaphore, #tpu.memory_space<semaphore_mem>>) {add = true}
        %dma_wait3A_147 = arith.constant 0 : i32
        %dma_wait3A_148 = tpu.memref_slice %arg8[%run_scoped3A_80, %dma_wait3A_147] : memref<40x125xi32, #tpu.memory_space<vmem>> -> memref<1x125xi32, #tpu.memory_space<vmem>>
        %dma_wait3A_149 = tpu.memref_squeeze %dma_wait3A_148 : memref<1x125xi32, #tpu.memory_space<vmem>> -> memref<125xi32, #tpu.memory_space<vmem>>
        %dma_wait3A_150 = arith.constant 0 : i32
        %dma_wait3A_151 = arith.constant 0 : i32
        %dma_wait3A_152 = tpu.memref_slice %arg11[%dma_wait3A_150, %dma_wait3A_151] : memref<10240x128xf32, #tpu.memory_space<vmem_shared>> -> memref<10240x128xf32, #tpu.memory_space<vmem_shared>>
        tpu.wait_indirect_dma semaphore(%run_scoped3A_140 : memref<!tpu.dma_semaphore, #tpu.memory_space<semaphore_mem>>) src(%arg9 : memref<125x128xf32, #tpu.memory_space<vmem>>) dst(%dma_wait3A_152 : memref<10240x128xf32, #tpu.memory_space<vmem_shared>>)
        tpu.yield
      }) : () -> ()
      %dma_wait3A_81 = arith.constant 0 : i32
      %dma_wait3A_82 = arith.constant 0 : i32
      %dma_wait3A_83 = tpu.memref_slice %arg7[%dma_wait3A_81, %dma_wait3A_82] : memref<40x125xi32, #tpu.memory_space<vmem>> -> memref<1x125xi32, #tpu.memory_space<vmem>>
      %dma_wait3A_84 = tpu.memref_squeeze %dma_wait3A_83 : memref<1x125xi32, #tpu.memory_space<vmem>> -> memref<125xi32, #tpu.memory_space<vmem>>
      %dma_wait3A_85 = arith.constant 0 : i32
      %dma_wait3A_86 = arith.constant 0 : i32
      %dma_wait3A_87 = tpu.memref_slice %arg2[%dma_wait3A_85, %dma_wait3A_86] : memref<10000x128xf32, #tpu.memory_space<hbm>> -> memref<10000x128xf32, #tpu.memory_space<hbm>>
      tpu.wait_indirect_dma semaphore(%arg13 : memref<!tpu.dma_semaphore, #tpu.memory_space<semaphore_mem>>) src(%dma_wait3A_87 : memref<10000x128xf32, #tpu.memory_space<hbm>>) dst(%arg10 : memref<125x128xf32, #tpu.memory_space<vmem>>)
      %run_scoped3A_88 = arith.constant 39 : i32
      "tpu.region"() ({
        %run_scoped3A_140 = tpu.sem_alloc : memref<!tpu.dma_semaphore, #tpu.memory_space<semaphore_mem>>
        %dma_start3A_141 = arith.constant 0 : i32
        %dma_start3A_142 = tpu.memref_slice %arg8[%run_scoped3A_88, %dma_start3A_141] : memref<40x125xi32, #tpu.memory_space<vmem>> -> memref<1x125xi32, #tpu.memory_space<vmem>>
        %dma_start3A_143 = tpu.memref_squeeze %dma_start3A_142 : memref<1x125xi32, #tpu.memory_space<vmem>> -> memref<125xi32, #tpu.memory_space<vmem>>
        %dma_start3A_144 = arith.constant 0 : i32
        %dma_start3A_145 = arith.constant 0 : i32
        %dma_start3A_146 = tpu.memref_slice %arg11[%dma_start3A_144, %dma_start3A_145] : memref<10240x128xf32, #tpu.memory_space<vmem_shared>> -> memref<10240x128xf32, #tpu.memory_space<vmem_shared>>
        tpu.enqueue_indirect_dma source(%arg10 : memref<125x128xf32, #tpu.memory_space<vmem>>) target(%dma_start3A_146 : memref<10240x128xf32, #tpu.memory_space<vmem_shared>>) offsets(%dma_start3A_143 : memref<125xi32, #tpu.memory_space<vmem>>) semaphore(%run_scoped3A_140 : memref<!tpu.dma_semaphore, #tpu.memory_space<semaphore_mem>>) {add = true}
        %dma_wait3A_147 = arith.constant 0 : i32
        %dma_wait3A_148 = tpu.memref_slice %arg8[%run_scoped3A_88, %dma_wait3A_147] : memref<40x125xi32, #tpu.memory_space<vmem>> -> memref<1x125xi32, #tpu.memory_space<vmem>>
        %dma_wait3A_149 = tpu.memref_squeeze %dma_wait3A_148 : memref<1x125xi32, #tpu.memory_space<vmem>> -> memref<125xi32, #tpu.memory_space<vmem>>
        %dma_wait3A_150 = arith.constant 0 : i32
        %dma_wait3A_151 = arith.constant 0 : i32
        %dma_wait3A_152 = tpu.memref_slice %arg11[%dma_wait3A_150, %dma_wait3A_151] : memref<10240x128xf32, #tpu.memory_space<vmem_shared>> -> memref<10240x128xf32, #tpu.memory_space<vmem_shared>>
        tpu.wait_indirect_dma semaphore(%run_scoped3A_140 : memref<!tpu.dma_semaphore, #tpu.memory_space<semaphore_mem>>) src(%arg10 : memref<125x128xf32, #tpu.memory_space<vmem>>) dst(%dma_wait3A_152 : memref<10240x128xf32, #tpu.memory_space<vmem_shared>>)
        tpu.yield
      }) : () -> ()
      %add3A_89 = arith.constant 40 : i32
      %add3A_90 = arith.addi %mul3A_50, %add3A_89 : i32
      %run_scoped3A_91 = arith.constant 0 : i32
      "tpu.region"() ({
        %run_scoped3A_140 = tpu.sem_alloc : memref<!tpu.dma_semaphore, #tpu.memory_space<semaphore_mem>>
        %dma_start3A_141 = arith.constant 0 : i32
        %dma_start3A_142 = tpu.memref_slice %arg4[%run_scoped3A_91, %add3A_90, %dma_start3A_141] : memref<2x1280x125xi32, #tpu.memory_space<hbm>> -> memref<1x40x125xi32, #tpu.memory_space<hbm>>
        %dma_start3A_143 = tpu.memref_squeeze %dma_start3A_142 : memref<1x40x125xi32, #tpu.memory_space<hbm>> -> memref<40x125xi32, #tpu.memory_space<hbm>>
        %dma_start3A_144 = arith.constant 0 : i32
        %dma_start3A_145 = tpu.memref_slice %arg4[%run_scoped3A_91, %add3A_90, %dma_start3A_144] : memref<2x1280x125xi32, #tpu.memory_space<hbm>> -> memref<1x40x125xi32, #tpu.memory_space<hbm>>
        %dma_start3A_146 = tpu.memref_squeeze %dma_start3A_145 : memref<1x40x125xi32, #tpu.memory_space<hbm>> -> memref<40x125xi32, #tpu.memory_space<hbm>>
        tpu.enqueue_dma source(%dma_start3A_146 : memref<40x125xi32, #tpu.memory_space<hbm>>) target(%arg7 : memref<40x125xi32, #tpu.memory_space<vmem>>) target_semaphore(%run_scoped3A_140 : memref<!tpu.dma_semaphore, #tpu.memory_space<semaphore_mem>>)
        %dma_wait3A_147 = arith.constant 0 : i32
        %dma_wait3A_148 = tpu.memref_slice %arg4[%run_scoped3A_91, %add3A_90, %dma_wait3A_147] : memref<2x1280x125xi32, #tpu.memory_space<hbm>> -> memref<1x40x125xi32, #tpu.memory_space<hbm>>
        %dma_wait3A_149 = tpu.memref_squeeze %dma_wait3A_148 : memref<1x40x125xi32, #tpu.memory_space<hbm>> -> memref<40x125xi32, #tpu.memory_space<hbm>>
        %dma_wait3A_150 = arith.constant 0 : i32
        %dma_wait3A_151 = tpu.memref_slice %arg4[%run_scoped3A_91, %add3A_90, %dma_wait3A_150] : memref<2x1280x125xi32, #tpu.memory_space<hbm>> -> memref<1x40x125xi32, #tpu.memory_space<hbm>>
        %dma_wait3A_152 = tpu.memref_squeeze %dma_wait3A_151 : memref<1x40x125xi32, #tpu.memory_space<hbm>> -> memref<40x125xi32, #tpu.memory_space<hbm>>
        tpu.wait_dma2 semaphore(%run_scoped3A_140 : memref<!tpu.dma_semaphore, #tpu.memory_space<semaphore_mem>>) src(%dma_wait3A_152 : memref<40x125xi32, #tpu.memory_space<hbm>>) dst(%arg7 : memref<40x125xi32, #tpu.memory_space<vmem>>)
        tpu.yield
      }) : () -> ()
      %add3A_92 = arith.constant 40 : i32
      %add3A_93 = arith.addi %mul3A_50, %add3A_92 : i32
      %run_scoped3A_94 = arith.constant 1 : i32
      "tpu.region"() ({
        %run_scoped3A_140 = tpu.sem_alloc : memref<!tpu.dma_semaphore, #tpu.memory_space<semaphore_mem>>
        %dma_start3A_141 = arith.constant 0 : i32
        %dma_start3A_142 = tpu.memref_slice %arg4[%run_scoped3A_94, %add3A_93, %dma_start3A_141] : memref<2x1280x125xi32, #tpu.memory_space<hbm>> -> memref<1x40x125xi32, #tpu.memory_space<hbm>>
        %dma_start3A_143 = tpu.memref_squeeze %dma_start3A_142 : memref<1x40x125xi32, #tpu.memory_space<hbm>> -> memref<40x125xi32, #tpu.memory_space<hbm>>
        %dma_start3A_144 = arith.constant 0 : i32
        %dma_start3A_145 = tpu.memref_slice %arg4[%run_scoped3A_94, %add3A_93, %dma_start3A_144] : memref<2x1280x125xi32, #tpu.memory_space<hbm>> -> memref<1x40x125xi32, #tpu.memory_space<hbm>>
        %dma_start3A_146 = tpu.memref_squeeze %dma_start3A_145 : memref<1x40x125xi32, #tpu.memory_space<hbm>> -> memref<40x125xi32, #tpu.memory_space<hbm>>
        tpu.enqueue_dma source(%dma_start3A_146 : memref<40x125xi32, #tpu.memory_space<hbm>>) target(%arg8 : memref<40x125xi32, #tpu.memory_space<vmem>>) target_semaphore(%run_scoped3A_140 : memref<!tpu.dma_semaphore, #tpu.memory_space<semaphore_mem>>)
        %dma_wait3A_147 = arith.constant 0 : i32
        %dma_wait3A_148 = tpu.memref_slice %arg4[%run_scoped3A_94, %add3A_93, %dma_wait3A_147] : memref<2x1280x125xi32, #tpu.memory_space<hbm>> -> memref<1x40x125xi32, #tpu.memory_space<hbm>>
        %dma_wait3A_149 = tpu.memref_squeeze %dma_wait3A_148 : memref<1x40x125xi32, #tpu.memory_space<hbm>> -> memref<40x125xi32, #tpu.memory_space<hbm>>
        %dma_wait3A_150 = arith.constant 0 : i32
        %dma_wait3A_151 = tpu.memref_slice %arg4[%run_scoped3A_94, %add3A_93, %dma_wait3A_150] : memref<2x1280x125xi32, #tpu.memory_space<hbm>> -> memref<1x40x125xi32, #tpu.memory_space<hbm>>
        %dma_wait3A_152 = tpu.memref_squeeze %dma_wait3A_151 : memref<1x40x125xi32, #tpu.memory_space<hbm>> -> memref<40x125xi32, #tpu.memory_space<hbm>>
        tpu.wait_dma2 semaphore(%run_scoped3A_140 : memref<!tpu.dma_semaphore, #tpu.memory_space<semaphore_mem>>) src(%dma_wait3A_152 : memref<40x125xi32, #tpu.memory_space<hbm>>) dst(%arg8 : memref<40x125xi32, #tpu.memory_space<vmem>>)
        tpu.yield
      }) : () -> ()
      %dma_start3A_95 = arith.constant 0 : i32
      %dma_start3A_96 = arith.constant 0 : i32
      %dma_start3A_97 = tpu.memref_slice %arg7[%dma_start3A_95, %dma_start3A_96] : memref<40x125xi32, #tpu.memory_space<vmem>> -> memref<1x125xi32, #tpu.memory_space<vmem>>
      %dma_start3A_98 = tpu.memref_squeeze %dma_start3A_97 : memref<1x125xi32, #tpu.memory_space<vmem>> -> memref<125xi32, #tpu.memory_space<vmem>>
      %dma_start3A_99 = arith.constant 0 : i32
      %dma_start3A_100 = arith.constant 0 : i32
      %dma_start3A_101 = tpu.memref_slice %arg2[%dma_start3A_99, %dma_start3A_100] : memref<10000x128xf32, #tpu.memory_space<hbm>> -> memref<10000x128xf32, #tpu.memory_space<hbm>>
      tpu.enqueue_indirect_dma source(%dma_start3A_101 : memref<10000x128xf32, #tpu.memory_space<hbm>>) target(%arg9 : memref<125x128xf32, #tpu.memory_space<vmem>>) offsets(%dma_start3A_98 : memref<125xi32, #tpu.memory_space<vmem>>) semaphore(%arg12 : memref<!tpu.dma_semaphore, #tpu.memory_space<semaphore_mem>>)
      %scan3A_102 = arith.constant 0 : i32
      %scan3A_103 = arith.constant 19 : i32
      %scan3A_104 = arith.addi %scan3A_102, %scan3A_103 : i32
      %scan3A_105 = arith.constant 1 : i32
      scf.for %scan3A_140 = %scan3A_102 to %scan3A_104 step %scan3A_105  : i32 {
        %mul3A_141 = arith.constant 1 : i32
        %mul3A_142 = arith.muli %scan3A_140, %mul3A_141 : i32
        %add3A_143 = arith.constant 0 : i32
        %add3A_144 = arith.addi %add3A_143, %mul3A_142 : i32
        %mul3A_145 = arith.constant 2 : i32
        %mul3A_146 = arith.muli %mul3A_145, %add3A_144 : i32
        %add3A_147 = arith.constant 1 : i32
        %add3A_148 = arith.addi %mul3A_146, %add3A_147 : i32
        %dma_start3A_149 = arith.constant 0 : i32
        %dma_start3A_150 = tpu.memref_slice %arg7[%add3A_148, %dma_start3A_149] : memref<40x125xi32, #tpu.memory_space<vmem>> -> memref<1x125xi32, #tpu.memory_space<vmem>>
        %dma_start3A_151 = tpu.memref_squeeze %dma_start3A_150 : memref<1x125xi32, #tpu.memory_space<vmem>> -> memref<125xi32, #tpu.memory_space<vmem>>
        %dma_start3A_152 = arith.constant 0 : i32
        %dma_start3A_153 = arith.constant 0 : i32
        %dma_start3A_154 = tpu.memref_slice %arg2[%dma_start3A_152, %dma_start3A_153] : memref<10000x128xf32, #tpu.memory_space<hbm>> -> memref<10000x128xf32, #tpu.memory_space<hbm>>
        tpu.enqueue_indirect_dma source(%dma_start3A_154 : memref<10000x128xf32, #tpu.memory_space<hbm>>) target(%arg10 : memref<125x128xf32, #tpu.memory_space<vmem>>) offsets(%dma_start3A_151 : memref<125xi32, #tpu.memory_space<vmem>>) semaphore(%arg13 : memref<!tpu.dma_semaphore, #tpu.memory_space<semaphore_mem>>)
        %dma_wait3A_155 = arith.constant 0 : i32
        %dma_wait3A_156 = arith.constant 0 : i32
        %dma_wait3A_157 = tpu.memref_slice %arg7[%dma_wait3A_155, %dma_wait3A_156] : memref<40x125xi32, #tpu.memory_space<vmem>> -> memref<1x125xi32, #tpu.memory_space<vmem>>
        %dma_wait3A_158 = tpu.memref_squeeze %dma_wait3A_157 : memref<1x125xi32, #tpu.memory_space<vmem>> -> memref<125xi32, #tpu.memory_space<vmem>>
        %dma_wait3A_159 = arith.constant 0 : i32
        %dma_wait3A_160 = arith.constant 0 : i32
        %dma_wait3A_161 = tpu.memref_slice %arg2[%dma_wait3A_159, %dma_wait3A_160] : memref<10000x128xf32, #tpu.memory_space<hbm>> -> memref<10000x128xf32, #tpu.memory_space<hbm>>
        tpu.wait_indirect_dma semaphore(%arg12 : memref<!tpu.dma_semaphore, #tpu.memory_space<semaphore_mem>>) src(%dma_wait3A_161 : memref<10000x128xf32, #tpu.memory_space<hbm>>) dst(%arg9 : memref<125x128xf32, #tpu.memory_space<vmem>>)
        "tpu.region"() ({
          %run_scoped3A_179 = tpu.sem_alloc : memref<!tpu.dma_semaphore, #tpu.memory_space<semaphore_mem>>
          %dma_start3A_180 = arith.constant 0 : i32
          %dma_start3A_181 = tpu.memref_slice %arg8[%mul3A_146, %dma_start3A_180] : memref<40x125xi32, #tpu.memory_space<vmem>> -> memref<1x125xi32, #tpu.memory_space<vmem>>
          %dma_start3A_182 = tpu.memref_squeeze %dma_start3A_181 : memref<1x125xi32, #tpu.memory_space<vmem>> -> memref<125xi32, #tpu.memory_space<vmem>>
          %dma_start3A_183 = arith.constant 0 : i32
          %dma_start3A_184 = arith.constant 0 : i32
          %dma_start3A_185 = tpu.memref_slice %arg11[%dma_start3A_183, %dma_start3A_184] : memref<10240x128xf32, #tpu.memory_space<vmem_shared>> -> memref<10240x128xf32, #tpu.memory_space<vmem_shared>>
          tpu.enqueue_indirect_dma source(%arg9 : memref<125x128xf32, #tpu.memory_space<vmem>>) target(%dma_start3A_185 : memref<10240x128xf32, #tpu.memory_space<vmem_shared>>) offsets(%dma_start3A_182 : memref<125xi32, #tpu.memory_space<vmem>>) semaphore(%run_scoped3A_179 : memref<!tpu.dma_semaphore, #tpu.memory_space<semaphore_mem>>) {add = true}
          %dma_wait3A_186 = arith.constant 0 : i32
          %dma_wait3A_187 = tpu.memref_slice %arg8[%mul3A_146, %dma_wait3A_186] : memref<40x125xi32, #tpu.memory_space<vmem>> -> memref<1x125xi32, #tpu.memory_space<vmem>>
          %dma_wait3A_188 = tpu.memref_squeeze %dma_wait3A_187 : memref<1x125xi32, #tpu.memory_space<vmem>> -> memref<125xi32, #tpu.memory_space<vmem>>
          %dma_wait3A_189 = arith.constant 0 : i32
          %dma_wait3A_190 = arith.constant 0 : i32
          %dma_wait3A_191 = tpu.memref_slice %arg11[%dma_wait3A_189, %dma_wait3A_190] : memref<10240x128xf32, #tpu.memory_space<vmem_shared>> -> memref<10240x128xf32, #tpu.memory_space<vmem_shared>>
          tpu.wait_indirect_dma semaphore(%run_scoped3A_179 : memref<!tpu.dma_semaphore, #tpu.memory_space<semaphore_mem>>) src(%arg9 : memref<125x128xf32, #tpu.memory_space<vmem>>) dst(%dma_wait3A_191 : memref<10240x128xf32, #tpu.memory_space<vmem_shared>>)
          tpu.yield
        }) : () -> ()
        %add3A_162 = arith.constant 2 : i32
        %add3A_163 = arith.addi %mul3A_146, %add3A_162 : i32
        %dma_start3A_164 = arith.constant 0 : i32
        %dma_start3A_165 = tpu.memref_slice %arg7[%add3A_163, %dma_start3A_164] : memref<40x125xi32, #tpu.memory_space<vmem>> -> memref<1x125xi32, #tpu.memory_space<vmem>>
        %dma_start3A_166 = tpu.memref_squeeze %dma_start3A_165 : memref<1x125xi32, #tpu.memory_space<vmem>> -> memref<125xi32, #tpu.memory_space<vmem>>
        %dma_start3A_167 = arith.constant 0 : i32
        %dma_start3A_168 = arith.constant 0 : i32
        %dma_start3A_169 = tpu.memref_slice %arg2[%dma_start3A_167, %dma_start3A_168] : memref<10000x128xf32, #tpu.memory_space<hbm>> -> memref<10000x128xf32, #tpu.memory_space<hbm>>
        tpu.enqueue_indirect_dma source(%dma_start3A_169 : memref<10000x128xf32, #tpu.memory_space<hbm>>) target(%arg9 : memref<125x128xf32, #tpu.memory_space<vmem>>) offsets(%dma_start3A_166 : memref<125xi32, #tpu.memory_space<vmem>>) semaphore(%arg12 : memref<!tpu.dma_semaphore, #tpu.memory_space<semaphore_mem>>)
        %dma_wait3A_170 = arith.constant 0 : i32
        %dma_wait3A_171 = arith.constant 0 : i32
        %dma_wait3A_172 = tpu.memref_slice %arg7[%dma_wait3A_170, %dma_wait3A_171] : memref<40x125xi32, #tpu.memory_space<vmem>> -> memref<1x125xi32, #tpu.memory_space<vmem>>
        %dma_wait3A_173 = tpu.memref_squeeze %dma_wait3A_172 : memref<1x125xi32, #tpu.memory_space<vmem>> -> memref<125xi32, #tpu.memory_space<vmem>>
        %dma_wait3A_174 = arith.constant 0 : i32
        %dma_wait3A_175 = arith.constant 0 : i32
        %dma_wait3A_176 = tpu.memref_slice %arg2[%dma_wait3A_174, %dma_wait3A_175] : memref<10000x128xf32, #tpu.memory_space<hbm>> -> memref<10000x128xf32, #tpu.memory_space<hbm>>
        tpu.wait_indirect_dma semaphore(%arg13 : memref<!tpu.dma_semaphore, #tpu.memory_space<semaphore_mem>>) src(%dma_wait3A_176 : memref<10000x128xf32, #tpu.memory_space<hbm>>) dst(%arg10 : memref<125x128xf32, #tpu.memory_space<vmem>>)
        %add3A_177 = arith.constant 1 : i32
        %add3A_178 = arith.addi %mul3A_146, %add3A_177 : i32
        "tpu.region"() ({
          %run_scoped3A_179 = tpu.sem_alloc : memref<!tpu.dma_semaphore, #tpu.memory_space<semaphore_mem>>
          %dma_start3A_180 = arith.constant 0 : i32
          %dma_start3A_181 = tpu.memref_slice %arg8[%add3A_178, %dma_start3A_180] : memref<40x125xi32, #tpu.memory_space<vmem>> -> memref<1x125xi32, #tpu.memory_space<vmem>>
          %dma_start3A_182 = tpu.memref_squeeze %dma_start3A_181 : memref<1x125xi32, #tpu.memory_space<vmem>> -> memref<125xi32, #tpu.memory_space<vmem>>
          %dma_start3A_183 = arith.constant 0 : i32
          %dma_start3A_184 = arith.constant 0 : i32
          %dma_start3A_185 = tpu.memref_slice %arg11[%dma_start3A_183, %dma_start3A_184] : memref<10240x128xf32, #tpu.memory_space<vmem_shared>> -> memref<10240x128xf32, #tpu.memory_space<vmem_shared>>
          tpu.enqueue_indirect_dma source(%arg10 : memref<125x128xf32, #tpu.memory_space<vmem>>) target(%dma_start3A_185 : memref<10240x128xf32, #tpu.memory_space<vmem_shared>>) offsets(%dma_start3A_182 : memref<125xi32, #tpu.memory_space<vmem>>) semaphore(%run_scoped3A_179 : memref<!tpu.dma_semaphore, #tpu.memory_space<semaphore_mem>>) {add = true}
          %dma_wait3A_186 = arith.constant 0 : i32
          %dma_wait3A_187 = tpu.memref_slice %arg8[%add3A_178, %dma_wait3A_186] : memref<40x125xi32, #tpu.memory_space<vmem>> -> memref<1x125xi32, #tpu.memory_space<vmem>>
          %dma_wait3A_188 = tpu.memref_squeeze %dma_wait3A_187 : memref<1x125xi32, #tpu.memory_space<vmem>> -> memref<125xi32, #tpu.memory_space<vmem>>
          %dma_wait3A_189 = arith.constant 0 : i32
          %dma_wait3A_190 = arith.constant 0 : i32
          %dma_wait3A_191 = tpu.memref_slice %arg11[%dma_wait3A_189, %dma_wait3A_190] : memref<10240x128xf32, #tpu.memory_space<vmem_shared>> -> memref<10240x128xf32, #tpu.memory_space<vmem_shared>>
          tpu.wait_indirect_dma semaphore(%run_scoped3A_179 : memref<!tpu.dma_semaphore, #tpu.memory_space<semaphore_mem>>) src(%arg10 : memref<125x128xf32, #tpu.memory_space<vmem>>) dst(%dma_wait3A_191 : memref<10240x128xf32, #tpu.memory_space<vmem_shared>>)
          tpu.yield
        }) : () -> ()
      }
      %scan3A_106 = arith.constant 19 : i32
      %dma_start3A_107 = arith.constant 39 : i32
      %dma_start3A_108 = arith.constant 0 : i32
      %dma_start3A_109 = tpu.memref_slice %arg7[%dma_start3A_107, %dma_start3A_108] : memref<40x125xi32, #tpu.memory_space<vmem>> -> memref<1x125xi32, #tpu.memory_space<vmem>>
      %dma_start3A_110 = tpu.memref_squeeze %dma_start3A_109 : memref<1x125xi32, #tpu.memory_space<vmem>> -> memref<125xi32, #tpu.memory_space<vmem>>
      %dma_start3A_111 = arith.constant 0 : i32
      %dma_start3A_112 = arith.constant 0 : i32
      %dma_start3A_113 = tpu.memref_slice %arg2[%dma_start3A_111, %dma_start3A_112] : memref<10000x128xf32, #tpu.memory_space<hbm>> -> memref<10000x128xf32, #tpu.memory_space<hbm>>
      tpu.enqueue_indirect_dma source(%dma_start3A_113 : memref<10000x128xf32, #tpu.memory_space<hbm>>) target(%arg10 : memref<125x128xf32, #tpu.memory_space<vmem>>) offsets(%dma_start3A_110 : memref<125xi32, #tpu.memory_space<vmem>>) semaphore(%arg13 : memref<!tpu.dma_semaphore, #tpu.memory_space<semaphore_mem>>)
      %dma_wait3A_114 = arith.constant 0 : i32
      %dma_wait3A_115 = arith.constant 0 : i32
      %dma_wait3A_116 = tpu.memref_slice %arg7[%dma_wait3A_114, %dma_wait3A_115] : memref<40x125xi32, #tpu.memory_space<vmem>> -> memref<1x125xi32, #tpu.memory_space<vmem>>
      %dma_wait3A_117 = tpu.memref_squeeze %dma_wait3A_116 : memref<1x125xi32, #tpu.memory_space<vmem>> -> memref<125xi32, #tpu.memory_space<vmem>>
      %dma_wait3A_118 = arith.constant 0 : i32
      %dma_wait3A_119 = arith.constant 0 : i32
      %dma_wait3A_120 = tpu.memref_slice %arg2[%dma_wait3A_118, %dma_wait3A_119] : memref<10000x128xf32, #tpu.memory_space<hbm>> -> memref<10000x128xf32, #tpu.memory_space<hbm>>
      tpu.wait_indirect_dma semaphore(%arg12 : memref<!tpu.dma_semaphore, #tpu.memory_space<semaphore_mem>>) src(%dma_wait3A_120 : memref<10000x128xf32, #tpu.memory_space<hbm>>) dst(%arg9 : memref<125x128xf32, #tpu.memory_space<vmem>>)
      %run_scoped3A_121 = arith.constant 38 : i32
      "tpu.region"() ({
        %run_scoped3A_140 = tpu.sem_alloc : memref<!tpu.dma_semaphore, #tpu.memory_space<semaphore_mem>>
        %dma_start3A_141 = arith.constant 0 : i32
        %dma_start3A_142 = tpu.memref_slice %arg8[%run_scoped3A_121, %dma_start3A_141] : memref<40x125xi32, #tpu.memory_space<vmem>> -> memref<1x125xi32, #tpu.memory_space<vmem>>
        %dma_start3A_143 = tpu.memref_squeeze %dma_start3A_142 : memref<1x125xi32, #tpu.memory_space<vmem>> -> memref<125xi32, #tpu.memory_space<vmem>>
        %dma_start3A_144 = arith.constant 0 : i32
        %dma_start3A_145 = arith.constant 0 : i32
        %dma_start3A_146 = tpu.memref_slice %arg11[%dma_start3A_144, %dma_start3A_145] : memref<10240x128xf32, #tpu.memory_space<vmem_shared>> -> memref<10240x128xf32, #tpu.memory_space<vmem_shared>>
        tpu.enqueue_indirect_dma source(%arg9 : memref<125x128xf32, #tpu.memory_space<vmem>>) target(%dma_start3A_146 : memref<10240x128xf32, #tpu.memory_space<vmem_shared>>) offsets(%dma_start3A_143 : memref<125xi32, #tpu.memory_space<vmem>>) semaphore(%run_scoped3A_140 : memref<!tpu.dma_semaphore, #tpu.memory_space<semaphore_mem>>) {add = true}
        %dma_wait3A_147 = arith.constant 0 : i32
        %dma_wait3A_148 = tpu.memref_slice %arg8[%run_scoped3A_121, %dma_wait3A_147] : memref<40x125xi32, #tpu.memory_space<vmem>> -> memref<1x125xi32, #tpu.memory_space<vmem>>
        %dma_wait3A_149 = tpu.memref_squeeze %dma_wait3A_148 : memref<1x125xi32, #tpu.memory_space<vmem>> -> memref<125xi32, #tpu.memory_space<vmem>>
        %dma_wait3A_150 = arith.constant 0 : i32
        %dma_wait3A_151 = arith.constant 0 : i32
        %dma_wait3A_152 = tpu.memref_slice %arg11[%dma_wait3A_150, %dma_wait3A_151] : memref<10240x128xf32, #tpu.memory_space<vmem_shared>> -> memref<10240x128xf32, #tpu.memory_space<vmem_shared>>
        tpu.wait_indirect_dma semaphore(%run_scoped3A_140 : memref<!tpu.dma_semaphore, #tpu.memory_space<semaphore_mem>>) src(%arg9 : memref<125x128xf32, #tpu.memory_space<vmem>>) dst(%dma_wait3A_152 : memref<10240x128xf32, #tpu.memory_space<vmem_shared>>)
        tpu.yield
      }) : () -> ()
      %dma_wait3A_122 = arith.constant 0 : i32
      %dma_wait3A_123 = arith.constant 0 : i32
      %dma_wait3A_124 = tpu.memref_slice %arg7[%dma_wait3A_122, %dma_wait3A_123] : memref<40x125xi32, #tpu.memory_space<vmem>> -> memref<1x125xi32, #tpu.memory_space<vmem>>
      %dma_wait3A_125 = tpu.memref_squeeze %dma_wait3A_124 : memref<1x125xi32, #tpu.memory_space<vmem>> -> memref<125xi32, #tpu.memory_space<vmem>>
      %dma_wait3A_126 = arith.constant 0 : i32
      %dma_wait3A_127 = arith.constant 0 : i32
      %dma_wait3A_128 = tpu.memref_slice %arg2[%dma_wait3A_126, %dma_wait3A_127] : memref<10000x128xf32, #tpu.memory_space<hbm>> -> memref<10000x128xf32, #tpu.memory_space<hbm>>
      tpu.wait_indirect_dma semaphore(%arg13 : memref<!tpu.dma_semaphore, #tpu.memory_space<semaphore_mem>>) src(%dma_wait3A_128 : memref<10000x128xf32, #tpu.memory_space<hbm>>) dst(%arg10 : memref<125x128xf32, #tpu.memory_space<vmem>>)
      %run_scoped3A_129 = arith.constant 39 : i32
      "tpu.region"() ({
        %run_scoped3A_140 = tpu.sem_alloc : memref<!tpu.dma_semaphore, #tpu.memory_space<semaphore_mem>>
        %dma_start3A_141 = arith.constant 0 : i32
        %dma_start3A_142 = tpu.memref_slice %arg8[%run_scoped3A_129, %dma_start3A_141] : memref<40x125xi32, #tpu.memory_space<vmem>> -> memref<1x125xi32, #tpu.memory_space<vmem>>
        %dma_start3A_143 = tpu.memref_squeeze %dma_start3A_142 : memref<1x125xi32, #tpu.memory_space<vmem>> -> memref<125xi32, #tpu.memory_space<vmem>>
        %dma_start3A_144 = arith.constant 0 : i32
        %dma_start3A_145 = arith.constant 0 : i32
        %dma_start3A_146 = tpu.memref_slice %arg11[%dma_start3A_144, %dma_start3A_145] : memref<10240x128xf32, #tpu.memory_space<vmem_shared>> -> memref<10240x128xf32, #tpu.memory_space<vmem_shared>>
        tpu.enqueue_indirect_dma source(%arg10 : memref<125x128xf32, #tpu.memory_space<vmem>>) target(%dma_start3A_146 : memref<10240x128xf32, #tpu.memory_space<vmem_shared>>) offsets(%dma_start3A_143 : memref<125xi32, #tpu.memory_space<vmem>>) semaphore(%run_scoped3A_140 : memref<!tpu.dma_semaphore, #tpu.memory_space<semaphore_mem>>) {add = true}
        %dma_wait3A_147 = arith.constant 0 : i32
        %dma_wait3A_148 = tpu.memref_slice %arg8[%run_scoped3A_129, %dma_wait3A_147] : memref<40x125xi32, #tpu.memory_space<vmem>> -> memref<1x125xi32, #tpu.memory_space<vmem>>
        %dma_wait3A_149 = tpu.memref_squeeze %dma_wait3A_148 : memref<1x125xi32, #tpu.memory_space<vmem>> -> memref<125xi32, #tpu.memory_space<vmem>>
        %dma_wait3A_150 = arith.constant 0 : i32
        %dma_wait3A_151 = arith.constant 0 : i32
        %dma_wait3A_152 = tpu.memref_slice %arg11[%dma_wait3A_150, %dma_wait3A_151] : memref<10240x128xf32, #tpu.memory_space<vmem_shared>> -> memref<10240x128xf32, #tpu.memory_space<vmem_shared>>
        tpu.wait_indirect_dma semaphore(%run_scoped3A_140 : memref<!tpu.dma_semaphore, #tpu.memory_space<semaphore_mem>>) src(%arg10 : memref<125x128xf32, #tpu.memory_space<vmem>>) dst(%dma_wait3A_152 : memref<10240x128xf32, #tpu.memory_space<vmem_shared>>)
        tpu.yield
      }) : () -> ()
      %barrier3A_130 = arith.constant 0 : index
      tpu.barrier barrier_id(%barrier3A_130)
      %lt3A = arith.constant 15 : i32
      %lt3A_131 = arith.cmpi slt, %arg1, %lt3A : i32
      %convert_element_type3A_132 = arith.extui %lt3A_131 : i1 to i32
      %cond3A_133 = arith.constant 0 : i32
      %cond3A_134 = arith.cmpi ne, %convert_element_type3A_132, %cond3A_133 : i32
      scf.if %cond3A_134 {
        %mul3A_140 = arith.constant 640 : i32
        %mul3A_141 = arith.muli %arg1, %mul3A_140 : i32
        %mul3A_142 = arith.constant 640 : i32
        %mul3A_143 = arith.muli %arg1, %mul3A_142 : i32
        "tpu.region"() ({
          %run_scoped3A_144 = tpu.sem_alloc : memref<!tpu.dma_semaphore, #tpu.memory_space<semaphore_mem>>
          %dma_start3A_145 = arith.constant 0 : i32
          %dma_start3A_146 = tpu.memref_slice %arg5[%mul3A_143, %dma_start3A_145] : memref<10000x128xf32, #tpu.memory_space<hbm>> -> memref<640x128xf32, #tpu.memory_space<hbm>>
          %dma_start3A_147 = arith.constant 0 : i32
          %dma_start3A_148 = tpu.memref_slice %arg11[%mul3A_141, %dma_start3A_147] : memref<10240x128xf32, #tpu.memory_space<vmem_shared>> -> memref<640x128xf32, #tpu.memory_space<vmem_shared>>
          tpu.enqueue_dma source(%dma_start3A_148 : memref<640x128xf32, #tpu.memory_space<vmem_shared>>) target(%dma_start3A_146 : memref<640x128xf32, #tpu.memory_space<hbm>>) target_semaphore(%run_scoped3A_144 : memref<!tpu.dma_semaphore, #tpu.memory_space<semaphore_mem>>)
          %dma_wait3A_149 = arith.constant 0 : i32
          %dma_wait3A_150 = tpu.memref_slice %arg5[%mul3A_143, %dma_wait3A_149] : memref<10000x128xf32, #tpu.memory_space<hbm>> -> memref<640x128xf32, #tpu.memory_space<hbm>>
          %dma_wait3A_151 = arith.constant 0 : i32
          %dma_wait3A_152 = tpu.memref_slice %arg11[%mul3A_141, %dma_wait3A_151] : memref<10240x128xf32, #tpu.memory_space<vmem_shared>> -> memref<640x128xf32, #tpu.memory_space<vmem_shared>>
          tpu.wait_dma2 semaphore(%run_scoped3A_144 : memref<!tpu.dma_semaphore, #tpu.memory_space<semaphore_mem>>) src(%dma_wait3A_152 : memref<640x128xf32, #tpu.memory_space<vmem_shared>>) dst(%dma_wait3A_150 : memref<640x128xf32, #tpu.memory_space<hbm>>)
          tpu.yield
        }) : () -> ()
      } else {
      }
      %eq3A_135 = arith.constant 15 : i32
      %eq3A_136 = arith.cmpi eq, %arg1, %eq3A_135 : i32
      %convert_element_type3A_137 = arith.extui %eq3A_136 : i1 to i32
      %cond3A_138 = arith.constant 0 : i32
      %cond3A_139 = arith.cmpi ne, %convert_element_type3A_137, %cond3A_138 : i32
      scf.if %cond3A_139 {
        "tpu.region"() ({
          %run_scoped3A_140 = tpu.sem_alloc : memref<!tpu.dma_semaphore, #tpu.memory_space<semaphore_mem>>
          %dma_start3A_141 = arith.constant 9600 : i32
          %dma_start3A_142 = arith.constant 0 : i32
          %dma_start3A_143 = tpu.memref_slice %arg5[%dma_start3A_141, %dma_start3A_142] : memref<10000x128xf32, #tpu.memory_space<hbm>> -> memref<400x128xf32, #tpu.memory_space<hbm>>
          %dma_start3A_144 = arith.constant 9600 : i32
          %dma_start3A_145 = arith.constant 0 : i32
          %dma_start3A_146 = tpu.memref_slice %arg11[%dma_start3A_144, %dma_start3A_145] : memref<10240x128xf32, #tpu.memory_space<vmem_shared>> -> memref<400x128xf32, #tpu.memory_space<vmem_shared>>
          tpu.enqueue_dma source(%dma_start3A_146 : memref<400x128xf32, #tpu.memory_space<vmem_shared>>) target(%dma_start3A_143 : memref<400x128xf32, #tpu.memory_space<hbm>>) target_semaphore(%run_scoped3A_140 : memref<!tpu.dma_semaphore, #tpu.memory_space<semaphore_mem>>)
          %dma_wait3A_147 = arith.constant 9600 : i32
          %dma_wait3A_148 = arith.constant 0 : i32
          %dma_wait3A_149 = tpu.memref_slice %arg5[%dma_wait3A_147, %dma_wait3A_148] : memref<10000x128xf32, #tpu.memory_space<hbm>> -> memref<400x128xf32, #tpu.memory_space<hbm>>
          %dma_wait3A_150 = arith.constant 9600 : i32
          %dma_wait3A_151 = arith.constant 0 : i32
          %dma_wait3A_152 = tpu.memref_slice %arg11[%dma_wait3A_150, %dma_wait3A_151] : memref<10240x128xf32, #tpu.memory_space<vmem_shared>> -> memref<400x128xf32, #tpu.memory_space<vmem_shared>>
          tpu.wait_dma2 semaphore(%run_scoped3A_140 : memref<!tpu.dma_semaphore, #tpu.memory_space<semaphore_mem>>) src(%dma_wait3A_152 : memref<400x128xf32, #tpu.memory_space<vmem_shared>>) dst(%dma_wait3A_149 : memref<400x128xf32, #tpu.memory_space<hbm>>)
          tpu.yield
        }) : () -> ()
      } else {
      }
    } else {
    }
    %eq3A_44 = arith.constant 1 : i32
    %eq3A_45 = arith.cmpi eq, %arg0, %eq3A_44 : i32
    %convert_element_type3A_46 = arith.extui %eq3A_45 : i1 to i32
    %cond3A_47 = arith.constant 0 : i32
    %cond3A_48 = arith.cmpi ne, %convert_element_type3A_46, %cond3A_47 : i32
    scf.if %cond3A_48 {
      %mul3A_49 = arith.constant 80 : i32
      %mul3A_50 = arith.muli %arg1, %mul3A_49 : i32
      %add3A_51 = arith.constant 0 : i32
      %add3A_52 = arith.addi %mul3A_50, %add3A_51 : i32
      %run_scoped3A = arith.constant 0 : i32
      "tpu.region"() ({
        %run_scoped3A_140 = tpu.sem_alloc : memref<!tpu.dma_semaphore, #tpu.memory_space<semaphore_mem>>
        %dma_start3A_141 = arith.constant 0 : i32
        %dma_start3A_142 = tpu.memref_slice %arg4[%run_scoped3A, %add3A_52, %dma_start3A_141] : memref<2x1280x125xi32, #tpu.memory_space<hbm>> -> memref<1x40x125xi32, #tpu.memory_space<hbm>>
        %dma_start3A_143 = tpu.memref_squeeze %dma_start3A_142 : memref<1x40x125xi32, #tpu.memory_space<hbm>> -> memref<40x125xi32, #tpu.memory_space<hbm>>
        %dma_start3A_144 = arith.constant 0 : i32
        %dma_start3A_145 = tpu.memref_slice %arg4[%run_scoped3A, %add3A_52, %dma_start3A_144] : memref<2x1280x125xi32, #tpu.memory_space<hbm>> -> memref<1x40x125xi32, #tpu.memory_space<hbm>>
        %dma_start3A_146 = tpu.memref_squeeze %dma_start3A_145 : memref<1x40x125xi32, #tpu.memory_space<hbm>> -> memref<40x125xi32, #tpu.memory_space<hbm>>
        tpu.enqueue_dma source(%dma_start3A_146 : memref<40x125xi32, #tpu.memory_space<hbm>>) target(%arg7 : memref<40x125xi32, #tpu.memory_space<vmem>>) target_semaphore(%run_scoped3A_140 : memref<!tpu.dma_semaphore, #tpu.memory_space<semaphore_mem>>)
        %dma_wait3A_147 = arith.constant 0 : i32
        %dma_wait3A_148 = tpu.memref_slice %arg4[%run_scoped3A, %add3A_52, %dma_wait3A_147] : memref<2x1280x125xi32, #tpu.memory_space<hbm>> -> memref<1x40x125xi32, #tpu.memory_space<hbm>>
        %dma_wait3A_149 = tpu.memref_squeeze %dma_wait3A_148 : memref<1x40x125xi32, #tpu.memory_space<hbm>> -> memref<40x125xi32, #tpu.memory_space<hbm>>
        %dma_wait3A_150 = arith.constant 0 : i32
        %dma_wait3A_151 = tpu.memref_slice %arg4[%run_scoped3A, %add3A_52, %dma_wait3A_150] : memref<2x1280x125xi32, #tpu.memory_space<hbm>> -> memref<1x40x125xi32, #tpu.memory_space<hbm>>
        %dma_wait3A_152 = tpu.memref_squeeze %dma_wait3A_151 : memref<1x40x125xi32, #tpu.memory_space<hbm>> -> memref<40x125xi32, #tpu.memory_space<hbm>>
        tpu.wait_dma2 semaphore(%run_scoped3A_140 : memref<!tpu.dma_semaphore, #tpu.memory_space<semaphore_mem>>) src(%dma_wait3A_152 : memref<40x125xi32, #tpu.memory_space<hbm>>) dst(%arg7 : memref<40x125xi32, #tpu.memory_space<vmem>>)
        tpu.yield
      }) : () -> ()
      %add3A_53 = arith.constant 0 : i32
      %add3A_54 = arith.addi %mul3A_50, %add3A_53 : i32
      %run_scoped3A_55 = arith.constant 1 : i32
      "tpu.region"() ({
        %run_scoped3A_140 = tpu.sem_alloc : memref<!tpu.dma_semaphore, #tpu.memory_space<semaphore_mem>>
        %dma_start3A_141 = arith.constant 0 : i32
        %dma_start3A_142 = tpu.memref_slice %arg4[%run_scoped3A_55, %add3A_54, %dma_start3A_141] : memref<2x1280x125xi32, #tpu.memory_space<hbm>> -> memref<1x40x125xi32, #tpu.memory_space<hbm>>
        %dma_start3A_143 = tpu.memref_squeeze %dma_start3A_142 : memref<1x40x125xi32, #tpu.memory_space<hbm>> -> memref<40x125xi32, #tpu.memory_space<hbm>>
        %dma_start3A_144 = arith.constant 0 : i32
        %dma_start3A_145 = tpu.memref_slice %arg4[%run_scoped3A_55, %add3A_54, %dma_start3A_144] : memref<2x1280x125xi32, #tpu.memory_space<hbm>> -> memref<1x40x125xi32, #tpu.memory_space<hbm>>
        %dma_start3A_146 = tpu.memref_squeeze %dma_start3A_145 : memref<1x40x125xi32, #tpu.memory_space<hbm>> -> memref<40x125xi32, #tpu.memory_space<hbm>>
        tpu.enqueue_dma source(%dma_start3A_146 : memref<40x125xi32, #tpu.memory_space<hbm>>) target(%arg8 : memref<40x125xi32, #tpu.memory_space<vmem>>) target_semaphore(%run_scoped3A_140 : memref<!tpu.dma_semaphore, #tpu.memory_space<semaphore_mem>>)
        %dma_wait3A_147 = arith.constant 0 : i32
        %dma_wait3A_148 = tpu.memref_slice %arg4[%run_scoped3A_55, %add3A_54, %dma_wait3A_147] : memref<2x1280x125xi32, #tpu.memory_space<hbm>> -> memref<1x40x125xi32, #tpu.memory_space<hbm>>
        %dma_wait3A_149 = tpu.memref_squeeze %dma_wait3A_148 : memref<1x40x125xi32, #tpu.memory_space<hbm>> -> memref<40x125xi32, #tpu.memory_space<hbm>>
        %dma_wait3A_150 = arith.constant 0 : i32
        %dma_wait3A_151 = tpu.memref_slice %arg4[%run_scoped3A_55, %add3A_54, %dma_wait3A_150] : memref<2x1280x125xi32, #tpu.memory_space<hbm>> -> memref<1x40x125xi32, #tpu.memory_space<hbm>>
        %dma_wait3A_152 = tpu.memref_squeeze %dma_wait3A_151 : memref<1x40x125xi32, #tpu.memory_space<hbm>> -> memref<40x125xi32, #tpu.memory_space<hbm>>
        tpu.wait_dma2 semaphore(%run_scoped3A_140 : memref<!tpu.dma_semaphore, #tpu.memory_space<semaphore_mem>>) src(%dma_wait3A_152 : memref<40x125xi32, #tpu.memory_space<hbm>>) dst(%arg8 : memref<40x125xi32, #tpu.memory_space<vmem>>)
        tpu.yield
      }) : () -> ()
      %dma_start3A = arith.constant 0 : i32
      %dma_start3A_56 = arith.constant 0 : i32
      %dma_start3A_57 = tpu.memref_slice %arg7[%dma_start3A, %dma_start3A_56] : memref<40x125xi32, #tpu.memory_space<vmem>> -> memref<1x125xi32, #tpu.memory_space<vmem>>
      %dma_start3A_58 = tpu.memref_squeeze %dma_start3A_57 : memref<1x125xi32, #tpu.memory_space<vmem>> -> memref<125xi32, #tpu.memory_space<vmem>>
      %dma_start3A_59 = arith.constant 0 : i32
      %dma_start3A_60 = arith.constant 0 : i32
      %dma_start3A_61 = tpu.memref_slice %arg3[%dma_start3A_59, %dma_start3A_60] : memref<10000x128xf32, #tpu.memory_space<hbm>> -> memref<10000x128xf32, #tpu.memory_space<hbm>>
      tpu.enqueue_indirect_dma source(%dma_start3A_61 : memref<10000x128xf32, #tpu.memory_space<hbm>>) target(%arg9 : memref<125x128xf32, #tpu.memory_space<vmem>>) offsets(%dma_start3A_58 : memref<125xi32, #tpu.memory_space<vmem>>) semaphore(%arg12 : memref<!tpu.dma_semaphore, #tpu.memory_space<semaphore_mem>>)
      %scan3A_62 = arith.constant 0 : i32
      %scan3A_63 = arith.constant 19 : i32
      %scan3A_64 = arith.addi %scan3A_62, %scan3A_63 : i32
      %scan3A_65 = arith.constant 1 : i32
      scf.for %scan3A_140 = %scan3A_62 to %scan3A_64 step %scan3A_65  : i32 {
        %mul3A_141 = arith.constant 1 : i32
        %mul3A_142 = arith.muli %scan3A_140, %mul3A_141 : i32
        %add3A_143 = arith.constant 0 : i32
        %add3A_144 = arith.addi %add3A_143, %mul3A_142 : i32
        %mul3A_145 = arith.constant 2 : i32
        %mul3A_146 = arith.muli %mul3A_145, %add3A_144 : i32
        %add3A_147 = arith.constant 1 : i32
        %add3A_148 = arith.addi %mul3A_146, %add3A_147 : i32
        %dma_start3A_149 = arith.constant 0 : i32
        %dma_start3A_150 = tpu.memref_slice %arg7[%add3A_148, %dma_start3A_149] : memref<40x125xi32, #tpu.memory_space<vmem>> -> memref<1x125xi32, #tpu.memory_space<vmem>>
        %dma_start3A_151 = tpu.memref_squeeze %dma_start3A_150 : memref<1x125xi32, #tpu.memory_space<vmem>> -> memref<125xi32, #tpu.memory_space<vmem>>
        %dma_start3A_152 = arith.constant 0 : i32
        %dma_start3A_153 = arith.constant 0 : i32
        %dma_start3A_154 = tpu.memref_slice %arg3[%dma_start3A_152, %dma_start3A_153] : memref<10000x128xf32, #tpu.memory_space<hbm>> -> memref<10000x128xf32, #tpu.memory_space<hbm>>
        tpu.enqueue_indirect_dma source(%dma_start3A_154 : memref<10000x128xf32, #tpu.memory_space<hbm>>) target(%arg10 : memref<125x128xf32, #tpu.memory_space<vmem>>) offsets(%dma_start3A_151 : memref<125xi32, #tpu.memory_space<vmem>>) semaphore(%arg13 : memref<!tpu.dma_semaphore, #tpu.memory_space<semaphore_mem>>)
        %dma_wait3A_155 = arith.constant 0 : i32
        %dma_wait3A_156 = arith.constant 0 : i32
        %dma_wait3A_157 = tpu.memref_slice %arg7[%dma_wait3A_155, %dma_wait3A_156] : memref<40x125xi32, #tpu.memory_space<vmem>> -> memref<1x125xi32, #tpu.memory_space<vmem>>
        %dma_wait3A_158 = tpu.memref_squeeze %dma_wait3A_157 : memref<1x125xi32, #tpu.memory_space<vmem>> -> memref<125xi32, #tpu.memory_space<vmem>>
        %dma_wait3A_159 = arith.constant 0 : i32
        %dma_wait3A_160 = arith.constant 0 : i32
        %dma_wait3A_161 = tpu.memref_slice %arg3[%dma_wait3A_159, %dma_wait3A_160] : memref<10000x128xf32, #tpu.memory_space<hbm>> -> memref<10000x128xf32, #tpu.memory_space<hbm>>
        tpu.wait_indirect_dma semaphore(%arg12 : memref<!tpu.dma_semaphore, #tpu.memory_space<semaphore_mem>>) src(%dma_wait3A_161 : memref<10000x128xf32, #tpu.memory_space<hbm>>) dst(%arg9 : memref<125x128xf32, #tpu.memory_space<vmem>>)
        "tpu.region"() ({
          %run_scoped3A_179 = tpu.sem_alloc : memref<!tpu.dma_semaphore, #tpu.memory_space<semaphore_mem>>
          %dma_start3A_180 = arith.constant 0 : i32
          %dma_start3A_181 = tpu.memref_slice %arg8[%mul3A_146, %dma_start3A_180] : memref<40x125xi32, #tpu.memory_space<vmem>> -> memref<1x125xi32, #tpu.memory_space<vmem>>
          %dma_start3A_182 = tpu.memref_squeeze %dma_start3A_181 : memref<1x125xi32, #tpu.memory_space<vmem>> -> memref<125xi32, #tpu.memory_space<vmem>>
          %dma_start3A_183 = arith.constant 0 : i32
          %dma_start3A_184 = arith.constant 0 : i32
          %dma_start3A_185 = tpu.memref_slice %arg11[%dma_start3A_183, %dma_start3A_184] : memref<10240x128xf32, #tpu.memory_space<vmem_shared>> -> memref<10240x128xf32, #tpu.memory_space<vmem_shared>>
          tpu.enqueue_indirect_dma source(%arg9 : memref<125x128xf32, #tpu.memory_space<vmem>>) target(%dma_start3A_185 : memref<10240x128xf32, #tpu.memory_space<vmem_shared>>) offsets(%dma_start3A_182 : memref<125xi32, #tpu.memory_space<vmem>>) semaphore(%run_scoped3A_179 : memref<!tpu.dma_semaphore, #tpu.memory_space<semaphore_mem>>) {add = true}
          %dma_wait3A_186 = arith.constant 0 : i32
          %dma_wait3A_187 = tpu.memref_slice %arg8[%mul3A_146, %dma_wait3A_186] : memref<40x125xi32, #tpu.memory_space<vmem>> -> memref<1x125xi32, #tpu.memory_space<vmem>>
          %dma_wait3A_188 = tpu.memref_squeeze %dma_wait3A_187 : memref<1x125xi32, #tpu.memory_space<vmem>> -> memref<125xi32, #tpu.memory_space<vmem>>
          %dma_wait3A_189 = arith.constant 0 : i32
          %dma_wait3A_190 = arith.constant 0 : i32
          %dma_wait3A_191 = tpu.memref_slice %arg11[%dma_wait3A_189, %dma_wait3A_190] : memref<10240x128xf32, #tpu.memory_space<vmem_shared>> -> memref<10240x128xf32, #tpu.memory_space<vmem_shared>>
          tpu.wait_indirect_dma semaphore(%run_scoped3A_179 : memref<!tpu.dma_semaphore, #tpu.memory_space<semaphore_mem>>) src(%arg9 : memref<125x128xf32, #tpu.memory_space<vmem>>) dst(%dma_wait3A_191 : memref<10240x128xf32, #tpu.memory_space<vmem_shared>>)
          tpu.yield
        }) : () -> ()
        %add3A_162 = arith.constant 2 : i32
        %add3A_163 = arith.addi %mul3A_146, %add3A_162 : i32
        %dma_start3A_164 = arith.constant 0 : i32
        %dma_start3A_165 = tpu.memref_slice %arg7[%add3A_163, %dma_start3A_164] : memref<40x125xi32, #tpu.memory_space<vmem>> -> memref<1x125xi32, #tpu.memory_space<vmem>>
        %dma_start3A_166 = tpu.memref_squeeze %dma_start3A_165 : memref<1x125xi32, #tpu.memory_space<vmem>> -> memref<125xi32, #tpu.memory_space<vmem>>
        %dma_start3A_167 = arith.constant 0 : i32
        %dma_start3A_168 = arith.constant 0 : i32
        %dma_start3A_169 = tpu.memref_slice %arg3[%dma_start3A_167, %dma_start3A_168] : memref<10000x128xf32, #tpu.memory_space<hbm>> -> memref<10000x128xf32, #tpu.memory_space<hbm>>
        tpu.enqueue_indirect_dma source(%dma_start3A_169 : memref<10000x128xf32, #tpu.memory_space<hbm>>) target(%arg9 : memref<125x128xf32, #tpu.memory_space<vmem>>) offsets(%dma_start3A_166 : memref<125xi32, #tpu.memory_space<vmem>>) semaphore(%arg12 : memref<!tpu.dma_semaphore, #tpu.memory_space<semaphore_mem>>)
        %dma_wait3A_170 = arith.constant 0 : i32
        %dma_wait3A_171 = arith.constant 0 : i32
        %dma_wait3A_172 = tpu.memref_slice %arg7[%dma_wait3A_170, %dma_wait3A_171] : memref<40x125xi32, #tpu.memory_space<vmem>> -> memref<1x125xi32, #tpu.memory_space<vmem>>
        %dma_wait3A_173 = tpu.memref_squeeze %dma_wait3A_172 : memref<1x125xi32, #tpu.memory_space<vmem>> -> memref<125xi32, #tpu.memory_space<vmem>>
        %dma_wait3A_174 = arith.constant 0 : i32
        %dma_wait3A_175 = arith.constant 0 : i32
        %dma_wait3A_176 = tpu.memref_slice %arg3[%dma_wait3A_174, %dma_wait3A_175] : memref<10000x128xf32, #tpu.memory_space<hbm>> -> memref<10000x128xf32, #tpu.memory_space<hbm>>
        tpu.wait_indirect_dma semaphore(%arg13 : memref<!tpu.dma_semaphore, #tpu.memory_space<semaphore_mem>>) src(%dma_wait3A_176 : memref<10000x128xf32, #tpu.memory_space<hbm>>) dst(%arg10 : memref<125x128xf32, #tpu.memory_space<vmem>>)
        %add3A_177 = arith.constant 1 : i32
        %add3A_178 = arith.addi %mul3A_146, %add3A_177 : i32
        "tpu.region"() ({
          %run_scoped3A_179 = tpu.sem_alloc : memref<!tpu.dma_semaphore, #tpu.memory_space<semaphore_mem>>
          %dma_start3A_180 = arith.constant 0 : i32
          %dma_start3A_181 = tpu.memref_slice %arg8[%add3A_178, %dma_start3A_180] : memref<40x125xi32, #tpu.memory_space<vmem>> -> memref<1x125xi32, #tpu.memory_space<vmem>>
          %dma_start3A_182 = tpu.memref_squeeze %dma_start3A_181 : memref<1x125xi32, #tpu.memory_space<vmem>> -> memref<125xi32, #tpu.memory_space<vmem>>
          %dma_start3A_183 = arith.constant 0 : i32
          %dma_start3A_184 = arith.constant 0 : i32
          %dma_start3A_185 = tpu.memref_slice %arg11[%dma_start3A_183, %dma_start3A_184] : memref<10240x128xf32, #tpu.memory_space<vmem_shared>> -> memref<10240x128xf32, #tpu.memory_space<vmem_shared>>
          tpu.enqueue_indirect_dma source(%arg10 : memref<125x128xf32, #tpu.memory_space<vmem>>) target(%dma_start3A_185 : memref<10240x128xf32, #tpu.memory_space<vmem_shared>>) offsets(%dma_start3A_182 : memref<125xi32, #tpu.memory_space<vmem>>) semaphore(%run_scoped3A_179 : memref<!tpu.dma_semaphore, #tpu.memory_space<semaphore_mem>>) {add = true}
          %dma_wait3A_186 = arith.constant 0 : i32
          %dma_wait3A_187 = tpu.memref_slice %arg8[%add3A_178, %dma_wait3A_186] : memref<40x125xi32, #tpu.memory_space<vmem>> -> memref<1x125xi32, #tpu.memory_space<vmem>>
          %dma_wait3A_188 = tpu.memref_squeeze %dma_wait3A_187 : memref<1x125xi32, #tpu.memory_space<vmem>> -> memref<125xi32, #tpu.memory_space<vmem>>
          %dma_wait3A_189 = arith.constant 0 : i32
          %dma_wait3A_190 = arith.constant 0 : i32
          %dma_wait3A_191 = tpu.memref_slice %arg11[%dma_wait3A_189, %dma_wait3A_190] : memref<10240x128xf32, #tpu.memory_space<vmem_shared>> -> memref<10240x128xf32, #tpu.memory_space<vmem_shared>>
          tpu.wait_indirect_dma semaphore(%run_scoped3A_179 : memref<!tpu.dma_semaphore, #tpu.memory_space<semaphore_mem>>) src(%arg10 : memref<125x128xf32, #tpu.memory_space<vmem>>) dst(%dma_wait3A_191 : memref<10240x128xf32, #tpu.memory_space<vmem_shared>>)
          tpu.yield
        }) : () -> ()
      }
      %scan3A_66 = arith.constant 19 : i32
      %dma_start3A_67 = arith.constant 39 : i32
      %dma_start3A_68 = arith.constant 0 : i32
      %dma_start3A_69 = tpu.memref_slice %arg7[%dma_start3A_67, %dma_start3A_68] : memref<40x125xi32, #tpu.memory_space<vmem>> -> memref<1x125xi32, #tpu.memory_space<vmem>>
      %dma_start3A_70 = tpu.memref_squeeze %dma_start3A_69 : memref<1x125xi32, #tpu.memory_space<vmem>> -> memref<125xi32, #tpu.memory_space<vmem>>
      %dma_start3A_71 = arith.constant 0 : i32
      %dma_start3A_72 = arith.constant 0 : i32
      %dma_start3A_73 = tpu.memref_slice %arg3[%dma_start3A_71, %dma_start3A_72] : memref<10000x128xf32, #tpu.memory_space<hbm>> -> memref<10000x128xf32, #tpu.memory_space<hbm>>
      tpu.enqueue_indirect_dma source(%dma_start3A_73 : memref<10000x128xf32, #tpu.memory_space<hbm>>) target(%arg10 : memref<125x128xf32, #tpu.memory_space<vmem>>) offsets(%dma_start3A_70 : memref<125xi32, #tpu.memory_space<vmem>>) semaphore(%arg13 : memref<!tpu.dma_semaphore, #tpu.memory_space<semaphore_mem>>)
      %dma_wait3A = arith.constant 0 : i32
      %dma_wait3A_74 = arith.constant 0 : i32
      %dma_wait3A_75 = tpu.memref_slice %arg7[%dma_wait3A, %dma_wait3A_74] : memref<40x125xi32, #tpu.memory_space<vmem>> -> memref<1x125xi32, #tpu.memory_space<vmem>>
      %dma_wait3A_76 = tpu.memref_squeeze %dma_wait3A_75 : memref<1x125xi32, #tpu.memory_space<vmem>> -> memref<125xi32, #tpu.memory_space<vmem>>
      %dma_wait3A_77 = arith.constant 0 : i32
      %dma_wait3A_78 = arith.constant 0 : i32
      %dma_wait3A_79 = tpu.memref_slice %arg3[%dma_wait3A_77, %dma_wait3A_78] : memref<10000x128xf32, #tpu.memory_space<hbm>> -> memref<10000x128xf32, #tpu.memory_space<hbm>>
      tpu.wait_indirect_dma semaphore(%arg12 : memref<!tpu.dma_semaphore, #tpu.memory_space<semaphore_mem>>) src(%dma_wait3A_79 : memref<10000x128xf32, #tpu.memory_space<hbm>>) dst(%arg9 : memref<125x128xf32, #tpu.memory_space<vmem>>)
      %run_scoped3A_80 = arith.constant 38 : i32
      "tpu.region"() ({
        %run_scoped3A_140 = tpu.sem_alloc : memref<!tpu.dma_semaphore, #tpu.memory_space<semaphore_mem>>
        %dma_start3A_141 = arith.constant 0 : i32
        %dma_start3A_142 = tpu.memref_slice %arg8[%run_scoped3A_80, %dma_start3A_141] : memref<40x125xi32, #tpu.memory_space<vmem>> -> memref<1x125xi32, #tpu.memory_space<vmem>>
        %dma_start3A_143 = tpu.memref_squeeze %dma_start3A_142 : memref<1x125xi32, #tpu.memory_space<vmem>> -> memref<125xi32, #tpu.memory_space<vmem>>
        %dma_start3A_144 = arith.constant 0 : i32
        %dma_start3A_145 = arith.constant 0 : i32
        %dma_start3A_146 = tpu.memref_slice %arg11[%dma_start3A_144, %dma_start3A_145] : memref<10240x128xf32, #tpu.memory_space<vmem_shared>> -> memref<10240x128xf32, #tpu.memory_space<vmem_shared>>
        tpu.enqueue_indirect_dma source(%arg9 : memref<125x128xf32, #tpu.memory_space<vmem>>) target(%dma_start3A_146 : memref<10240x128xf32, #tpu.memory_space<vmem_shared>>) offsets(%dma_start3A_143 : memref<125xi32, #tpu.memory_space<vmem>>) semaphore(%run_scoped3A_140 : memref<!tpu.dma_semaphore, #tpu.memory_space<semaphore_mem>>) {add = true}
        %dma_wait3A_147 = arith.constant 0 : i32
        %dma_wait3A_148 = tpu.memref_slice %arg8[%run_scoped3A_80, %dma_wait3A_147] : memref<40x125xi32, #tpu.memory_space<vmem>> -> memref<1x125xi32, #tpu.memory_space<vmem>>
        %dma_wait3A_149 = tpu.memref_squeeze %dma_wait3A_148 : memref<1x125xi32, #tpu.memory_space<vmem>> -> memref<125xi32, #tpu.memory_space<vmem>>
        %dma_wait3A_150 = arith.constant 0 : i32
        %dma_wait3A_151 = arith.constant 0 : i32
        %dma_wait3A_152 = tpu.memref_slice %arg11[%dma_wait3A_150, %dma_wait3A_151] : memref<10240x128xf32, #tpu.memory_space<vmem_shared>> -> memref<10240x128xf32, #tpu.memory_space<vmem_shared>>
        tpu.wait_indirect_dma semaphore(%run_scoped3A_140 : memref<!tpu.dma_semaphore, #tpu.memory_space<semaphore_mem>>) src(%arg9 : memref<125x128xf32, #tpu.memory_space<vmem>>) dst(%dma_wait3A_152 : memref<10240x128xf32, #tpu.memory_space<vmem_shared>>)
        tpu.yield
      }) : () -> ()
      %dma_wait3A_81 = arith.constant 0 : i32
      %dma_wait3A_82 = arith.constant 0 : i32
      %dma_wait3A_83 = tpu.memref_slice %arg7[%dma_wait3A_81, %dma_wait3A_82] : memref<40x125xi32, #tpu.memory_space<vmem>> -> memref<1x125xi32, #tpu.memory_space<vmem>>
      %dma_wait3A_84 = tpu.memref_squeeze %dma_wait3A_83 : memref<1x125xi32, #tpu.memory_space<vmem>> -> memref<125xi32, #tpu.memory_space<vmem>>
      %dma_wait3A_85 = arith.constant 0 : i32
      %dma_wait3A_86 = arith.constant 0 : i32
      %dma_wait3A_87 = tpu.memref_slice %arg3[%dma_wait3A_85, %dma_wait3A_86] : memref<10000x128xf32, #tpu.memory_space<hbm>> -> memref<10000x128xf32, #tpu.memory_space<hbm>>
      tpu.wait_indirect_dma semaphore(%arg13 : memref<!tpu.dma_semaphore, #tpu.memory_space<semaphore_mem>>) src(%dma_wait3A_87 : memref<10000x128xf32, #tpu.memory_space<hbm>>) dst(%arg10 : memref<125x128xf32, #tpu.memory_space<vmem>>)
      %run_scoped3A_88 = arith.constant 39 : i32
      "tpu.region"() ({
        %run_scoped3A_140 = tpu.sem_alloc : memref<!tpu.dma_semaphore, #tpu.memory_space<semaphore_mem>>
        %dma_start3A_141 = arith.constant 0 : i32
        %dma_start3A_142 = tpu.memref_slice %arg8[%run_scoped3A_88, %dma_start3A_141] : memref<40x125xi32, #tpu.memory_space<vmem>> -> memref<1x125xi32, #tpu.memory_space<vmem>>
        %dma_start3A_143 = tpu.memref_squeeze %dma_start3A_142 : memref<1x125xi32, #tpu.memory_space<vmem>> -> memref<125xi32, #tpu.memory_space<vmem>>
        %dma_start3A_144 = arith.constant 0 : i32
        %dma_start3A_145 = arith.constant 0 : i32
        %dma_start3A_146 = tpu.memref_slice %arg11[%dma_start3A_144, %dma_start3A_145] : memref<10240x128xf32, #tpu.memory_space<vmem_shared>> -> memref<10240x128xf32, #tpu.memory_space<vmem_shared>>
        tpu.enqueue_indirect_dma source(%arg10 : memref<125x128xf32, #tpu.memory_space<vmem>>) target(%dma_start3A_146 : memref<10240x128xf32, #tpu.memory_space<vmem_shared>>) offsets(%dma_start3A_143 : memref<125xi32, #tpu.memory_space<vmem>>) semaphore(%run_scoped3A_140 : memref<!tpu.dma_semaphore, #tpu.memory_space<semaphore_mem>>) {add = true}
        %dma_wait3A_147 = arith.constant 0 : i32
        %dma_wait3A_148 = tpu.memref_slice %arg8[%run_scoped3A_88, %dma_wait3A_147] : memref<40x125xi32, #tpu.memory_space<vmem>> -> memref<1x125xi32, #tpu.memory_space<vmem>>
        %dma_wait3A_149 = tpu.memref_squeeze %dma_wait3A_148 : memref<1x125xi32, #tpu.memory_space<vmem>> -> memref<125xi32, #tpu.memory_space<vmem>>
        %dma_wait3A_150 = arith.constant 0 : i32
        %dma_wait3A_151 = arith.constant 0 : i32
        %dma_wait3A_152 = tpu.memref_slice %arg11[%dma_wait3A_150, %dma_wait3A_151] : memref<10240x128xf32, #tpu.memory_space<vmem_shared>> -> memref<10240x128xf32, #tpu.memory_space<vmem_shared>>
        tpu.wait_indirect_dma semaphore(%run_scoped3A_140 : memref<!tpu.dma_semaphore, #tpu.memory_space<semaphore_mem>>) src(%arg10 : memref<125x128xf32, #tpu.memory_space<vmem>>) dst(%dma_wait3A_152 : memref<10240x128xf32, #tpu.memory_space<vmem_shared>>)
        tpu.yield
      }) : () -> ()
      %add3A_89 = arith.constant 40 : i32
      %add3A_90 = arith.addi %mul3A_50, %add3A_89 : i32
      %run_scoped3A_91 = arith.constant 0 : i32
      "tpu.region"() ({
        %run_scoped3A_140 = tpu.sem_alloc : memref<!tpu.dma_semaphore, #tpu.memory_space<semaphore_mem>>
        %dma_start3A_141 = arith.constant 0 : i32
        %dma_start3A_142 = tpu.memref_slice %arg4[%run_scoped3A_91, %add3A_90, %dma_start3A_141] : memref<2x1280x125xi32, #tpu.memory_space<hbm>> -> memref<1x40x125xi32, #tpu.memory_space<hbm>>
        %dma_start3A_143 = tpu.memref_squeeze %dma_start3A_142 : memref<1x40x125xi32, #tpu.memory_space<hbm>> -> memref<40x125xi32, #tpu.memory_space<hbm>>
        %dma_start3A_144 = arith.constant 0 : i32
        %dma_start3A_145 = tpu.memref_slice %arg4[%run_scoped3A_91, %add3A_90, %dma_start3A_144] : memref<2x1280x125xi32, #tpu.memory_space<hbm>> -> memref<1x40x125xi32, #tpu.memory_space<hbm>>
        %dma_start3A_146 = tpu.memref_squeeze %dma_start3A_145 : memref<1x40x125xi32, #tpu.memory_space<hbm>> -> memref<40x125xi32, #tpu.memory_space<hbm>>
        tpu.enqueue_dma source(%dma_start3A_146 : memref<40x125xi32, #tpu.memory_space<hbm>>) target(%arg7 : memref<40x125xi32, #tpu.memory_space<vmem>>) target_semaphore(%run_scoped3A_140 : memref<!tpu.dma_semaphore, #tpu.memory_space<semaphore_mem>>)
        %dma_wait3A_147 = arith.constant 0 : i32
        %dma_wait3A_148 = tpu.memref_slice %arg4[%run_scoped3A_91, %add3A_90, %dma_wait3A_147] : memref<2x1280x125xi32, #tpu.memory_space<hbm>> -> memref<1x40x125xi32, #tpu.memory_space<hbm>>
        %dma_wait3A_149 = tpu.memref_squeeze %dma_wait3A_148 : memref<1x40x125xi32, #tpu.memory_space<hbm>> -> memref<40x125xi32, #tpu.memory_space<hbm>>
        %dma_wait3A_150 = arith.constant 0 : i32
        %dma_wait3A_151 = tpu.memref_slice %arg4[%run_scoped3A_91, %add3A_90, %dma_wait3A_150] : memref<2x1280x125xi32, #tpu.memory_space<hbm>> -> memref<1x40x125xi32, #tpu.memory_space<hbm>>
        %dma_wait3A_152 = tpu.memref_squeeze %dma_wait3A_151 : memref<1x40x125xi32, #tpu.memory_space<hbm>> -> memref<40x125xi32, #tpu.memory_space<hbm>>
        tpu.wait_dma2 semaphore(%run_scoped3A_140 : memref<!tpu.dma_semaphore, #tpu.memory_space<semaphore_mem>>) src(%dma_wait3A_152 : memref<40x125xi32, #tpu.memory_space<hbm>>) dst(%arg7 : memref<40x125xi32, #tpu.memory_space<vmem>>)
        tpu.yield
      }) : () -> ()
      %add3A_92 = arith.constant 40 : i32
      %add3A_93 = arith.addi %mul3A_50, %add3A_92 : i32
      %run_scoped3A_94 = arith.constant 1 : i32
      "tpu.region"() ({
        %run_scoped3A_140 = tpu.sem_alloc : memref<!tpu.dma_semaphore, #tpu.memory_space<semaphore_mem>>
        %dma_start3A_141 = arith.constant 0 : i32
        %dma_start3A_142 = tpu.memref_slice %arg4[%run_scoped3A_94, %add3A_93, %dma_start3A_141] : memref<2x1280x125xi32, #tpu.memory_space<hbm>> -> memref<1x40x125xi32, #tpu.memory_space<hbm>>
        %dma_start3A_143 = tpu.memref_squeeze %dma_start3A_142 : memref<1x40x125xi32, #tpu.memory_space<hbm>> -> memref<40x125xi32, #tpu.memory_space<hbm>>
        %dma_start3A_144 = arith.constant 0 : i32
        %dma_start3A_145 = tpu.memref_slice %arg4[%run_scoped3A_94, %add3A_93, %dma_start3A_144] : memref<2x1280x125xi32, #tpu.memory_space<hbm>> -> memref<1x40x125xi32, #tpu.memory_space<hbm>>
        %dma_start3A_146 = tpu.memref_squeeze %dma_start3A_145 : memref<1x40x125xi32, #tpu.memory_space<hbm>> -> memref<40x125xi32, #tpu.memory_space<hbm>>
        tpu.enqueue_dma source(%dma_start3A_146 : memref<40x125xi32, #tpu.memory_space<hbm>>) target(%arg8 : memref<40x125xi32, #tpu.memory_space<vmem>>) target_semaphore(%run_scoped3A_140 : memref<!tpu.dma_semaphore, #tpu.memory_space<semaphore_mem>>)
        %dma_wait3A_147 = arith.constant 0 : i32
        %dma_wait3A_148 = tpu.memref_slice %arg4[%run_scoped3A_94, %add3A_93, %dma_wait3A_147] : memref<2x1280x125xi32, #tpu.memory_space<hbm>> -> memref<1x40x125xi32, #tpu.memory_space<hbm>>
        %dma_wait3A_149 = tpu.memref_squeeze %dma_wait3A_148 : memref<1x40x125xi32, #tpu.memory_space<hbm>> -> memref<40x125xi32, #tpu.memory_space<hbm>>
        %dma_wait3A_150 = arith.constant 0 : i32
        %dma_wait3A_151 = tpu.memref_slice %arg4[%run_scoped3A_94, %add3A_93, %dma_wait3A_150] : memref<2x1280x125xi32, #tpu.memory_space<hbm>> -> memref<1x40x125xi32, #tpu.memory_space<hbm>>
        %dma_wait3A_152 = tpu.memref_squeeze %dma_wait3A_151 : memref<1x40x125xi32, #tpu.memory_space<hbm>> -> memref<40x125xi32, #tpu.memory_space<hbm>>
        tpu.wait_dma2 semaphore(%run_scoped3A_140 : memref<!tpu.dma_semaphore, #tpu.memory_space<semaphore_mem>>) src(%dma_wait3A_152 : memref<40x125xi32, #tpu.memory_space<hbm>>) dst(%arg8 : memref<40x125xi32, #tpu.memory_space<vmem>>)
        tpu.yield
      }) : () -> ()
      %dma_start3A_95 = arith.constant 0 : i32
      %dma_start3A_96 = arith.constant 0 : i32
      %dma_start3A_97 = tpu.memref_slice %arg7[%dma_start3A_95, %dma_start3A_96] : memref<40x125xi32, #tpu.memory_space<vmem>> -> memref<1x125xi32, #tpu.memory_space<vmem>>
      %dma_start3A_98 = tpu.memref_squeeze %dma_start3A_97 : memref<1x125xi32, #tpu.memory_space<vmem>> -> memref<125xi32, #tpu.memory_space<vmem>>
      %dma_start3A_99 = arith.constant 0 : i32
      %dma_start3A_100 = arith.constant 0 : i32
      %dma_start3A_101 = tpu.memref_slice %arg3[%dma_start3A_99, %dma_start3A_100] : memref<10000x128xf32, #tpu.memory_space<hbm>> -> memref<10000x128xf32, #tpu.memory_space<hbm>>
      tpu.enqueue_indirect_dma source(%dma_start3A_101 : memref<10000x128xf32, #tpu.memory_space<hbm>>) target(%arg9 : memref<125x128xf32, #tpu.memory_space<vmem>>) offsets(%dma_start3A_98 : memref<125xi32, #tpu.memory_space<vmem>>) semaphore(%arg12 : memref<!tpu.dma_semaphore, #tpu.memory_space<semaphore_mem>>)
      %scan3A_102 = arith.constant 0 : i32
      %scan3A_103 = arith.constant 19 : i32
      %scan3A_104 = arith.addi %scan3A_102, %scan3A_103 : i32
      %scan3A_105 = arith.constant 1 : i32
      scf.for %scan3A_140 = %scan3A_102 to %scan3A_104 step %scan3A_105  : i32 {
        %mul3A_141 = arith.constant 1 : i32
        %mul3A_142 = arith.muli %scan3A_140, %mul3A_141 : i32
        %add3A_143 = arith.constant 0 : i32
        %add3A_144 = arith.addi %add3A_143, %mul3A_142 : i32
        %mul3A_145 = arith.constant 2 : i32
        %mul3A_146 = arith.muli %mul3A_145, %add3A_144 : i32
        %add3A_147 = arith.constant 1 : i32
        %add3A_148 = arith.addi %mul3A_146, %add3A_147 : i32
        %dma_start3A_149 = arith.constant 0 : i32
        %dma_start3A_150 = tpu.memref_slice %arg7[%add3A_148, %dma_start3A_149] : memref<40x125xi32, #tpu.memory_space<vmem>> -> memref<1x125xi32, #tpu.memory_space<vmem>>
        %dma_start3A_151 = tpu.memref_squeeze %dma_start3A_150 : memref<1x125xi32, #tpu.memory_space<vmem>> -> memref<125xi32, #tpu.memory_space<vmem>>
        %dma_start3A_152 = arith.constant 0 : i32
        %dma_start3A_153 = arith.constant 0 : i32
        %dma_start3A_154 = tpu.memref_slice %arg3[%dma_start3A_152, %dma_start3A_153] : memref<10000x128xf32, #tpu.memory_space<hbm>> -> memref<10000x128xf32, #tpu.memory_space<hbm>>
        tpu.enqueue_indirect_dma source(%dma_start3A_154 : memref<10000x128xf32, #tpu.memory_space<hbm>>) target(%arg10 : memref<125x128xf32, #tpu.memory_space<vmem>>) offsets(%dma_start3A_151 : memref<125xi32, #tpu.memory_space<vmem>>) semaphore(%arg13 : memref<!tpu.dma_semaphore, #tpu.memory_space<semaphore_mem>>)
        %dma_wait3A_155 = arith.constant 0 : i32
        %dma_wait3A_156 = arith.constant 0 : i32
        %dma_wait3A_157 = tpu.memref_slice %arg7[%dma_wait3A_155, %dma_wait3A_156] : memref<40x125xi32, #tpu.memory_space<vmem>> -> memref<1x125xi32, #tpu.memory_space<vmem>>
        %dma_wait3A_158 = tpu.memref_squeeze %dma_wait3A_157 : memref<1x125xi32, #tpu.memory_space<vmem>> -> memref<125xi32, #tpu.memory_space<vmem>>
        %dma_wait3A_159 = arith.constant 0 : i32
        %dma_wait3A_160 = arith.constant 0 : i32
        %dma_wait3A_161 = tpu.memref_slice %arg3[%dma_wait3A_159, %dma_wait3A_160] : memref<10000x128xf32, #tpu.memory_space<hbm>> -> memref<10000x128xf32, #tpu.memory_space<hbm>>
        tpu.wait_indirect_dma semaphore(%arg12 : memref<!tpu.dma_semaphore, #tpu.memory_space<semaphore_mem>>) src(%dma_wait3A_161 : memref<10000x128xf32, #tpu.memory_space<hbm>>) dst(%arg9 : memref<125x128xf32, #tpu.memory_space<vmem>>)
        "tpu.region"() ({
          %run_scoped3A_179 = tpu.sem_alloc : memref<!tpu.dma_semaphore, #tpu.memory_space<semaphore_mem>>
          %dma_start3A_180 = arith.constant 0 : i32
          %dma_start3A_181 = tpu.memref_slice %arg8[%mul3A_146, %dma_start3A_180] : memref<40x125xi32, #tpu.memory_space<vmem>> -> memref<1x125xi32, #tpu.memory_space<vmem>>
          %dma_start3A_182 = tpu.memref_squeeze %dma_start3A_181 : memref<1x125xi32, #tpu.memory_space<vmem>> -> memref<125xi32, #tpu.memory_space<vmem>>
          %dma_start3A_183 = arith.constant 0 : i32
          %dma_start3A_184 = arith.constant 0 : i32
          %dma_start3A_185 = tpu.memref_slice %arg11[%dma_start3A_183, %dma_start3A_184] : memref<10240x128xf32, #tpu.memory_space<vmem_shared>> -> memref<10240x128xf32, #tpu.memory_space<vmem_shared>>
          tpu.enqueue_indirect_dma source(%arg9 : memref<125x128xf32, #tpu.memory_space<vmem>>) target(%dma_start3A_185 : memref<10240x128xf32, #tpu.memory_space<vmem_shared>>) offsets(%dma_start3A_182 : memref<125xi32, #tpu.memory_space<vmem>>) semaphore(%run_scoped3A_179 : memref<!tpu.dma_semaphore, #tpu.memory_space<semaphore_mem>>) {add = true}
          %dma_wait3A_186 = arith.constant 0 : i32
          %dma_wait3A_187 = tpu.memref_slice %arg8[%mul3A_146, %dma_wait3A_186] : memref<40x125xi32, #tpu.memory_space<vmem>> -> memref<1x125xi32, #tpu.memory_space<vmem>>
          %dma_wait3A_188 = tpu.memref_squeeze %dma_wait3A_187 : memref<1x125xi32, #tpu.memory_space<vmem>> -> memref<125xi32, #tpu.memory_space<vmem>>
          %dma_wait3A_189 = arith.constant 0 : i32
          %dma_wait3A_190 = arith.constant 0 : i32
          %dma_wait3A_191 = tpu.memref_slice %arg11[%dma_wait3A_189, %dma_wait3A_190] : memref<10240x128xf32, #tpu.memory_space<vmem_shared>> -> memref<10240x128xf32, #tpu.memory_space<vmem_shared>>
          tpu.wait_indirect_dma semaphore(%run_scoped3A_179 : memref<!tpu.dma_semaphore, #tpu.memory_space<semaphore_mem>>) src(%arg9 : memref<125x128xf32, #tpu.memory_space<vmem>>) dst(%dma_wait3A_191 : memref<10240x128xf32, #tpu.memory_space<vmem_shared>>)
          tpu.yield
        }) : () -> ()
        %add3A_162 = arith.constant 2 : i32
        %add3A_163 = arith.addi %mul3A_146, %add3A_162 : i32
        %dma_start3A_164 = arith.constant 0 : i32
        %dma_start3A_165 = tpu.memref_slice %arg7[%add3A_163, %dma_start3A_164] : memref<40x125xi32, #tpu.memory_space<vmem>> -> memref<1x125xi32, #tpu.memory_space<vmem>>
        %dma_start3A_166 = tpu.memref_squeeze %dma_start3A_165 : memref<1x125xi32, #tpu.memory_space<vmem>> -> memref<125xi32, #tpu.memory_space<vmem>>
        %dma_start3A_167 = arith.constant 0 : i32
        %dma_start3A_168 = arith.constant 0 : i32
        %dma_start3A_169 = tpu.memref_slice %arg3[%dma_start3A_167, %dma_start3A_168] : memref<10000x128xf32, #tpu.memory_space<hbm>> -> memref<10000x128xf32, #tpu.memory_space<hbm>>
        tpu.enqueue_indirect_dma source(%dma_start3A_169 : memref<10000x128xf32, #tpu.memory_space<hbm>>) target(%arg9 : memref<125x128xf32, #tpu.memory_space<vmem>>) offsets(%dma_start3A_166 : memref<125xi32, #tpu.memory_space<vmem>>) semaphore(%arg12 : memref<!tpu.dma_semaphore, #tpu.memory_space<semaphore_mem>>)
        %dma_wait3A_170 = arith.constant 0 : i32
        %dma_wait3A_171 = arith.constant 0 : i32
        %dma_wait3A_172 = tpu.memref_slice %arg7[%dma_wait3A_170, %dma_wait3A_171] : memref<40x125xi32, #tpu.memory_space<vmem>> -> memref<1x125xi32, #tpu.memory_space<vmem>>
        %dma_wait3A_173 = tpu.memref_squeeze %dma_wait3A_172 : memref<1x125xi32, #tpu.memory_space<vmem>> -> memref<125xi32, #tpu.memory_space<vmem>>
        %dma_wait3A_174 = arith.constant 0 : i32
        %dma_wait3A_175 = arith.constant 0 : i32
        %dma_wait3A_176 = tpu.memref_slice %arg3[%dma_wait3A_174, %dma_wait3A_175] : memref<10000x128xf32, #tpu.memory_space<hbm>> -> memref<10000x128xf32, #tpu.memory_space<hbm>>
        tpu.wait_indirect_dma semaphore(%arg13 : memref<!tpu.dma_semaphore, #tpu.memory_space<semaphore_mem>>) src(%dma_wait3A_176 : memref<10000x128xf32, #tpu.memory_space<hbm>>) dst(%arg10 : memref<125x128xf32, #tpu.memory_space<vmem>>)
        %add3A_177 = arith.constant 1 : i32
        %add3A_178 = arith.addi %mul3A_146, %add3A_177 : i32
        "tpu.region"() ({
          %run_scoped3A_179 = tpu.sem_alloc : memref<!tpu.dma_semaphore, #tpu.memory_space<semaphore_mem>>
          %dma_start3A_180 = arith.constant 0 : i32
          %dma_start3A_181 = tpu.memref_slice %arg8[%add3A_178, %dma_start3A_180] : memref<40x125xi32, #tpu.memory_space<vmem>> -> memref<1x125xi32, #tpu.memory_space<vmem>>
          %dma_start3A_182 = tpu.memref_squeeze %dma_start3A_181 : memref<1x125xi32, #tpu.memory_space<vmem>> -> memref<125xi32, #tpu.memory_space<vmem>>
          %dma_start3A_183 = arith.constant 0 : i32
          %dma_start3A_184 = arith.constant 0 : i32
          %dma_start3A_185 = tpu.memref_slice %arg11[%dma_start3A_183, %dma_start3A_184] : memref<10240x128xf32, #tpu.memory_space<vmem_shared>> -> memref<10240x128xf32, #tpu.memory_space<vmem_shared>>
          tpu.enqueue_indirect_dma source(%arg10 : memref<125x128xf32, #tpu.memory_space<vmem>>) target(%dma_start3A_185 : memref<10240x128xf32, #tpu.memory_space<vmem_shared>>) offsets(%dma_start3A_182 : memref<125xi32, #tpu.memory_space<vmem>>) semaphore(%run_scoped3A_179 : memref<!tpu.dma_semaphore, #tpu.memory_space<semaphore_mem>>) {add = true}
          %dma_wait3A_186 = arith.constant 0 : i32
          %dma_wait3A_187 = tpu.memref_slice %arg8[%add3A_178, %dma_wait3A_186] : memref<40x125xi32, #tpu.memory_space<vmem>> -> memref<1x125xi32, #tpu.memory_space<vmem>>
          %dma_wait3A_188 = tpu.memref_squeeze %dma_wait3A_187 : memref<1x125xi32, #tpu.memory_space<vmem>> -> memref<125xi32, #tpu.memory_space<vmem>>
          %dma_wait3A_189 = arith.constant 0 : i32
          %dma_wait3A_190 = arith.constant 0 : i32
          %dma_wait3A_191 = tpu.memref_slice %arg11[%dma_wait3A_189, %dma_wait3A_190] : memref<10240x128xf32, #tpu.memory_space<vmem_shared>> -> memref<10240x128xf32, #tpu.memory_space<vmem_shared>>
          tpu.wait_indirect_dma semaphore(%run_scoped3A_179 : memref<!tpu.dma_semaphore, #tpu.memory_space<semaphore_mem>>) src(%arg10 : memref<125x128xf32, #tpu.memory_space<vmem>>) dst(%dma_wait3A_191 : memref<10240x128xf32, #tpu.memory_space<vmem_shared>>)
          tpu.yield
        }) : () -> ()
      }
      %scan3A_106 = arith.constant 19 : i32
      %dma_start3A_107 = arith.constant 39 : i32
      %dma_start3A_108 = arith.constant 0 : i32
      %dma_start3A_109 = tpu.memref_slice %arg7[%dma_start3A_107, %dma_start3A_108] : memref<40x125xi32, #tpu.memory_space<vmem>> -> memref<1x125xi32, #tpu.memory_space<vmem>>
      %dma_start3A_110 = tpu.memref_squeeze %dma_start3A_109 : memref<1x125xi32, #tpu.memory_space<vmem>> -> memref<125xi32, #tpu.memory_space<vmem>>
      %dma_start3A_111 = arith.constant 0 : i32
      %dma_start3A_112 = arith.constant 0 : i32
      %dma_start3A_113 = tpu.memref_slice %arg3[%dma_start3A_111, %dma_start3A_112] : memref<10000x128xf32, #tpu.memory_space<hbm>> -> memref<10000x128xf32, #tpu.memory_space<hbm>>
      tpu.enqueue_indirect_dma source(%dma_start3A_113 : memref<10000x128xf32, #tpu.memory_space<hbm>>) target(%arg10 : memref<125x128xf32, #tpu.memory_space<vmem>>) offsets(%dma_start3A_110 : memref<125xi32, #tpu.memory_space<vmem>>) semaphore(%arg13 : memref<!tpu.dma_semaphore, #tpu.memory_space<semaphore_mem>>)
      %dma_wait3A_114 = arith.constant 0 : i32
      %dma_wait3A_115 = arith.constant 0 : i32
      %dma_wait3A_116 = tpu.memref_slice %arg7[%dma_wait3A_114, %dma_wait3A_115] : memref<40x125xi32, #tpu.memory_space<vmem>> -> memref<1x125xi32, #tpu.memory_space<vmem>>
      %dma_wait3A_117 = tpu.memref_squeeze %dma_wait3A_116 : memref<1x125xi32, #tpu.memory_space<vmem>> -> memref<125xi32, #tpu.memory_space<vmem>>
      %dma_wait3A_118 = arith.constant 0 : i32
      %dma_wait3A_119 = arith.constant 0 : i32
      %dma_wait3A_120 = tpu.memref_slice %arg3[%dma_wait3A_118, %dma_wait3A_119] : memref<10000x128xf32, #tpu.memory_space<hbm>> -> memref<10000x128xf32, #tpu.memory_space<hbm>>
      tpu.wait_indirect_dma semaphore(%arg12 : memref<!tpu.dma_semaphore, #tpu.memory_space<semaphore_mem>>) src(%dma_wait3A_120 : memref<10000x128xf32, #tpu.memory_space<hbm>>) dst(%arg9 : memref<125x128xf32, #tpu.memory_space<vmem>>)
      %run_scoped3A_121 = arith.constant 38 : i32
      "tpu.region"() ({
        %run_scoped3A_140 = tpu.sem_alloc : memref<!tpu.dma_semaphore, #tpu.memory_space<semaphore_mem>>
        %dma_start3A_141 = arith.constant 0 : i32
        %dma_start3A_142 = tpu.memref_slice %arg8[%run_scoped3A_121, %dma_start3A_141] : memref<40x125xi32, #tpu.memory_space<vmem>> -> memref<1x125xi32, #tpu.memory_space<vmem>>
        %dma_start3A_143 = tpu.memref_squeeze %dma_start3A_142 : memref<1x125xi32, #tpu.memory_space<vmem>> -> memref<125xi32, #tpu.memory_space<vmem>>
        %dma_start3A_144 = arith.constant 0 : i32
        %dma_start3A_145 = arith.constant 0 : i32
        %dma_start3A_146 = tpu.memref_slice %arg11[%dma_start3A_144, %dma_start3A_145] : memref<10240x128xf32, #tpu.memory_space<vmem_shared>> -> memref<10240x128xf32, #tpu.memory_space<vmem_shared>>
        tpu.enqueue_indirect_dma source(%arg9 : memref<125x128xf32, #tpu.memory_space<vmem>>) target(%dma_start3A_146 : memref<10240x128xf32, #tpu.memory_space<vmem_shared>>) offsets(%dma_start3A_143 : memref<125xi32, #tpu.memory_space<vmem>>) semaphore(%run_scoped3A_140 : memref<!tpu.dma_semaphore, #tpu.memory_space<semaphore_mem>>) {add = true}
        %dma_wait3A_147 = arith.constant 0 : i32
        %dma_wait3A_148 = tpu.memref_slice %arg8[%run_scoped3A_121, %dma_wait3A_147] : memref<40x125xi32, #tpu.memory_space<vmem>> -> memref<1x125xi32, #tpu.memory_space<vmem>>
        %dma_wait3A_149 = tpu.memref_squeeze %dma_wait3A_148 : memref<1x125xi32, #tpu.memory_space<vmem>> -> memref<125xi32, #tpu.memory_space<vmem>>
        %dma_wait3A_150 = arith.constant 0 : i32
        %dma_wait3A_151 = arith.constant 0 : i32
        %dma_wait3A_152 = tpu.memref_slice %arg11[%dma_wait3A_150, %dma_wait3A_151] : memref<10240x128xf32, #tpu.memory_space<vmem_shared>> -> memref<10240x128xf32, #tpu.memory_space<vmem_shared>>
        tpu.wait_indirect_dma semaphore(%run_scoped3A_140 : memref<!tpu.dma_semaphore, #tpu.memory_space<semaphore_mem>>) src(%arg9 : memref<125x128xf32, #tpu.memory_space<vmem>>) dst(%dma_wait3A_152 : memref<10240x128xf32, #tpu.memory_space<vmem_shared>>)
        tpu.yield
      }) : () -> ()
      %dma_wait3A_122 = arith.constant 0 : i32
      %dma_wait3A_123 = arith.constant 0 : i32
      %dma_wait3A_124 = tpu.memref_slice %arg7[%dma_wait3A_122, %dma_wait3A_123] : memref<40x125xi32, #tpu.memory_space<vmem>> -> memref<1x125xi32, #tpu.memory_space<vmem>>
      %dma_wait3A_125 = tpu.memref_squeeze %dma_wait3A_124 : memref<1x125xi32, #tpu.memory_space<vmem>> -> memref<125xi32, #tpu.memory_space<vmem>>
      %dma_wait3A_126 = arith.constant 0 : i32
      %dma_wait3A_127 = arith.constant 0 : i32
      %dma_wait3A_128 = tpu.memref_slice %arg3[%dma_wait3A_126, %dma_wait3A_127] : memref<10000x128xf32, #tpu.memory_space<hbm>> -> memref<10000x128xf32, #tpu.memory_space<hbm>>
      tpu.wait_indirect_dma semaphore(%arg13 : memref<!tpu.dma_semaphore, #tpu.memory_space<semaphore_mem>>) src(%dma_wait3A_128 : memref<10000x128xf32, #tpu.memory_space<hbm>>) dst(%arg10 : memref<125x128xf32, #tpu.memory_space<vmem>>)
      %run_scoped3A_129 = arith.constant 39 : i32
      "tpu.region"() ({
        %run_scoped3A_140 = tpu.sem_alloc : memref<!tpu.dma_semaphore, #tpu.memory_space<semaphore_mem>>
        %dma_start3A_141 = arith.constant 0 : i32
        %dma_start3A_142 = tpu.memref_slice %arg8[%run_scoped3A_129, %dma_start3A_141] : memref<40x125xi32, #tpu.memory_space<vmem>> -> memref<1x125xi32, #tpu.memory_space<vmem>>
        %dma_start3A_143 = tpu.memref_squeeze %dma_start3A_142 : memref<1x125xi32, #tpu.memory_space<vmem>> -> memref<125xi32, #tpu.memory_space<vmem>>
        %dma_start3A_144 = arith.constant 0 : i32
        %dma_start3A_145 = arith.constant 0 : i32
        %dma_start3A_146 = tpu.memref_slice %arg11[%dma_start3A_144, %dma_start3A_145] : memref<10240x128xf32, #tpu.memory_space<vmem_shared>> -> memref<10240x128xf32, #tpu.memory_space<vmem_shared>>
        tpu.enqueue_indirect_dma source(%arg10 : memref<125x128xf32, #tpu.memory_space<vmem>>) target(%dma_start3A_146 : memref<10240x128xf32, #tpu.memory_space<vmem_shared>>) offsets(%dma_start3A_143 : memref<125xi32, #tpu.memory_space<vmem>>) semaphore(%run_scoped3A_140 : memref<!tpu.dma_semaphore, #tpu.memory_space<semaphore_mem>>) {add = true}
        %dma_wait3A_147 = arith.constant 0 : i32
        %dma_wait3A_148 = tpu.memref_slice %arg8[%run_scoped3A_129, %dma_wait3A_147] : memref<40x125xi32, #tpu.memory_space<vmem>> -> memref<1x125xi32, #tpu.memory_space<vmem>>
        %dma_wait3A_149 = tpu.memref_squeeze %dma_wait3A_148 : memref<1x125xi32, #tpu.memory_space<vmem>> -> memref<125xi32, #tpu.memory_space<vmem>>
        %dma_wait3A_150 = arith.constant 0 : i32
        %dma_wait3A_151 = arith.constant 0 : i32
        %dma_wait3A_152 = tpu.memref_slice %arg11[%dma_wait3A_150, %dma_wait3A_151] : memref<10240x128xf32, #tpu.memory_space<vmem_shared>> -> memref<10240x128xf32, #tpu.memory_space<vmem_shared>>
        tpu.wait_indirect_dma semaphore(%run_scoped3A_140 : memref<!tpu.dma_semaphore, #tpu.memory_space<semaphore_mem>>) src(%arg10 : memref<125x128xf32, #tpu.memory_space<vmem>>) dst(%dma_wait3A_152 : memref<10240x128xf32, #tpu.memory_space<vmem_shared>>)
        tpu.yield
      }) : () -> ()
      %barrier3A_130 = arith.constant 0 : index
      tpu.barrier barrier_id(%barrier3A_130)
      %lt3A = arith.constant 15 : i32
      %lt3A_131 = arith.cmpi slt, %arg1, %lt3A : i32
      %convert_element_type3A_132 = arith.extui %lt3A_131 : i1 to i32
      %cond3A_133 = arith.constant 0 : i32
      %cond3A_134 = arith.cmpi ne, %convert_element_type3A_132, %cond3A_133 : i32
      scf.if %cond3A_134 {
        %mul3A_140 = arith.constant 640 : i32
        %mul3A_141 = arith.muli %arg1, %mul3A_140 : i32
        %mul3A_142 = arith.constant 640 : i32
        %mul3A_143 = arith.muli %arg1, %mul3A_142 : i32
        "tpu.region"() ({
          %run_scoped3A_144 = tpu.sem_alloc : memref<!tpu.dma_semaphore, #tpu.memory_space<semaphore_mem>>
          %dma_start3A_145 = arith.constant 0 : i32
          %dma_start3A_146 = tpu.memref_slice %arg6[%mul3A_143, %dma_start3A_145] : memref<10000x128xf32, #tpu.memory_space<hbm>> -> memref<640x128xf32, #tpu.memory_space<hbm>>
          %dma_start3A_147 = arith.constant 0 : i32
          %dma_start3A_148 = tpu.memref_slice %arg11[%mul3A_141, %dma_start3A_147] : memref<10240x128xf32, #tpu.memory_space<vmem_shared>> -> memref<640x128xf32, #tpu.memory_space<vmem_shared>>
          tpu.enqueue_dma source(%dma_start3A_148 : memref<640x128xf32, #tpu.memory_space<vmem_shared>>) target(%dma_start3A_146 : memref<640x128xf32, #tpu.memory_space<hbm>>) target_semaphore(%run_scoped3A_144 : memref<!tpu.dma_semaphore, #tpu.memory_space<semaphore_mem>>)
          %dma_wait3A_149 = arith.constant 0 : i32
          %dma_wait3A_150 = tpu.memref_slice %arg6[%mul3A_143, %dma_wait3A_149] : memref<10000x128xf32, #tpu.memory_space<hbm>> -> memref<640x128xf32, #tpu.memory_space<hbm>>
          %dma_wait3A_151 = arith.constant 0 : i32
          %dma_wait3A_152 = tpu.memref_slice %arg11[%mul3A_141, %dma_wait3A_151] : memref<10240x128xf32, #tpu.memory_space<vmem_shared>> -> memref<640x128xf32, #tpu.memory_space<vmem_shared>>
          tpu.wait_dma2 semaphore(%run_scoped3A_144 : memref<!tpu.dma_semaphore, #tpu.memory_space<semaphore_mem>>) src(%dma_wait3A_152 : memref<640x128xf32, #tpu.memory_space<vmem_shared>>) dst(%dma_wait3A_150 : memref<640x128xf32, #tpu.memory_space<hbm>>)
          tpu.yield
        }) : () -> ()
      } else {
      }
      %eq3A_135 = arith.constant 15 : i32
      %eq3A_136 = arith.cmpi eq, %arg1, %eq3A_135 : i32
      %convert_element_type3A_137 = arith.extui %eq3A_136 : i1 to i32
      %cond3A_138 = arith.constant 0 : i32
      %cond3A_139 = arith.cmpi ne, %convert_element_type3A_137, %cond3A_138 : i32
      scf.if %cond3A_139 {
        "tpu.region"() ({
          %run_scoped3A_140 = tpu.sem_alloc : memref<!tpu.dma_semaphore, #tpu.memory_space<semaphore_mem>>
          %dma_start3A_141 = arith.constant 9600 : i32
          %dma_start3A_142 = arith.constant 0 : i32
          %dma_start3A_143 = tpu.memref_slice %arg6[%dma_start3A_141, %dma_start3A_142] : memref<10000x128xf32, #tpu.memory_space<hbm>> -> memref<400x128xf32, #tpu.memory_space<hbm>>
          %dma_start3A_144 = arith.constant 9600 : i32
          %dma_start3A_145 = arith.constant 0 : i32
          %dma_start3A_146 = tpu.memref_slice %arg11[%dma_start3A_144, %dma_start3A_145] : memref<10240x128xf32, #tpu.memory_space<vmem_shared>> -> memref<400x128xf32, #tpu.memory_space<vmem_shared>>
          tpu.enqueue_dma source(%dma_start3A_146 : memref<400x128xf32, #tpu.memory_space<vmem_shared>>) target(%dma_start3A_143 : memref<400x128xf32, #tpu.memory_space<hbm>>) target_semaphore(%run_scoped3A_140 : memref<!tpu.dma_semaphore, #tpu.memory_space<semaphore_mem>>)
          %dma_wait3A_147 = arith.constant 9600 : i32
          %dma_wait3A_148 = arith.constant 0 : i32
          %dma_wait3A_149 = tpu.memref_slice %arg6[%dma_wait3A_147, %dma_wait3A_148] : memref<10000x128xf32, #tpu.memory_space<hbm>> -> memref<400x128xf32, #tpu.memory_space<hbm>>
          %dma_wait3A_150 = arith.constant 9600 : i32
          %dma_wait3A_151 = arith.constant 0 : i32
          %dma_wait3A_152 = tpu.memref_slice %arg11[%dma_wait3A_150, %dma_wait3A_151] : memref<10240x128xf32, #tpu.memory_space<vmem_shared>> -> memref<400x128xf32, #tpu.memory_space<vmem_shared>>
          tpu.wait_dma2 semaphore(%run_scoped3A_140 : memref<!tpu.dma_semaphore, #tpu.memory_space<semaphore_mem>>) src(%dma_wait3A_152 : memref<400x128xf32, #tpu.memory_space<vmem_shared>>) dst(%dma_wait3A_149 : memref<400x128xf32, #tpu.memory_space<hbm>>)
          tpu.yield
        }) : () -> ()
      } else {
      }
    } else {
    }
    return
  }
}

#map = affine_map<(d0, d1) -> (0, 0)>
#map1 = affine_map<(d0, d1) -> (0, 0, 0)>
module attributes {stable_mosaic.version = 14 : i64} {
  func.func @k(%arg0: i32, %arg1: i32, %arg2: memref<10000x128xf32, #tpu.memory_space<hbm>>, %arg3: memref<2x1280x125xi32, #tpu.memory_space<hbm>>, %arg4: memref<10000x128xf32, #tpu.memory_space<hbm>>, %arg5: memref<10000x128xf32, #tpu.memory_space<hbm>>, %arg6: memref<40x125xi32, #tpu.memory_space<vmem>>, %arg7: memref<40x125xi32, #tpu.memory_space<vmem>>, %arg8: memref<125x128xf32, #tpu.memory_space<vmem>>, %arg9: memref<125x128xf32, #tpu.memory_space<vmem>>, %arg10: memref<10240x128xf32, #tpu.memory_space<vmem_shared>>, %arg11: memref<!tpu.dma_semaphore, #tpu.memory_space<semaphore_mem>>, %arg12: memref<!tpu.dma_semaphore, #tpu.memory_space<semaphore_mem>>) attributes {dimension_semantics = [#tpu.dimension_semantics<core_parallel>, #tpu.dimension_semantics<subcore_parallel>], iteration_bounds = array<i64: 2, 16>, scalar_prefetch = 0 : i64, scratch_operands = 7 : i64, tpu.core_type = #tpu.core_type<sc_vector_subcore>, window_params = [{transform_indices = #map}, {transform_indices = #map1}, {transform_indices = #map}, {transform_indices = #map}]} {
    %mul3A = arith.constant 16 : i32
    %mul3A_0 = arith.muli %arg0, %mul3A : i32
    %add3A = arith.addi %mul3A_0, %arg1 : i32
    %scan3A = arith.constant 0 : i32
    %scan3A_1 = arith.constant 64 : i32
    %scan3A_2 = arith.addi %scan3A, %scan3A_1 : i32
    %scan3A_3 = arith.constant 1 : i32
    scf.for %scan3A_93 = %scan3A to %scan3A_2 step %scan3A_3  : i32 {
      %mul3A_94 = arith.constant 1 : i32
      %mul3A_95 = arith.muli %scan3A_93, %mul3A_94 : i32
      %add3A_96 = arith.constant 0 : i32
      %add3A_97 = arith.addi %add3A_96, %mul3A_95 : i32
      %broadcast_in_dim3A = arith.constant 0.000000e+00 : f32
      %broadcast_in_dim3A_98 = vector.broadcast %broadcast_in_dim3A : f32 to vector<16xf32>
      %swap3A = arith.index_cast %add3A_97 : i32 to index
      %swap3A_99 = arith.constant 0 : index
      %swap3A_100 = tpu.vector_load %arg8[%swap3A, %swap3A_99] {strides = array<i32>} : memref<125x128xf32, #tpu.memory_space<vmem>>, vector<1x16xf32>,
      %swap3A_101 = vector.shape_cast %swap3A_100 : vector<1x16xf32> to vector<16xf32>
      %swap3A_102 = vector.shape_cast %broadcast_in_dim3A_98 : vector<16xf32> to vector<1x16xf32>
      tpu.vector_store %arg8[%swap3A, %swap3A_99], %swap3A_102 {strides = array<i32>} : memref<125x128xf32, #tpu.memory_space<vmem>>, vector<1x16xf32>,
      %broadcast_in_dim3A_103 = arith.constant 0.000000e+00 : f32
      %broadcast_in_dim3A_104 = vector.broadcast %broadcast_in_dim3A_103 : f32 to vector<16xf32>
      %swap3A_105 = arith.index_cast %add3A_97 : i32 to index
      %swap3A_106 = arith.constant 16 : index
      %swap3A_107 = tpu.vector_load %arg8[%swap3A_105, %swap3A_106] {strides = array<i32>} : memref<125x128xf32, #tpu.memory_space<vmem>>, vector<1x16xf32>,
      %swap3A_108 = vector.shape_cast %swap3A_107 : vector<1x16xf32> to vector<16xf32>
      %swap3A_109 = vector.shape_cast %broadcast_in_dim3A_104 : vector<16xf32> to vector<1x16xf32>
      tpu.vector_store %arg8[%swap3A_105, %swap3A_106], %swap3A_109 {strides = array<i32>} : memref<125x128xf32, #tpu.memory_space<vmem>>, vector<1x16xf32>,
      %broadcast_in_dim3A_110 = arith.constant 0.000000e+00 : f32
      %broadcast_in_dim3A_111 = vector.broadcast %broadcast_in_dim3A_110 : f32 to vector<16xf32>
      %swap3A_112 = arith.index_cast %add3A_97 : i32 to index
      %swap3A_113 = arith.constant 32 : index
      %swap3A_114 = tpu.vector_load %arg8[%swap3A_112, %swap3A_113] {strides = array<i32>} : memref<125x128xf32, #tpu.memory_space<vmem>>, vector<1x16xf32>,
      %swap3A_115 = vector.shape_cast %swap3A_114 : vector<1x16xf32> to vector<16xf32>
      %swap3A_116 = vector.shape_cast %broadcast_in_dim3A_111 : vector<16xf32> to vector<1x16xf32>
      tpu.vector_store %arg8[%swap3A_112, %swap3A_113], %swap3A_116 {strides = array<i32>} : memref<125x128xf32, #tpu.memory_space<vmem>>, vector<1x16xf32>,
      %broadcast_in_dim3A_117 = arith.constant 0.000000e+00 : f32
      %broadcast_in_dim3A_118 = vector.broadcast %broadcast_in_dim3A_117 : f32 to vector<16xf32>
      %swap3A_119 = arith.index_cast %add3A_97 : i32 to index
      %swap3A_120 = arith.constant 48 : index
      %swap3A_121 = tpu.vector_load %arg8[%swap3A_119, %swap3A_120] {strides = array<i32>} : memref<125x128xf32, #tpu.memory_space<vmem>>, vector<1x16xf32>,
      %swap3A_122 = vector.shape_cast %swap3A_121 : vector<1x16xf32> to vector<16xf32>
      %swap3A_123 = vector.shape_cast %broadcast_in_dim3A_118 : vector<16xf32> to vector<1x16xf32>
      tpu.vector_store %arg8[%swap3A_119, %swap3A_120], %swap3A_123 {strides = array<i32>} : memref<125x128xf32, #tpu.memory_space<vmem>>, vector<1x16xf32>,
      %broadcast_in_dim3A_124 = arith.constant 0.000000e+00 : f32
      %broadcast_in_dim3A_125 = vector.broadcast %broadcast_in_dim3A_124 : f32 to vector<16xf32>
      %swap3A_126 = arith.index_cast %add3A_97 : i32 to index
      %swap3A_127 = arith.constant 64 : index
      %swap3A_128 = tpu.vector_load %arg8[%swap3A_126, %swap3A_127] {strides = array<i32>} : memref<125x128xf32, #tpu.memory_space<vmem>>, vector<1x16xf32>,
      %swap3A_129 = vector.shape_cast %swap3A_128 : vector<1x16xf32> to vector<16xf32>
      %swap3A_130 = vector.shape_cast %broadcast_in_dim3A_125 : vector<16xf32> to vector<1x16xf32>
      tpu.vector_store %arg8[%swap3A_126, %swap3A_127], %swap3A_130 {strides = array<i32>} : memref<125x128xf32, #tpu.memory_space<vmem>>, vector<1x16xf32>,
      %broadcast_in_dim3A_131 = arith.constant 0.000000e+00 : f32
      %broadcast_in_dim3A_132 = vector.broadcast %broadcast_in_dim3A_131 : f32 to vector<16xf32>
      %swap3A_133 = arith.index_cast %add3A_97 : i32 to index
      %swap3A_134 = arith.constant 80 : index
      %swap3A_135 = tpu.vector_load %arg8[%swap3A_133, %swap3A_134] {strides = array<i32>} : memref<125x128xf32, #tpu.memory_space<vmem>>, vector<1x16xf32>,
      %swap3A_136 = vector.shape_cast %swap3A_135 : vector<1x16xf32> to vector<16xf32>
      %swap3A_137 = vector.shape_cast %broadcast_in_dim3A_132 : vector<16xf32> to vector<1x16xf32>
      tpu.vector_store %arg8[%swap3A_133, %swap3A_134], %swap3A_137 {strides = array<i32>} : memref<125x128xf32, #tpu.memory_space<vmem>>, vector<1x16xf32>,
      %broadcast_in_dim3A_138 = arith.constant 0.000000e+00 : f32
      %broadcast_in_dim3A_139 = vector.broadcast %broadcast_in_dim3A_138 : f32 to vector<16xf32>
      %swap3A_140 = arith.index_cast %add3A_97 : i32 to index
      %swap3A_141 = arith.constant 96 : index
      %swap3A_142 = tpu.vector_load %arg8[%swap3A_140, %swap3A_141] {strides = array<i32>} : memref<125x128xf32, #tpu.memory_space<vmem>>, vector<1x16xf32>,
      %swap3A_143 = vector.shape_cast %swap3A_142 : vector<1x16xf32> to vector<16xf32>
      %swap3A_144 = vector.shape_cast %broadcast_in_dim3A_139 : vector<16xf32> to vector<1x16xf32>
      tpu.vector_store %arg8[%swap3A_140, %swap3A_141], %swap3A_144 {strides = array<i32>} : memref<125x128xf32, #tpu.memory_space<vmem>>, vector<1x16xf32>,
      %broadcast_in_dim3A_145 = arith.constant 0.000000e+00 : f32
      %broadcast_in_dim3A_146 = vector.broadcast %broadcast_in_dim3A_145 : f32 to vector<16xf32>
      %swap3A_147 = arith.index_cast %add3A_97 : i32 to index
      %swap3A_148 = arith.constant 112 : index
      %swap3A_149 = tpu.vector_load %arg8[%swap3A_147, %swap3A_148] {strides = array<i32>} : memref<125x128xf32, #tpu.memory_space<vmem>>, vector<1x16xf32>,
      %swap3A_150 = vector.shape_cast %swap3A_149 : vector<1x16xf32> to vector<16xf32>
      %swap3A_151 = vector.shape_cast %broadcast_in_dim3A_146 : vector<16xf32> to vector<1x16xf32>
      tpu.vector_store %arg8[%swap3A_147, %swap3A_148], %swap3A_151 {strides = array<i32>} : memref<125x128xf32, #tpu.memory_space<vmem>>, vector<1x16xf32>,
    }
    %scan3A_4 = arith.constant 64 : i32
    %mul3A_5 = arith.constant 640 : i32
    %mul3A_6 = arith.muli %arg1, %mul3A_5 : i32
    %add3A_7 = arith.constant 0 : i32
    %add3A_8 = arith.addi %mul3A_6, %add3A_7 : i32
    "tpu.region"() ({
      %run_scoped3A_93 = tpu.sem_alloc : memref<!tpu.dma_semaphore, #tpu.memory_space<semaphore_mem>>
      %dma_start3A_94 = arith.constant 0 : i32
      %dma_start3A_95 = arith.constant 0 : i32
      %dma_start3A_96 = tpu.memref_slice %arg8[%dma_start3A_94, %dma_start3A_95] : memref<125x128xf32, #tpu.memory_space<vmem>> -> memref<64x128xf32, #tpu.memory_space<vmem>>
      %dma_start3A_97 = arith.constant 0 : i32
      %dma_start3A_98 = tpu.memref_slice %arg10[%add3A_8, %dma_start3A_97] : memref<10240x128xf32, #tpu.memory_space<vmem_shared>> -> memref<64x128xf32, #tpu.memory_space<vmem_shared>>
      %dma_start3A_99 = arith.constant 0 : i32
      %dma_start3A_100 = tpu.memref_slice %arg10[%add3A_8, %dma_start3A_99] : memref<10240x128xf32, #tpu.memory_space<vmem_shared>> -> memref<64x128xf32, #tpu.memory_space<vmem_shared>>
      %dma_start3A_101 = arith.constant 0 : i32
      %dma_start3A_102 = arith.constant 0 : i32
      %dma_start3A_103 = tpu.memref_slice %arg8[%dma_start3A_101, %dma_start3A_102] : memref<125x128xf32, #tpu.memory_space<vmem>> -> memref<64x128xf32, #tpu.memory_space<vmem>>
      tpu.enqueue_dma source(%dma_start3A_103 : memref<64x128xf32, #tpu.memory_space<vmem>>) target(%dma_start3A_100 : memref<64x128xf32, #tpu.memory_space<vmem_shared>>) target_semaphore(%run_scoped3A_93 : memref<!tpu.dma_semaphore, #tpu.memory_space<semaphore_mem>>)
      %dma_wait3A_104 = arith.constant 0 : i32
      %dma_wait3A_105 = arith.constant 0 : i32
      %dma_wait3A_106 = tpu.memref_slice %arg8[%dma_wait3A_104, %dma_wait3A_105] : memref<125x128xf32, #tpu.memory_space<vmem>> -> memref<64x128xf32, #tpu.memory_space<vmem>>
      %dma_wait3A_107 = arith.constant 0 : i32
      %dma_wait3A_108 = tpu.memref_slice %arg10[%add3A_8, %dma_wait3A_107] : memref<10240x128xf32, #tpu.memory_space<vmem_shared>> -> memref<64x128xf32, #tpu.memory_space<vmem_shared>>
      %dma_wait3A_109 = arith.constant 0 : i32
      %dma_wait3A_110 = tpu.memref_slice %arg10[%add3A_8, %dma_wait3A_109] : memref<10240x128xf32, #tpu.memory_space<vmem_shared>> -> memref<64x128xf32, #tpu.memory_space<vmem_shared>>
      %dma_wait3A_111 = arith.constant 0 : i32
      %dma_wait3A_112 = arith.constant 0 : i32
      %dma_wait3A_113 = tpu.memref_slice %arg8[%dma_wait3A_111, %dma_wait3A_112] : memref<125x128xf32, #tpu.memory_space<vmem>> -> memref<64x128xf32, #tpu.memory_space<vmem>>
      tpu.wait_dma2 semaphore(%run_scoped3A_93 : memref<!tpu.dma_semaphore, #tpu.memory_space<semaphore_mem>>) src(%dma_wait3A_113 : memref<64x128xf32, #tpu.memory_space<vmem>>) dst(%dma_wait3A_110 : memref<64x128xf32, #tpu.memory_space<vmem_shared>>)
      tpu.yield
    }) : () -> ()
    %mul3A_9 = arith.constant 640 : i32
    %mul3A_10 = arith.muli %arg1, %mul3A_9 : i32
    %add3A_11 = arith.constant 64 : i32
    %add3A_12 = arith.addi %mul3A_10, %add3A_11 : i32
    "tpu.region"() ({
      %run_scoped3A_93 = tpu.sem_alloc : memref<!tpu.dma_semaphore, #tpu.memory_space<semaphore_mem>>
      %dma_start3A_94 = arith.constant 0 : i32
      %dma_start3A_95 = arith.constant 0 : i32
      %dma_start3A_96 = tpu.memref_slice %arg8[%dma_start3A_94, %dma_start3A_95] : memref<125x128xf32, #tpu.memory_space<vmem>> -> memref<64x128xf32, #tpu.memory_space<vmem>>
      %dma_start3A_97 = arith.constant 0 : i32
      %dma_start3A_98 = tpu.memref_slice %arg10[%add3A_12, %dma_start3A_97] : memref<10240x128xf32, #tpu.memory_space<vmem_shared>> -> memref<64x128xf32, #tpu.memory_space<vmem_shared>>
      %dma_start3A_99 = arith.constant 0 : i32
      %dma_start3A_100 = tpu.memref_slice %arg10[%add3A_12, %dma_start3A_99] : memref<10240x128xf32, #tpu.memory_space<vmem_shared>> -> memref<64x128xf32, #tpu.memory_space<vmem_shared>>
      %dma_start3A_101 = arith.constant 0 : i32
      %dma_start3A_102 = arith.constant 0 : i32
      %dma_start3A_103 = tpu.memref_slice %arg8[%dma_start3A_101, %dma_start3A_102] : memref<125x128xf32, #tpu.memory_space<vmem>> -> memref<64x128xf32, #tpu.memory_space<vmem>>
      tpu.enqueue_dma source(%dma_start3A_103 : memref<64x128xf32, #tpu.memory_space<vmem>>) target(%dma_start3A_100 : memref<64x128xf32, #tpu.memory_space<vmem_shared>>) target_semaphore(%run_scoped3A_93 : memref<!tpu.dma_semaphore, #tpu.memory_space<semaphore_mem>>)
      %dma_wait3A_104 = arith.constant 0 : i32
      %dma_wait3A_105 = arith.constant 0 : i32
      %dma_wait3A_106 = tpu.memref_slice %arg8[%dma_wait3A_104, %dma_wait3A_105] : memref<125x128xf32, #tpu.memory_space<vmem>> -> memref<64x128xf32, #tpu.memory_space<vmem>>
      %dma_wait3A_107 = arith.constant 0 : i32
      %dma_wait3A_108 = tpu.memref_slice %arg10[%add3A_12, %dma_wait3A_107] : memref<10240x128xf32, #tpu.memory_space<vmem_shared>> -> memref<64x128xf32, #tpu.memory_space<vmem_shared>>
      %dma_wait3A_109 = arith.constant 0 : i32
      %dma_wait3A_110 = tpu.memref_slice %arg10[%add3A_12, %dma_wait3A_109] : memref<10240x128xf32, #tpu.memory_space<vmem_shared>> -> memref<64x128xf32, #tpu.memory_space<vmem_shared>>
      %dma_wait3A_111 = arith.constant 0 : i32
      %dma_wait3A_112 = arith.constant 0 : i32
      %dma_wait3A_113 = tpu.memref_slice %arg8[%dma_wait3A_111, %dma_wait3A_112] : memref<125x128xf32, #tpu.memory_space<vmem>> -> memref<64x128xf32, #tpu.memory_space<vmem>>
      tpu.wait_dma2 semaphore(%run_scoped3A_93 : memref<!tpu.dma_semaphore, #tpu.memory_space<semaphore_mem>>) src(%dma_wait3A_113 : memref<64x128xf32, #tpu.memory_space<vmem>>) dst(%dma_wait3A_110 : memref<64x128xf32, #tpu.memory_space<vmem_shared>>)
      tpu.yield
    }) : () -> ()
    %mul3A_13 = arith.constant 640 : i32
    %mul3A_14 = arith.muli %arg1, %mul3A_13 : i32
    %add3A_15 = arith.constant 128 : i32
    %add3A_16 = arith.addi %mul3A_14, %add3A_15 : i32
    "tpu.region"() ({
      %run_scoped3A_93 = tpu.sem_alloc : memref<!tpu.dma_semaphore, #tpu.memory_space<semaphore_mem>>
      %dma_start3A_94 = arith.constant 0 : i32
      %dma_start3A_95 = arith.constant 0 : i32
      %dma_start3A_96 = tpu.memref_slice %arg8[%dma_start3A_94, %dma_start3A_95] : memref<125x128xf32, #tpu.memory_space<vmem>> -> memref<64x128xf32, #tpu.memory_space<vmem>>
      %dma_start3A_97 = arith.constant 0 : i32
      %dma_start3A_98 = tpu.memref_slice %arg10[%add3A_16, %dma_start3A_97] : memref<10240x128xf32, #tpu.memory_space<vmem_shared>> -> memref<64x128xf32, #tpu.memory_space<vmem_shared>>
      %dma_start3A_99 = arith.constant 0 : i32
      %dma_start3A_100 = tpu.memref_slice %arg10[%add3A_16, %dma_start3A_99] : memref<10240x128xf32, #tpu.memory_space<vmem_shared>> -> memref<64x128xf32, #tpu.memory_space<vmem_shared>>
      %dma_start3A_101 = arith.constant 0 : i32
      %dma_start3A_102 = arith.constant 0 : i32
      %dma_start3A_103 = tpu.memref_slice %arg8[%dma_start3A_101, %dma_start3A_102] : memref<125x128xf32, #tpu.memory_space<vmem>> -> memref<64x128xf32, #tpu.memory_space<vmem>>
      tpu.enqueue_dma source(%dma_start3A_103 : memref<64x128xf32, #tpu.memory_space<vmem>>) target(%dma_start3A_100 : memref<64x128xf32, #tpu.memory_space<vmem_shared>>) target_semaphore(%run_scoped3A_93 : memref<!tpu.dma_semaphore, #tpu.memory_space<semaphore_mem>>)
      %dma_wait3A_104 = arith.constant 0 : i32
      %dma_wait3A_105 = arith.constant 0 : i32
      %dma_wait3A_106 = tpu.memref_slice %arg8[%dma_wait3A_104, %dma_wait3A_105] : memref<125x128xf32, #tpu.memory_space<vmem>> -> memref<64x128xf32, #tpu.memory_space<vmem>>
      %dma_wait3A_107 = arith.constant 0 : i32
      %dma_wait3A_108 = tpu.memref_slice %arg10[%add3A_16, %dma_wait3A_107] : memref<10240x128xf32, #tpu.memory_space<vmem_shared>> -> memref<64x128xf32, #tpu.memory_space<vmem_shared>>
      %dma_wait3A_109 = arith.constant 0 : i32
      %dma_wait3A_110 = tpu.memref_slice %arg10[%add3A_16, %dma_wait3A_109] : memref<10240x128xf32, #tpu.memory_space<vmem_shared>> -> memref<64x128xf32, #tpu.memory_space<vmem_shared>>
      %dma_wait3A_111 = arith.constant 0 : i32
      %dma_wait3A_112 = arith.constant 0 : i32
      %dma_wait3A_113 = tpu.memref_slice %arg8[%dma_wait3A_111, %dma_wait3A_112] : memref<125x128xf32, #tpu.memory_space<vmem>> -> memref<64x128xf32, #tpu.memory_space<vmem>>
      tpu.wait_dma2 semaphore(%run_scoped3A_93 : memref<!tpu.dma_semaphore, #tpu.memory_space<semaphore_mem>>) src(%dma_wait3A_113 : memref<64x128xf32, #tpu.memory_space<vmem>>) dst(%dma_wait3A_110 : memref<64x128xf32, #tpu.memory_space<vmem_shared>>)
      tpu.yield
    }) : () -> ()
    %mul3A_17 = arith.constant 640 : i32
    %mul3A_18 = arith.muli %arg1, %mul3A_17 : i32
    %add3A_19 = arith.constant 192 : i32
    %add3A_20 = arith.addi %mul3A_18, %add3A_19 : i32
    "tpu.region"() ({
      %run_scoped3A_93 = tpu.sem_alloc : memref<!tpu.dma_semaphore, #tpu.memory_space<semaphore_mem>>
      %dma_start3A_94 = arith.constant 0 : i32
      %dma_start3A_95 = arith.constant 0 : i32
      %dma_start3A_96 = tpu.memref_slice %arg8[%dma_start3A_94, %dma_start3A_95] : memref<125x128xf32, #tpu.memory_space<vmem>> -> memref<64x128xf32, #tpu.memory_space<vmem>>
      %dma_start3A_97 = arith.constant 0 : i32
      %dma_start3A_98 = tpu.memref_slice %arg10[%add3A_20, %dma_start3A_97] : memref<10240x128xf32, #tpu.memory_space<vmem_shared>> -> memref<64x128xf32, #tpu.memory_space<vmem_shared>>
      %dma_start3A_99 = arith.constant 0 : i32
      %dma_start3A_100 = tpu.memref_slice %arg10[%add3A_20, %dma_start3A_99] : memref<10240x128xf32, #tpu.memory_space<vmem_shared>> -> memref<64x128xf32, #tpu.memory_space<vmem_shared>>
      %dma_start3A_101 = arith.constant 0 : i32
      %dma_start3A_102 = arith.constant 0 : i32
      %dma_start3A_103 = tpu.memref_slice %arg8[%dma_start3A_101, %dma_start3A_102] : memref<125x128xf32, #tpu.memory_space<vmem>> -> memref<64x128xf32, #tpu.memory_space<vmem>>
      tpu.enqueue_dma source(%dma_start3A_103 : memref<64x128xf32, #tpu.memory_space<vmem>>) target(%dma_start3A_100 : memref<64x128xf32, #tpu.memory_space<vmem_shared>>) target_semaphore(%run_scoped3A_93 : memref<!tpu.dma_semaphore, #tpu.memory_space<semaphore_mem>>)
      %dma_wait3A_104 = arith.constant 0 : i32
      %dma_wait3A_105 = arith.constant 0 : i32
      %dma_wait3A_106 = tpu.memref_slice %arg8[%dma_wait3A_104, %dma_wait3A_105] : memref<125x128xf32, #tpu.memory_space<vmem>> -> memref<64x128xf32, #tpu.memory_space<vmem>>
      %dma_wait3A_107 = arith.constant 0 : i32
      %dma_wait3A_108 = tpu.memref_slice %arg10[%add3A_20, %dma_wait3A_107] : memref<10240x128xf32, #tpu.memory_space<vmem_shared>> -> memref<64x128xf32, #tpu.memory_space<vmem_shared>>
      %dma_wait3A_109 = arith.constant 0 : i32
      %dma_wait3A_110 = tpu.memref_slice %arg10[%add3A_20, %dma_wait3A_109] : memref<10240x128xf32, #tpu.memory_space<vmem_shared>> -> memref<64x128xf32, #tpu.memory_space<vmem_shared>>
      %dma_wait3A_111 = arith.constant 0 : i32
      %dma_wait3A_112 = arith.constant 0 : i32
      %dma_wait3A_113 = tpu.memref_slice %arg8[%dma_wait3A_111, %dma_wait3A_112] : memref<125x128xf32, #tpu.memory_space<vmem>> -> memref<64x128xf32, #tpu.memory_space<vmem>>
      tpu.wait_dma2 semaphore(%run_scoped3A_93 : memref<!tpu.dma_semaphore, #tpu.memory_space<semaphore_mem>>) src(%dma_wait3A_113 : memref<64x128xf32, #tpu.memory_space<vmem>>) dst(%dma_wait3A_110 : memref<64x128xf32, #tpu.memory_space<vmem_shared>>)
      tpu.yield
    }) : () -> ()
    %mul3A_21 = arith.constant 640 : i32
    %mul3A_22 = arith.muli %arg1, %mul3A_21 : i32
    %add3A_23 = arith.constant 256 : i32
    %add3A_24 = arith.addi %mul3A_22, %add3A_23 : i32
    "tpu.region"() ({
      %run_scoped3A_93 = tpu.sem_alloc : memref<!tpu.dma_semaphore, #tpu.memory_space<semaphore_mem>>
      %dma_start3A_94 = arith.constant 0 : i32
      %dma_start3A_95 = arith.constant 0 : i32
      %dma_start3A_96 = tpu.memref_slice %arg8[%dma_start3A_94, %dma_start3A_95] : memref<125x128xf32, #tpu.memory_space<vmem>> -> memref<64x128xf32, #tpu.memory_space<vmem>>
      %dma_start3A_97 = arith.constant 0 : i32
      %dma_start3A_98 = tpu.memref_slice %arg10[%add3A_24, %dma_start3A_97] : memref<10240x128xf32, #tpu.memory_space<vmem_shared>> -> memref<64x128xf32, #tpu.memory_space<vmem_shared>>
      %dma_start3A_99 = arith.constant 0 : i32
      %dma_start3A_100 = tpu.memref_slice %arg10[%add3A_24, %dma_start3A_99] : memref<10240x128xf32, #tpu.memory_space<vmem_shared>> -> memref<64x128xf32, #tpu.memory_space<vmem_shared>>
      %dma_start3A_101 = arith.constant 0 : i32
      %dma_start3A_102 = arith.constant 0 : i32
      %dma_start3A_103 = tpu.memref_slice %arg8[%dma_start3A_101, %dma_start3A_102] : memref<125x128xf32, #tpu.memory_space<vmem>> -> memref<64x128xf32, #tpu.memory_space<vmem>>
      tpu.enqueue_dma source(%dma_start3A_103 : memref<64x128xf32, #tpu.memory_space<vmem>>) target(%dma_start3A_100 : memref<64x128xf32, #tpu.memory_space<vmem_shared>>) target_semaphore(%run_scoped3A_93 : memref<!tpu.dma_semaphore, #tpu.memory_space<semaphore_mem>>)
      %dma_wait3A_104 = arith.constant 0 : i32
      %dma_wait3A_105 = arith.constant 0 : i32
      %dma_wait3A_106 = tpu.memref_slice %arg8[%dma_wait3A_104, %dma_wait3A_105] : memref<125x128xf32, #tpu.memory_space<vmem>> -> memref<64x128xf32, #tpu.memory_space<vmem>>
      %dma_wait3A_107 = arith.constant 0 : i32
      %dma_wait3A_108 = tpu.memref_slice %arg10[%add3A_24, %dma_wait3A_107] : memref<10240x128xf32, #tpu.memory_space<vmem_shared>> -> memref<64x128xf32, #tpu.memory_space<vmem_shared>>
      %dma_wait3A_109 = arith.constant 0 : i32
      %dma_wait3A_110 = tpu.memref_slice %arg10[%add3A_24, %dma_wait3A_109] : memref<10240x128xf32, #tpu.memory_space<vmem_shared>> -> memref<64x128xf32, #tpu.memory_space<vmem_shared>>
      %dma_wait3A_111 = arith.constant 0 : i32
      %dma_wait3A_112 = arith.constant 0 : i32
      %dma_wait3A_113 = tpu.memref_slice %arg8[%dma_wait3A_111, %dma_wait3A_112] : memref<125x128xf32, #tpu.memory_space<vmem>> -> memref<64x128xf32, #tpu.memory_space<vmem>>
      tpu.wait_dma2 semaphore(%run_scoped3A_93 : memref<!tpu.dma_semaphore, #tpu.memory_space<semaphore_mem>>) src(%dma_wait3A_113 : memref<64x128xf32, #tpu.memory_space<vmem>>) dst(%dma_wait3A_110 : memref<64x128xf32, #tpu.memory_space<vmem_shared>>)
      tpu.yield
    }) : () -> ()
    %mul3A_25 = arith.constant 640 : i32
    %mul3A_26 = arith.muli %arg1, %mul3A_25 : i32
    %add3A_27 = arith.constant 320 : i32
    %add3A_28 = arith.addi %mul3A_26, %add3A_27 : i32
    "tpu.region"() ({
      %run_scoped3A_93 = tpu.sem_alloc : memref<!tpu.dma_semaphore, #tpu.memory_space<semaphore_mem>>
      %dma_start3A_94 = arith.constant 0 : i32
      %dma_start3A_95 = arith.constant 0 : i32
      %dma_start3A_96 = tpu.memref_slice %arg8[%dma_start3A_94, %dma_start3A_95] : memref<125x128xf32, #tpu.memory_space<vmem>> -> memref<64x128xf32, #tpu.memory_space<vmem>>
      %dma_start3A_97 = arith.constant 0 : i32
      %dma_start3A_98 = tpu.memref_slice %arg10[%add3A_28, %dma_start3A_97] : memref<10240x128xf32, #tpu.memory_space<vmem_shared>> -> memref<64x128xf32, #tpu.memory_space<vmem_shared>>
      %dma_start3A_99 = arith.constant 0 : i32
      %dma_start3A_100 = tpu.memref_slice %arg10[%add3A_28, %dma_start3A_99] : memref<10240x128xf32, #tpu.memory_space<vmem_shared>> -> memref<64x128xf32, #tpu.memory_space<vmem_shared>>
      %dma_start3A_101 = arith.constant 0 : i32
      %dma_start3A_102 = arith.constant 0 : i32
      %dma_start3A_103 = tpu.memref_slice %arg8[%dma_start3A_101, %dma_start3A_102] : memref<125x128xf32, #tpu.memory_space<vmem>> -> memref<64x128xf32, #tpu.memory_space<vmem>>
      tpu.enqueue_dma source(%dma_start3A_103 : memref<64x128xf32, #tpu.memory_space<vmem>>) target(%dma_start3A_100 : memref<64x128xf32, #tpu.memory_space<vmem_shared>>) target_semaphore(%run_scoped3A_93 : memref<!tpu.dma_semaphore, #tpu.memory_space<semaphore_mem>>)
      %dma_wait3A_104 = arith.constant 0 : i32
      %dma_wait3A_105 = arith.constant 0 : i32
      %dma_wait3A_106 = tpu.memref_slice %arg8[%dma_wait3A_104, %dma_wait3A_105] : memref<125x128xf32, #tpu.memory_space<vmem>> -> memref<64x128xf32, #tpu.memory_space<vmem>>
      %dma_wait3A_107 = arith.constant 0 : i32
      %dma_wait3A_108 = tpu.memref_slice %arg10[%add3A_28, %dma_wait3A_107] : memref<10240x128xf32, #tpu.memory_space<vmem_shared>> -> memref<64x128xf32, #tpu.memory_space<vmem_shared>>
      %dma_wait3A_109 = arith.constant 0 : i32
      %dma_wait3A_110 = tpu.memref_slice %arg10[%add3A_28, %dma_wait3A_109] : memref<10240x128xf32, #tpu.memory_space<vmem_shared>> -> memref<64x128xf32, #tpu.memory_space<vmem_shared>>
      %dma_wait3A_111 = arith.constant 0 : i32
      %dma_wait3A_112 = arith.constant 0 : i32
      %dma_wait3A_113 = tpu.memref_slice %arg8[%dma_wait3A_111, %dma_wait3A_112] : memref<125x128xf32, #tpu.memory_space<vmem>> -> memref<64x128xf32, #tpu.memory_space<vmem>>
      tpu.wait_dma2 semaphore(%run_scoped3A_93 : memref<!tpu.dma_semaphore, #tpu.memory_space<semaphore_mem>>) src(%dma_wait3A_113 : memref<64x128xf32, #tpu.memory_space<vmem>>) dst(%dma_wait3A_110 : memref<64x128xf32, #tpu.memory_space<vmem_shared>>)
      tpu.yield
    }) : () -> ()
    %mul3A_29 = arith.constant 640 : i32
    %mul3A_30 = arith.muli %arg1, %mul3A_29 : i32
    %add3A_31 = arith.constant 384 : i32
    %add3A_32 = arith.addi %mul3A_30, %add3A_31 : i32
    "tpu.region"() ({
      %run_scoped3A_93 = tpu.sem_alloc : memref<!tpu.dma_semaphore, #tpu.memory_space<semaphore_mem>>
      %dma_start3A_94 = arith.constant 0 : i32
      %dma_start3A_95 = arith.constant 0 : i32
      %dma_start3A_96 = tpu.memref_slice %arg8[%dma_start3A_94, %dma_start3A_95] : memref<125x128xf32, #tpu.memory_space<vmem>> -> memref<64x128xf32, #tpu.memory_space<vmem>>
      %dma_start3A_97 = arith.constant 0 : i32
      %dma_start3A_98 = tpu.memref_slice %arg10[%add3A_32, %dma_start3A_97] : memref<10240x128xf32, #tpu.memory_space<vmem_shared>> -> memref<64x128xf32, #tpu.memory_space<vmem_shared>>
      %dma_start3A_99 = arith.constant 0 : i32
      %dma_start3A_100 = tpu.memref_slice %arg10[%add3A_32, %dma_start3A_99] : memref<10240x128xf32, #tpu.memory_space<vmem_shared>> -> memref<64x128xf32, #tpu.memory_space<vmem_shared>>
      %dma_start3A_101 = arith.constant 0 : i32
      %dma_start3A_102 = arith.constant 0 : i32
      %dma_start3A_103 = tpu.memref_slice %arg8[%dma_start3A_101, %dma_start3A_102] : memref<125x128xf32, #tpu.memory_space<vmem>> -> memref<64x128xf32, #tpu.memory_space<vmem>>
      tpu.enqueue_dma source(%dma_start3A_103 : memref<64x128xf32, #tpu.memory_space<vmem>>) target(%dma_start3A_100 : memref<64x128xf32, #tpu.memory_space<vmem_shared>>) target_semaphore(%run_scoped3A_93 : memref<!tpu.dma_semaphore, #tpu.memory_space<semaphore_mem>>)
      %dma_wait3A_104 = arith.constant 0 : i32
      %dma_wait3A_105 = arith.constant 0 : i32
      %dma_wait3A_106 = tpu.memref_slice %arg8[%dma_wait3A_104, %dma_wait3A_105] : memref<125x128xf32, #tpu.memory_space<vmem>> -> memref<64x128xf32, #tpu.memory_space<vmem>>
      %dma_wait3A_107 = arith.constant 0 : i32
      %dma_wait3A_108 = tpu.memref_slice %arg10[%add3A_32, %dma_wait3A_107] : memref<10240x128xf32, #tpu.memory_space<vmem_shared>> -> memref<64x128xf32, #tpu.memory_space<vmem_shared>>
      %dma_wait3A_109 = arith.constant 0 : i32
      %dma_wait3A_110 = tpu.memref_slice %arg10[%add3A_32, %dma_wait3A_109] : memref<10240x128xf32, #tpu.memory_space<vmem_shared>> -> memref<64x128xf32, #tpu.memory_space<vmem_shared>>
      %dma_wait3A_111 = arith.constant 0 : i32
      %dma_wait3A_112 = arith.constant 0 : i32
      %dma_wait3A_113 = tpu.memref_slice %arg8[%dma_wait3A_111, %dma_wait3A_112] : memref<125x128xf32, #tpu.memory_space<vmem>> -> memref<64x128xf32, #tpu.memory_space<vmem>>
      tpu.wait_dma2 semaphore(%run_scoped3A_93 : memref<!tpu.dma_semaphore, #tpu.memory_space<semaphore_mem>>) src(%dma_wait3A_113 : memref<64x128xf32, #tpu.memory_space<vmem>>) dst(%dma_wait3A_110 : memref<64x128xf32, #tpu.memory_space<vmem_shared>>)
      tpu.yield
    }) : () -> ()
    %mul3A_33 = arith.constant 640 : i32
    %mul3A_34 = arith.muli %arg1, %mul3A_33 : i32
    %add3A_35 = arith.constant 448 : i32
    %add3A_36 = arith.addi %mul3A_34, %add3A_35 : i32
    "tpu.region"() ({
      %run_scoped3A_93 = tpu.sem_alloc : memref<!tpu.dma_semaphore, #tpu.memory_space<semaphore_mem>>
      %dma_start3A_94 = arith.constant 0 : i32
      %dma_start3A_95 = arith.constant 0 : i32
      %dma_start3A_96 = tpu.memref_slice %arg8[%dma_start3A_94, %dma_start3A_95] : memref<125x128xf32, #tpu.memory_space<vmem>> -> memref<64x128xf32, #tpu.memory_space<vmem>>
      %dma_start3A_97 = arith.constant 0 : i32
      %dma_start3A_98 = tpu.memref_slice %arg10[%add3A_36, %dma_start3A_97] : memref<10240x128xf32, #tpu.memory_space<vmem_shared>> -> memref<64x128xf32, #tpu.memory_space<vmem_shared>>
      %dma_start3A_99 = arith.constant 0 : i32
      %dma_start3A_100 = tpu.memref_slice %arg10[%add3A_36, %dma_start3A_99] : memref<10240x128xf32, #tpu.memory_space<vmem_shared>> -> memref<64x128xf32, #tpu.memory_space<vmem_shared>>
      %dma_start3A_101 = arith.constant 0 : i32
      %dma_start3A_102 = arith.constant 0 : i32
      %dma_start3A_103 = tpu.memref_slice %arg8[%dma_start3A_101, %dma_start3A_102] : memref<125x128xf32, #tpu.memory_space<vmem>> -> memref<64x128xf32, #tpu.memory_space<vmem>>
      tpu.enqueue_dma source(%dma_start3A_103 : memref<64x128xf32, #tpu.memory_space<vmem>>) target(%dma_start3A_100 : memref<64x128xf32, #tpu.memory_space<vmem_shared>>) target_semaphore(%run_scoped3A_93 : memref<!tpu.dma_semaphore, #tpu.memory_space<semaphore_mem>>)
      %dma_wait3A_104 = arith.constant 0 : i32
      %dma_wait3A_105 = arith.constant 0 : i32
      %dma_wait3A_106 = tpu.memref_slice %arg8[%dma_wait3A_104, %dma_wait3A_105] : memref<125x128xf32, #tpu.memory_space<vmem>> -> memref<64x128xf32, #tpu.memory_space<vmem>>
      %dma_wait3A_107 = arith.constant 0 : i32
      %dma_wait3A_108 = tpu.memref_slice %arg10[%add3A_36, %dma_wait3A_107] : memref<10240x128xf32, #tpu.memory_space<vmem_shared>> -> memref<64x128xf32, #tpu.memory_space<vmem_shared>>
      %dma_wait3A_109 = arith.constant 0 : i32
      %dma_wait3A_110 = tpu.memref_slice %arg10[%add3A_36, %dma_wait3A_109] : memref<10240x128xf32, #tpu.memory_space<vmem_shared>> -> memref<64x128xf32, #tpu.memory_space<vmem_shared>>
      %dma_wait3A_111 = arith.constant 0 : i32
      %dma_wait3A_112 = arith.constant 0 : i32
      %dma_wait3A_113 = tpu.memref_slice %arg8[%dma_wait3A_111, %dma_wait3A_112] : memref<125x128xf32, #tpu.memory_space<vmem>> -> memref<64x128xf32, #tpu.memory_space<vmem>>
      tpu.wait_dma2 semaphore(%run_scoped3A_93 : memref<!tpu.dma_semaphore, #tpu.memory_space<semaphore_mem>>) src(%dma_wait3A_113 : memref<64x128xf32, #tpu.memory_space<vmem>>) dst(%dma_wait3A_110 : memref<64x128xf32, #tpu.memory_space<vmem_shared>>)
      tpu.yield
    }) : () -> ()
    %mul3A_37 = arith.constant 640 : i32
    %mul3A_38 = arith.muli %arg1, %mul3A_37 : i32
    %add3A_39 = arith.constant 512 : i32
    %add3A_40 = arith.addi %mul3A_38, %add3A_39 : i32
    "tpu.region"() ({
      %run_scoped3A_93 = tpu.sem_alloc : memref<!tpu.dma_semaphore, #tpu.memory_space<semaphore_mem>>
      %dma_start3A_94 = arith.constant 0 : i32
      %dma_start3A_95 = arith.constant 0 : i32
      %dma_start3A_96 = tpu.memref_slice %arg8[%dma_start3A_94, %dma_start3A_95] : memref<125x128xf32, #tpu.memory_space<vmem>> -> memref<64x128xf32, #tpu.memory_space<vmem>>
      %dma_start3A_97 = arith.constant 0 : i32
      %dma_start3A_98 = tpu.memref_slice %arg10[%add3A_40, %dma_start3A_97] : memref<10240x128xf32, #tpu.memory_space<vmem_shared>> -> memref<64x128xf32, #tpu.memory_space<vmem_shared>>
      %dma_start3A_99 = arith.constant 0 : i32
      %dma_start3A_100 = tpu.memref_slice %arg10[%add3A_40, %dma_start3A_99] : memref<10240x128xf32, #tpu.memory_space<vmem_shared>> -> memref<64x128xf32, #tpu.memory_space<vmem_shared>>
      %dma_start3A_101 = arith.constant 0 : i32
      %dma_start3A_102 = arith.constant 0 : i32
      %dma_start3A_103 = tpu.memref_slice %arg8[%dma_start3A_101, %dma_start3A_102] : memref<125x128xf32, #tpu.memory_space<vmem>> -> memref<64x128xf32, #tpu.memory_space<vmem>>
      tpu.enqueue_dma source(%dma_start3A_103 : memref<64x128xf32, #tpu.memory_space<vmem>>) target(%dma_start3A_100 : memref<64x128xf32, #tpu.memory_space<vmem_shared>>) target_semaphore(%run_scoped3A_93 : memref<!tpu.dma_semaphore, #tpu.memory_space<semaphore_mem>>)
      %dma_wait3A_104 = arith.constant 0 : i32
      %dma_wait3A_105 = arith.constant 0 : i32
      %dma_wait3A_106 = tpu.memref_slice %arg8[%dma_wait3A_104, %dma_wait3A_105] : memref<125x128xf32, #tpu.memory_space<vmem>> -> memref<64x128xf32, #tpu.memory_space<vmem>>
      %dma_wait3A_107 = arith.constant 0 : i32
      %dma_wait3A_108 = tpu.memref_slice %arg10[%add3A_40, %dma_wait3A_107] : memref<10240x128xf32, #tpu.memory_space<vmem_shared>> -> memref<64x128xf32, #tpu.memory_space<vmem_shared>>
      %dma_wait3A_109 = arith.constant 0 : i32
      %dma_wait3A_110 = tpu.memref_slice %arg10[%add3A_40, %dma_wait3A_109] : memref<10240x128xf32, #tpu.memory_space<vmem_shared>> -> memref<64x128xf32, #tpu.memory_space<vmem_shared>>
      %dma_wait3A_111 = arith.constant 0 : i32
      %dma_wait3A_112 = arith.constant 0 : i32
      %dma_wait3A_113 = tpu.memref_slice %arg8[%dma_wait3A_111, %dma_wait3A_112] : memref<125x128xf32, #tpu.memory_space<vmem>> -> memref<64x128xf32, #tpu.memory_space<vmem>>
      tpu.wait_dma2 semaphore(%run_scoped3A_93 : memref<!tpu.dma_semaphore, #tpu.memory_space<semaphore_mem>>) src(%dma_wait3A_113 : memref<64x128xf32, #tpu.memory_space<vmem>>) dst(%dma_wait3A_110 : memref<64x128xf32, #tpu.memory_space<vmem_shared>>)
      tpu.yield
    }) : () -> ()
    %mul3A_41 = arith.constant 640 : i32
    %mul3A_42 = arith.muli %arg1, %mul3A_41 : i32
    %add3A_43 = arith.constant 576 : i32
    %add3A_44 = arith.addi %mul3A_42, %add3A_43 : i32
    "tpu.region"() ({
      %run_scoped3A_93 = tpu.sem_alloc : memref<!tpu.dma_semaphore, #tpu.memory_space<semaphore_mem>>
      %dma_start3A_94 = arith.constant 0 : i32
      %dma_start3A_95 = arith.constant 0 : i32
      %dma_start3A_96 = tpu.memref_slice %arg8[%dma_start3A_94, %dma_start3A_95] : memref<125x128xf32, #tpu.memory_space<vmem>> -> memref<64x128xf32, #tpu.memory_space<vmem>>
      %dma_start3A_97 = arith.constant 0 : i32
      %dma_start3A_98 = tpu.memref_slice %arg10[%add3A_44, %dma_start3A_97] : memref<10240x128xf32, #tpu.memory_space<vmem_shared>> -> memref<64x128xf32, #tpu.memory_space<vmem_shared>>
      %dma_start3A_99 = arith.constant 0 : i32
      %dma_start3A_100 = tpu.memref_slice %arg10[%add3A_44, %dma_start3A_99] : memref<10240x128xf32, #tpu.memory_space<vmem_shared>> -> memref<64x128xf32, #tpu.memory_space<vmem_shared>>
      %dma_start3A_101 = arith.constant 0 : i32
      %dma_start3A_102 = arith.constant 0 : i32
      %dma_start3A_103 = tpu.memref_slice %arg8[%dma_start3A_101, %dma_start3A_102] : memref<125x128xf32, #tpu.memory_space<vmem>> -> memref<64x128xf32, #tpu.memory_space<vmem>>
      tpu.enqueue_dma source(%dma_start3A_103 : memref<64x128xf32, #tpu.memory_space<vmem>>) target(%dma_start3A_100 : memref<64x128xf32, #tpu.memory_space<vmem_shared>>) target_semaphore(%run_scoped3A_93 : memref<!tpu.dma_semaphore, #tpu.memory_space<semaphore_mem>>)
      %dma_wait3A_104 = arith.constant 0 : i32
      %dma_wait3A_105 = arith.constant 0 : i32
      %dma_wait3A_106 = tpu.memref_slice %arg8[%dma_wait3A_104, %dma_wait3A_105] : memref<125x128xf32, #tpu.memory_space<vmem>> -> memref<64x128xf32, #tpu.memory_space<vmem>>
      %dma_wait3A_107 = arith.constant 0 : i32
      %dma_wait3A_108 = tpu.memref_slice %arg10[%add3A_44, %dma_wait3A_107] : memref<10240x128xf32, #tpu.memory_space<vmem_shared>> -> memref<64x128xf32, #tpu.memory_space<vmem_shared>>
      %dma_wait3A_109 = arith.constant 0 : i32
      %dma_wait3A_110 = tpu.memref_slice %arg10[%add3A_44, %dma_wait3A_109] : memref<10240x128xf32, #tpu.memory_space<vmem_shared>> -> memref<64x128xf32, #tpu.memory_space<vmem_shared>>
      %dma_wait3A_111 = arith.constant 0 : i32
      %dma_wait3A_112 = arith.constant 0 : i32
      %dma_wait3A_113 = tpu.memref_slice %arg8[%dma_wait3A_111, %dma_wait3A_112] : memref<125x128xf32, #tpu.memory_space<vmem>> -> memref<64x128xf32, #tpu.memory_space<vmem>>
      tpu.wait_dma2 semaphore(%run_scoped3A_93 : memref<!tpu.dma_semaphore, #tpu.memory_space<semaphore_mem>>) src(%dma_wait3A_113 : memref<64x128xf32, #tpu.memory_space<vmem>>) dst(%dma_wait3A_110 : memref<64x128xf32, #tpu.memory_space<vmem_shared>>)
      tpu.yield
    }) : () -> ()
    %barrier3A = arith.constant 0 : index
    tpu.barrier barrier_id(%barrier3A)
    %mul3A_45 = arith.constant 40 : i32
    %mul3A_46 = arith.muli %add3A, %mul3A_45 : i32
    %add3A_47 = arith.constant 0 : i32
    %add3A_48 = arith.addi %mul3A_46, %add3A_47 : i32
    %run_scoped3A = arith.constant 0 : i32
    "tpu.region"() ({
      %run_scoped3A_93 = tpu.sem_alloc : memref<!tpu.dma_semaphore, #tpu.memory_space<semaphore_mem>>
      %dma_start3A_94 = arith.constant 0 : i32
      %dma_start3A_95 = tpu.memref_slice %arg3[%run_scoped3A, %add3A_48, %dma_start3A_94] : memref<2x1280x125xi32, #tpu.memory_space<hbm>> -> memref<1x40x125xi32, #tpu.memory_space<hbm>>
      %dma_start3A_96 = tpu.memref_squeeze %dma_start3A_95 : memref<1x40x125xi32, #tpu.memory_space<hbm>> -> memref<40x125xi32, #tpu.memory_space<hbm>>
      %dma_start3A_97 = arith.constant 0 : i32
      %dma_start3A_98 = tpu.memref_slice %arg3[%run_scoped3A, %add3A_48, %dma_start3A_97] : memref<2x1280x125xi32, #tpu.memory_space<hbm>> -> memref<1x40x125xi32, #tpu.memory_space<hbm>>
      %dma_start3A_99 = tpu.memref_squeeze %dma_start3A_98 : memref<1x40x125xi32, #tpu.memory_space<hbm>> -> memref<40x125xi32, #tpu.memory_space<hbm>>
      tpu.enqueue_dma source(%dma_start3A_99 : memref<40x125xi32, #tpu.memory_space<hbm>>) target(%arg6 : memref<40x125xi32, #tpu.memory_space<vmem>>) target_semaphore(%run_scoped3A_93 : memref<!tpu.dma_semaphore, #tpu.memory_space<semaphore_mem>>)
      %dma_wait3A_100 = arith.constant 0 : i32
      %dma_wait3A_101 = tpu.memref_slice %arg3[%run_scoped3A, %add3A_48, %dma_wait3A_100] : memref<2x1280x125xi32, #tpu.memory_space<hbm>> -> memref<1x40x125xi32, #tpu.memory_space<hbm>>
      %dma_wait3A_102 = tpu.memref_squeeze %dma_wait3A_101 : memref<1x40x125xi32, #tpu.memory_space<hbm>> -> memref<40x125xi32, #tpu.memory_space<hbm>>
      %dma_wait3A_103 = arith.constant 0 : i32
      %dma_wait3A_104 = tpu.memref_slice %arg3[%run_scoped3A, %add3A_48, %dma_wait3A_103] : memref<2x1280x125xi32, #tpu.memory_space<hbm>> -> memref<1x40x125xi32, #tpu.memory_space<hbm>>
      %dma_wait3A_105 = tpu.memref_squeeze %dma_wait3A_104 : memref<1x40x125xi32, #tpu.memory_space<hbm>> -> memref<40x125xi32, #tpu.memory_space<hbm>>
      tpu.wait_dma2 semaphore(%run_scoped3A_93 : memref<!tpu.dma_semaphore, #tpu.memory_space<semaphore_mem>>) src(%dma_wait3A_105 : memref<40x125xi32, #tpu.memory_space<hbm>>) dst(%arg6 : memref<40x125xi32, #tpu.memory_space<vmem>>)
      tpu.yield
    }) : () -> ()
    %add3A_49 = arith.constant 0 : i32
    %add3A_50 = arith.addi %mul3A_46, %add3A_49 : i32
    %run_scoped3A_51 = arith.constant 1 : i32
    "tpu.region"() ({
      %run_scoped3A_93 = tpu.sem_alloc : memref<!tpu.dma_semaphore, #tpu.memory_space<semaphore_mem>>
      %dma_start3A_94 = arith.constant 0 : i32
      %dma_start3A_95 = tpu.memref_slice %arg3[%run_scoped3A_51, %add3A_50, %dma_start3A_94] : memref<2x1280x125xi32, #tpu.memory_space<hbm>> -> memref<1x40x125xi32, #tpu.memory_space<hbm>>
      %dma_start3A_96 = tpu.memref_squeeze %dma_start3A_95 : memref<1x40x125xi32, #tpu.memory_space<hbm>> -> memref<40x125xi32, #tpu.memory_space<hbm>>
      %dma_start3A_97 = arith.constant 0 : i32
      %dma_start3A_98 = tpu.memref_slice %arg3[%run_scoped3A_51, %add3A_50, %dma_start3A_97] : memref<2x1280x125xi32, #tpu.memory_space<hbm>> -> memref<1x40x125xi32, #tpu.memory_space<hbm>>
      %dma_start3A_99 = tpu.memref_squeeze %dma_start3A_98 : memref<1x40x125xi32, #tpu.memory_space<hbm>> -> memref<40x125xi32, #tpu.memory_space<hbm>>
      tpu.enqueue_dma source(%dma_start3A_99 : memref<40x125xi32, #tpu.memory_space<hbm>>) target(%arg7 : memref<40x125xi32, #tpu.memory_space<vmem>>) target_semaphore(%run_scoped3A_93 : memref<!tpu.dma_semaphore, #tpu.memory_space<semaphore_mem>>)
      %dma_wait3A_100 = arith.constant 0 : i32
      %dma_wait3A_101 = tpu.memref_slice %arg3[%run_scoped3A_51, %add3A_50, %dma_wait3A_100] : memref<2x1280x125xi32, #tpu.memory_space<hbm>> -> memref<1x40x125xi32, #tpu.memory_space<hbm>>
      %dma_wait3A_102 = tpu.memref_squeeze %dma_wait3A_101 : memref<1x40x125xi32, #tpu.memory_space<hbm>> -> memref<40x125xi32, #tpu.memory_space<hbm>>
      %dma_wait3A_103 = arith.constant 0 : i32
      %dma_wait3A_104 = tpu.memref_slice %arg3[%run_scoped3A_51, %add3A_50, %dma_wait3A_103] : memref<2x1280x125xi32, #tpu.memory_space<hbm>> -> memref<1x40x125xi32, #tpu.memory_space<hbm>>
      %dma_wait3A_105 = tpu.memref_squeeze %dma_wait3A_104 : memref<1x40x125xi32, #tpu.memory_space<hbm>> -> memref<40x125xi32, #tpu.memory_space<hbm>>
      tpu.wait_dma2 semaphore(%run_scoped3A_93 : memref<!tpu.dma_semaphore, #tpu.memory_space<semaphore_mem>>) src(%dma_wait3A_105 : memref<40x125xi32, #tpu.memory_space<hbm>>) dst(%arg7 : memref<40x125xi32, #tpu.memory_space<vmem>>)
      tpu.yield
    }) : () -> ()
    %dma_start3A = arith.constant 0 : i32
    %dma_start3A_52 = arith.constant 0 : i32
    %dma_start3A_53 = tpu.memref_slice %arg6[%dma_start3A, %dma_start3A_52] : memref<40x125xi32, #tpu.memory_space<vmem>> -> memref<1x125xi32, #tpu.memory_space<vmem>>
    %dma_start3A_54 = tpu.memref_squeeze %dma_start3A_53 : memref<1x125xi32, #tpu.memory_space<vmem>> -> memref<125xi32, #tpu.memory_space<vmem>>
    %dma_start3A_55 = arith.constant 0 : i32
    %dma_start3A_56 = arith.constant 0 : i32
    %dma_start3A_57 = tpu.memref_slice %arg2[%dma_start3A_55, %dma_start3A_56] : memref<10000x128xf32, #tpu.memory_space<hbm>> -> memref<10000x128xf32, #tpu.memory_space<hbm>>
    tpu.enqueue_indirect_dma source(%dma_start3A_57 : memref<10000x128xf32, #tpu.memory_space<hbm>>) target(%arg8 : memref<125x128xf32, #tpu.memory_space<vmem>>) offsets(%dma_start3A_54 : memref<125xi32, #tpu.memory_space<vmem>>) semaphore(%arg11 : memref<!tpu.dma_semaphore, #tpu.memory_space<semaphore_mem>>)
    %scan3A_58 = arith.constant 0 : i32
    %scan3A_59 = arith.constant 19 : i32
    %scan3A_60 = arith.addi %scan3A_58, %scan3A_59 : i32
    %scan3A_61 = arith.constant 1 : i32
    scf.for %scan3A_93 = %scan3A_58 to %scan3A_60 step %scan3A_61  : i32 {
      %mul3A_94 = arith.constant 1 : i32
      %mul3A_95 = arith.muli %scan3A_93, %mul3A_94 : i32
      %add3A_96 = arith.constant 0 : i32
      %add3A_97 = arith.addi %add3A_96, %mul3A_95 : i32
      %mul3A_98 = arith.constant 2 : i32
      %mul3A_99 = arith.muli %mul3A_98, %add3A_97 : i32
      %add3A_100 = arith.constant 1 : i32
      %add3A_101 = arith.addi %mul3A_99, %add3A_100 : i32
      %dma_start3A_102 = arith.constant 0 : i32
      %dma_start3A_103 = tpu.memref_slice %arg6[%add3A_101, %dma_start3A_102] : memref<40x125xi32, #tpu.memory_space<vmem>> -> memref<1x125xi32, #tpu.memory_space<vmem>>
      %dma_start3A_104 = tpu.memref_squeeze %dma_start3A_103 : memref<1x125xi32, #tpu.memory_space<vmem>> -> memref<125xi32, #tpu.memory_space<vmem>>
      %dma_start3A_105 = arith.constant 0 : i32
      %dma_start3A_106 = arith.constant 0 : i32
      %dma_start3A_107 = tpu.memref_slice %arg2[%dma_start3A_105, %dma_start3A_106] : memref<10000x128xf32, #tpu.memory_space<hbm>> -> memref<10000x128xf32, #tpu.memory_space<hbm>>
      tpu.enqueue_indirect_dma source(%dma_start3A_107 : memref<10000x128xf32, #tpu.memory_space<hbm>>) target(%arg9 : memref<125x128xf32, #tpu.memory_space<vmem>>) offsets(%dma_start3A_104 : memref<125xi32, #tpu.memory_space<vmem>>) semaphore(%arg12 : memref<!tpu.dma_semaphore, #tpu.memory_space<semaphore_mem>>)
      %dma_wait3A_108 = arith.constant 0 : i32
      %dma_wait3A_109 = arith.constant 0 : i32
      %dma_wait3A_110 = tpu.memref_slice %arg6[%dma_wait3A_108, %dma_wait3A_109] : memref<40x125xi32, #tpu.memory_space<vmem>> -> memref<1x125xi32, #tpu.memory_space<vmem>>
      %dma_wait3A_111 = tpu.memref_squeeze %dma_wait3A_110 : memref<1x125xi32, #tpu.memory_space<vmem>> -> memref<125xi32, #tpu.memory_space<vmem>>
      %dma_wait3A_112 = arith.constant 0 : i32
      %dma_wait3A_113 = arith.constant 0 : i32
      %dma_wait3A_114 = tpu.memref_slice %arg2[%dma_wait3A_112, %dma_wait3A_113] : memref<10000x128xf32, #tpu.memory_space<hbm>> -> memref<10000x128xf32, #tpu.memory_space<hbm>>
      tpu.wait_indirect_dma semaphore(%arg11 : memref<!tpu.dma_semaphore, #tpu.memory_space<semaphore_mem>>) src(%dma_wait3A_114 : memref<10000x128xf32, #tpu.memory_space<hbm>>) dst(%arg8 : memref<125x128xf32, #tpu.memory_space<vmem>>)
      "tpu.region"() ({
        %run_scoped3A_132 = tpu.sem_alloc : memref<!tpu.dma_semaphore, #tpu.memory_space<semaphore_mem>>
        %dma_start3A_133 = arith.constant 0 : i32
        %dma_start3A_134 = tpu.memref_slice %arg7[%mul3A_99, %dma_start3A_133] : memref<40x125xi32, #tpu.memory_space<vmem>> -> memref<1x125xi32, #tpu.memory_space<vmem>>
        %dma_start3A_135 = tpu.memref_squeeze %dma_start3A_134 : memref<1x125xi32, #tpu.memory_space<vmem>> -> memref<125xi32, #tpu.memory_space<vmem>>
        %dma_start3A_136 = arith.constant 0 : i32
        %dma_start3A_137 = arith.constant 0 : i32
        %dma_start3A_138 = tpu.memref_slice %arg10[%dma_start3A_136, %dma_start3A_137] : memref<10240x128xf32, #tpu.memory_space<vmem_shared>> -> memref<10240x128xf32, #tpu.memory_space<vmem_shared>>
        tpu.enqueue_indirect_dma source(%arg8 : memref<125x128xf32, #tpu.memory_space<vmem>>) target(%dma_start3A_138 : memref<10240x128xf32, #tpu.memory_space<vmem_shared>>) offsets(%dma_start3A_135 : memref<125xi32, #tpu.memory_space<vmem>>) semaphore(%run_scoped3A_132 : memref<!tpu.dma_semaphore, #tpu.memory_space<semaphore_mem>>) {add = true}
        %dma_wait3A_139 = arith.constant 0 : i32
        %dma_wait3A_140 = tpu.memref_slice %arg7[%mul3A_99, %dma_wait3A_139] : memref<40x125xi32, #tpu.memory_space<vmem>> -> memref<1x125xi32, #tpu.memory_space<vmem>>
        %dma_wait3A_141 = tpu.memref_squeeze %dma_wait3A_140 : memref<1x125xi32, #tpu.memory_space<vmem>> -> memref<125xi32, #tpu.memory_space<vmem>>
        %dma_wait3A_142 = arith.constant 0 : i32
        %dma_wait3A_143 = arith.constant 0 : i32
        %dma_wait3A_144 = tpu.memref_slice %arg10[%dma_wait3A_142, %dma_wait3A_143] : memref<10240x128xf32, #tpu.memory_space<vmem_shared>> -> memref<10240x128xf32, #tpu.memory_space<vmem_shared>>
        tpu.wait_indirect_dma semaphore(%run_scoped3A_132 : memref<!tpu.dma_semaphore, #tpu.memory_space<semaphore_mem>>) src(%arg8 : memref<125x128xf32, #tpu.memory_space<vmem>>) dst(%dma_wait3A_144 : memref<10240x128xf32, #tpu.memory_space<vmem_shared>>)
        tpu.yield
      }) : () -> ()
      %add3A_115 = arith.constant 2 : i32
      %add3A_116 = arith.addi %mul3A_99, %add3A_115 : i32
      %dma_start3A_117 = arith.constant 0 : i32
      %dma_start3A_118 = tpu.memref_slice %arg6[%add3A_116, %dma_start3A_117] : memref<40x125xi32, #tpu.memory_space<vmem>> -> memref<1x125xi32, #tpu.memory_space<vmem>>
      %dma_start3A_119 = tpu.memref_squeeze %dma_start3A_118 : memref<1x125xi32, #tpu.memory_space<vmem>> -> memref<125xi32, #tpu.memory_space<vmem>>
      %dma_start3A_120 = arith.constant 0 : i32
      %dma_start3A_121 = arith.constant 0 : i32
      %dma_start3A_122 = tpu.memref_slice %arg2[%dma_start3A_120, %dma_start3A_121] : memref<10000x128xf32, #tpu.memory_space<hbm>> -> memref<10000x128xf32, #tpu.memory_space<hbm>>
      tpu.enqueue_indirect_dma source(%dma_start3A_122 : memref<10000x128xf32, #tpu.memory_space<hbm>>) target(%arg8 : memref<125x128xf32, #tpu.memory_space<vmem>>) offsets(%dma_start3A_119 : memref<125xi32, #tpu.memory_space<vmem>>) semaphore(%arg11 : memref<!tpu.dma_semaphore, #tpu.memory_space<semaphore_mem>>)
      %dma_wait3A_123 = arith.constant 0 : i32
      %dma_wait3A_124 = arith.constant 0 : i32
      %dma_wait3A_125 = tpu.memref_slice %arg6[%dma_wait3A_123, %dma_wait3A_124] : memref<40x125xi32, #tpu.memory_space<vmem>> -> memref<1x125xi32, #tpu.memory_space<vmem>>
      %dma_wait3A_126 = tpu.memref_squeeze %dma_wait3A_125 : memref<1x125xi32, #tpu.memory_space<vmem>> -> memref<125xi32, #tpu.memory_space<vmem>>
      %dma_wait3A_127 = arith.constant 0 : i32
      %dma_wait3A_128 = arith.constant 0 : i32
      %dma_wait3A_129 = tpu.memref_slice %arg2[%dma_wait3A_127, %dma_wait3A_128] : memref<10000x128xf32, #tpu.memory_space<hbm>> -> memref<10000x128xf32, #tpu.memory_space<hbm>>
      tpu.wait_indirect_dma semaphore(%arg12 : memref<!tpu.dma_semaphore, #tpu.memory_space<semaphore_mem>>) src(%dma_wait3A_129 : memref<10000x128xf32, #tpu.memory_space<hbm>>) dst(%arg9 : memref<125x128xf32, #tpu.memory_space<vmem>>)
      %add3A_130 = arith.constant 1 : i32
      %add3A_131 = arith.addi %mul3A_99, %add3A_130 : i32
      "tpu.region"() ({
        %run_scoped3A_132 = tpu.sem_alloc : memref<!tpu.dma_semaphore, #tpu.memory_space<semaphore_mem>>
        %dma_start3A_133 = arith.constant 0 : i32
        %dma_start3A_134 = tpu.memref_slice %arg7[%add3A_131, %dma_start3A_133] : memref<40x125xi32, #tpu.memory_space<vmem>> -> memref<1x125xi32, #tpu.memory_space<vmem>>
        %dma_start3A_135 = tpu.memref_squeeze %dma_start3A_134 : memref<1x125xi32, #tpu.memory_space<vmem>> -> memref<125xi32, #tpu.memory_space<vmem>>
        %dma_start3A_136 = arith.constant 0 : i32
        %dma_start3A_137 = arith.constant 0 : i32
        %dma_start3A_138 = tpu.memref_slice %arg10[%dma_start3A_136, %dma_start3A_137] : memref<10240x128xf32, #tpu.memory_space<vmem_shared>> -> memref<10240x128xf32, #tpu.memory_space<vmem_shared>>
        tpu.enqueue_indirect_dma source(%arg9 : memref<125x128xf32, #tpu.memory_space<vmem>>) target(%dma_start3A_138 : memref<10240x128xf32, #tpu.memory_space<vmem_shared>>) offsets(%dma_start3A_135 : memref<125xi32, #tpu.memory_space<vmem>>) semaphore(%run_scoped3A_132 : memref<!tpu.dma_semaphore, #tpu.memory_space<semaphore_mem>>) {add = true}
        %dma_wait3A_139 = arith.constant 0 : i32
        %dma_wait3A_140 = tpu.memref_slice %arg7[%add3A_131, %dma_wait3A_139] : memref<40x125xi32, #tpu.memory_space<vmem>> -> memref<1x125xi32, #tpu.memory_space<vmem>>
        %dma_wait3A_141 = tpu.memref_squeeze %dma_wait3A_140 : memref<1x125xi32, #tpu.memory_space<vmem>> -> memref<125xi32, #tpu.memory_space<vmem>>
        %dma_wait3A_142 = arith.constant 0 : i32
        %dma_wait3A_143 = arith.constant 0 : i32
        %dma_wait3A_144 = tpu.memref_slice %arg10[%dma_wait3A_142, %dma_wait3A_143] : memref<10240x128xf32, #tpu.memory_space<vmem_shared>> -> memref<10240x128xf32, #tpu.memory_space<vmem_shared>>
        tpu.wait_indirect_dma semaphore(%run_scoped3A_132 : memref<!tpu.dma_semaphore, #tpu.memory_space<semaphore_mem>>) src(%arg9 : memref<125x128xf32, #tpu.memory_space<vmem>>) dst(%dma_wait3A_144 : memref<10240x128xf32, #tpu.memory_space<vmem_shared>>)
        tpu.yield
      }) : () -> ()
    }
    %scan3A_62 = arith.constant 19 : i32
    %dma_start3A_63 = arith.constant 39 : i32
    %dma_start3A_64 = arith.constant 0 : i32
    %dma_start3A_65 = tpu.memref_slice %arg6[%dma_start3A_63, %dma_start3A_64] : memref<40x125xi32, #tpu.memory_space<vmem>> -> memref<1x125xi32, #tpu.memory_space<vmem>>
    %dma_start3A_66 = tpu.memref_squeeze %dma_start3A_65 : memref<1x125xi32, #tpu.memory_space<vmem>> -> memref<125xi32, #tpu.memory_space<vmem>>
    %dma_start3A_67 = arith.constant 0 : i32
    %dma_start3A_68 = arith.constant 0 : i32
    %dma_start3A_69 = tpu.memref_slice %arg2[%dma_start3A_67, %dma_start3A_68] : memref<10000x128xf32, #tpu.memory_space<hbm>> -> memref<10000x128xf32, #tpu.memory_space<hbm>>
    tpu.enqueue_indirect_dma source(%dma_start3A_69 : memref<10000x128xf32, #tpu.memory_space<hbm>>) target(%arg9 : memref<125x128xf32, #tpu.memory_space<vmem>>) offsets(%dma_start3A_66 : memref<125xi32, #tpu.memory_space<vmem>>) semaphore(%arg12 : memref<!tpu.dma_semaphore, #tpu.memory_space<semaphore_mem>>)
    %dma_wait3A = arith.constant 0 : i32
    %dma_wait3A_70 = arith.constant 0 : i32
    %dma_wait3A_71 = tpu.memref_slice %arg6[%dma_wait3A, %dma_wait3A_70] : memref<40x125xi32, #tpu.memory_space<vmem>> -> memref<1x125xi32, #tpu.memory_space<vmem>>
    %dma_wait3A_72 = tpu.memref_squeeze %dma_wait3A_71 : memref<1x125xi32, #tpu.memory_space<vmem>> -> memref<125xi32, #tpu.memory_space<vmem>>
    %dma_wait3A_73 = arith.constant 0 : i32
    %dma_wait3A_74 = arith.constant 0 : i32
    %dma_wait3A_75 = tpu.memref_slice %arg2[%dma_wait3A_73, %dma_wait3A_74] : memref<10000x128xf32, #tpu.memory_space<hbm>> -> memref<10000x128xf32, #tpu.memory_space<hbm>>
    tpu.wait_indirect_dma semaphore(%arg11 : memref<!tpu.dma_semaphore, #tpu.memory_space<semaphore_mem>>) src(%dma_wait3A_75 : memref<10000x128xf32, #tpu.memory_space<hbm>>) dst(%arg8 : memref<125x128xf32, #tpu.memory_space<vmem>>)
    %run_scoped3A_76 = arith.constant 38 : i32
    "tpu.region"() ({
      %run_scoped3A_93 = tpu.sem_alloc : memref<!tpu.dma_semaphore, #tpu.memory_space<semaphore_mem>>
      %dma_start3A_94 = arith.constant 0 : i32
      %dma_start3A_95 = tpu.memref_slice %arg7[%run_scoped3A_76, %dma_start3A_94] : memref<40x125xi32, #tpu.memory_space<vmem>> -> memref<1x125xi32, #tpu.memory_space<vmem>>
      %dma_start3A_96 = tpu.memref_squeeze %dma_start3A_95 : memref<1x125xi32, #tpu.memory_space<vmem>> -> memref<125xi32, #tpu.memory_space<vmem>>
      %dma_start3A_97 = arith.constant 0 : i32
      %dma_start3A_98 = arith.constant 0 : i32
      %dma_start3A_99 = tpu.memref_slice %arg10[%dma_start3A_97, %dma_start3A_98] : memref<10240x128xf32, #tpu.memory_space<vmem_shared>> -> memref<10240x128xf32, #tpu.memory_space<vmem_shared>>
      tpu.enqueue_indirect_dma source(%arg8 : memref<125x128xf32, #tpu.memory_space<vmem>>) target(%dma_start3A_99 : memref<10240x128xf32, #tpu.memory_space<vmem_shared>>) offsets(%dma_start3A_96 : memref<125xi32, #tpu.memory_space<vmem>>) semaphore(%run_scoped3A_93 : memref<!tpu.dma_semaphore, #tpu.memory_space<semaphore_mem>>) {add = true}
      %dma_wait3A_100 = arith.constant 0 : i32
      %dma_wait3A_101 = tpu.memref_slice %arg7[%run_scoped3A_76, %dma_wait3A_100] : memref<40x125xi32, #tpu.memory_space<vmem>> -> memref<1x125xi32, #tpu.memory_space<vmem>>
      %dma_wait3A_102 = tpu.memref_squeeze %dma_wait3A_101 : memref<1x125xi32, #tpu.memory_space<vmem>> -> memref<125xi32, #tpu.memory_space<vmem>>
      %dma_wait3A_103 = arith.constant 0 : i32
      %dma_wait3A_104 = arith.constant 0 : i32
      %dma_wait3A_105 = tpu.memref_slice %arg10[%dma_wait3A_103, %dma_wait3A_104] : memref<10240x128xf32, #tpu.memory_space<vmem_shared>> -> memref<10240x128xf32, #tpu.memory_space<vmem_shared>>
      tpu.wait_indirect_dma semaphore(%run_scoped3A_93 : memref<!tpu.dma_semaphore, #tpu.memory_space<semaphore_mem>>) src(%arg8 : memref<125x128xf32, #tpu.memory_space<vmem>>) dst(%dma_wait3A_105 : memref<10240x128xf32, #tpu.memory_space<vmem_shared>>)
      tpu.yield
    }) : () -> ()
    %dma_wait3A_77 = arith.constant 0 : i32
    %dma_wait3A_78 = arith.constant 0 : i32
    %dma_wait3A_79 = tpu.memref_slice %arg6[%dma_wait3A_77, %dma_wait3A_78] : memref<40x125xi32, #tpu.memory_space<vmem>> -> memref<1x125xi32, #tpu.memory_space<vmem>>
    %dma_wait3A_80 = tpu.memref_squeeze %dma_wait3A_79 : memref<1x125xi32, #tpu.memory_space<vmem>> -> memref<125xi32, #tpu.memory_space<vmem>>
    %dma_wait3A_81 = arith.constant 0 : i32
    %dma_wait3A_82 = arith.constant 0 : i32
    %dma_wait3A_83 = tpu.memref_slice %arg2[%dma_wait3A_81, %dma_wait3A_82] : memref<10000x128xf32, #tpu.memory_space<hbm>> -> memref<10000x128xf32, #tpu.memory_space<hbm>>
    tpu.wait_indirect_dma semaphore(%arg12 : memref<!tpu.dma_semaphore, #tpu.memory_space<semaphore_mem>>) src(%dma_wait3A_83 : memref<10000x128xf32, #tpu.memory_space<hbm>>) dst(%arg9 : memref<125x128xf32, #tpu.memory_space<vmem>>)
    %run_scoped3A_84 = arith.constant 39 : i32
    "tpu.region"() ({
      %run_scoped3A_93 = tpu.sem_alloc : memref<!tpu.dma_semaphore, #tpu.memory_space<semaphore_mem>>
      %dma_start3A_94 = arith.constant 0 : i32
      %dma_start3A_95 = tpu.memref_slice %arg7[%run_scoped3A_84, %dma_start3A_94] : memref<40x125xi32, #tpu.memory_space<vmem>> -> memref<1x125xi32, #tpu.memory_space<vmem>>
      %dma_start3A_96 = tpu.memref_squeeze %dma_start3A_95 : memref<1x125xi32, #tpu.memory_space<vmem>> -> memref<125xi32, #tpu.memory_space<vmem>>
      %dma_start3A_97 = arith.constant 0 : i32
      %dma_start3A_98 = arith.constant 0 : i32
      %dma_start3A_99 = tpu.memref_slice %arg10[%dma_start3A_97, %dma_start3A_98] : memref<10240x128xf32, #tpu.memory_space<vmem_shared>> -> memref<10240x128xf32, #tpu.memory_space<vmem_shared>>
      tpu.enqueue_indirect_dma source(%arg9 : memref<125x128xf32, #tpu.memory_space<vmem>>) target(%dma_start3A_99 : memref<10240x128xf32, #tpu.memory_space<vmem_shared>>) offsets(%dma_start3A_96 : memref<125xi32, #tpu.memory_space<vmem>>) semaphore(%run_scoped3A_93 : memref<!tpu.dma_semaphore, #tpu.memory_space<semaphore_mem>>) {add = true}
      %dma_wait3A_100 = arith.constant 0 : i32
      %dma_wait3A_101 = tpu.memref_slice %arg7[%run_scoped3A_84, %dma_wait3A_100] : memref<40x125xi32, #tpu.memory_space<vmem>> -> memref<1x125xi32, #tpu.memory_space<vmem>>
      %dma_wait3A_102 = tpu.memref_squeeze %dma_wait3A_101 : memref<1x125xi32, #tpu.memory_space<vmem>> -> memref<125xi32, #tpu.memory_space<vmem>>
      %dma_wait3A_103 = arith.constant 0 : i32
      %dma_wait3A_104 = arith.constant 0 : i32
      %dma_wait3A_105 = tpu.memref_slice %arg10[%dma_wait3A_103, %dma_wait3A_104] : memref<10240x128xf32, #tpu.memory_space<vmem_shared>> -> memref<10240x128xf32, #tpu.memory_space<vmem_shared>>
      tpu.wait_indirect_dma semaphore(%run_scoped3A_93 : memref<!tpu.dma_semaphore, #tpu.memory_space<semaphore_mem>>) src(%arg9 : memref<125x128xf32, #tpu.memory_space<vmem>>) dst(%dma_wait3A_105 : memref<10240x128xf32, #tpu.memory_space<vmem_shared>>)
      tpu.yield
    }) : () -> ()
    %barrier3A_85 = arith.constant 0 : index
    tpu.barrier barrier_id(%barrier3A_85)
    %eq3A = arith.constant 0 : i32
    %eq3A_86 = arith.cmpi eq, %arg0, %eq3A : i32
    %convert_element_type3A = arith.extui %eq3A_86 : i1 to i32
    %cond3A = arith.constant 0 : i32
    %cond3A_87 = arith.cmpi ne, %convert_element_type3A, %cond3A : i32
    scf.if %cond3A_87 {
      %lt3A = arith.constant 15 : i32
      %lt3A_93 = arith.cmpi slt, %arg1, %lt3A : i32
      %convert_element_type3A_94 = arith.extui %lt3A_93 : i1 to i32
      %cond3A_95 = arith.constant 0 : i32
      %cond3A_96 = arith.cmpi ne, %convert_element_type3A_94, %cond3A_95 : i32
      scf.if %cond3A_96 {
        %mul3A_102 = arith.constant 640 : i32
        %mul3A_103 = arith.muli %arg1, %mul3A_102 : i32
        %mul3A_104 = arith.constant 640 : i32
        %mul3A_105 = arith.muli %arg1, %mul3A_104 : i32
        "tpu.region"() ({
          %run_scoped3A_106 = tpu.sem_alloc : memref<!tpu.dma_semaphore, #tpu.memory_space<semaphore_mem>>
          %dma_start3A_107 = arith.constant 0 : i32
          %dma_start3A_108 = tpu.memref_slice %arg4[%mul3A_105, %dma_start3A_107] : memref<10000x128xf32, #tpu.memory_space<hbm>> -> memref<640x128xf32, #tpu.memory_space<hbm>>
          %dma_start3A_109 = arith.constant 0 : i32
          %dma_start3A_110 = tpu.memref_slice %arg10[%mul3A_103, %dma_start3A_109] : memref<10240x128xf32, #tpu.memory_space<vmem_shared>> -> memref<640x128xf32, #tpu.memory_space<vmem_shared>>
          tpu.enqueue_dma source(%dma_start3A_110 : memref<640x128xf32, #tpu.memory_space<vmem_shared>>) target(%dma_start3A_108 : memref<640x128xf32, #tpu.memory_space<hbm>>) target_semaphore(%run_scoped3A_106 : memref<!tpu.dma_semaphore, #tpu.memory_space<semaphore_mem>>)
          %dma_wait3A_111 = arith.constant 0 : i32
          %dma_wait3A_112 = tpu.memref_slice %arg4[%mul3A_105, %dma_wait3A_111] : memref<10000x128xf32, #tpu.memory_space<hbm>> -> memref<640x128xf32, #tpu.memory_space<hbm>>
          %dma_wait3A_113 = arith.constant 0 : i32
          %dma_wait3A_114 = tpu.memref_slice %arg10[%mul3A_103, %dma_wait3A_113] : memref<10240x128xf32, #tpu.memory_space<vmem_shared>> -> memref<640x128xf32, #tpu.memory_space<vmem_shared>>
          tpu.wait_dma2 semaphore(%run_scoped3A_106 : memref<!tpu.dma_semaphore, #tpu.memory_space<semaphore_mem>>) src(%dma_wait3A_114 : memref<640x128xf32, #tpu.memory_space<vmem_shared>>) dst(%dma_wait3A_112 : memref<640x128xf32, #tpu.memory_space<hbm>>)
          tpu.yield
        }) : () -> ()
      } else {
      }
      %eq3A_97 = arith.constant 15 : i32
      %eq3A_98 = arith.cmpi eq, %arg1, %eq3A_97 : i32
      %convert_element_type3A_99 = arith.extui %eq3A_98 : i1 to i32
      %cond3A_100 = arith.constant 0 : i32
      %cond3A_101 = arith.cmpi ne, %convert_element_type3A_99, %cond3A_100 : i32
      scf.if %cond3A_101 {
        "tpu.region"() ({
          %run_scoped3A_102 = tpu.sem_alloc : memref<!tpu.dma_semaphore, #tpu.memory_space<semaphore_mem>>
          %dma_start3A_103 = arith.constant 9600 : i32
          %dma_start3A_104 = arith.constant 0 : i32
          %dma_start3A_105 = tpu.memref_slice %arg4[%dma_start3A_103, %dma_start3A_104] : memref<10000x128xf32, #tpu.memory_space<hbm>> -> memref<400x128xf32, #tpu.memory_space<hbm>>
          %dma_start3A_106 = arith.constant 9600 : i32
          %dma_start3A_107 = arith.constant 0 : i32
          %dma_start3A_108 = tpu.memref_slice %arg10[%dma_start3A_106, %dma_start3A_107] : memref<10240x128xf32, #tpu.memory_space<vmem_shared>> -> memref<400x128xf32, #tpu.memory_space<vmem_shared>>
          tpu.enqueue_dma source(%dma_start3A_108 : memref<400x128xf32, #tpu.memory_space<vmem_shared>>) target(%dma_start3A_105 : memref<400x128xf32, #tpu.memory_space<hbm>>) target_semaphore(%run_scoped3A_102 : memref<!tpu.dma_semaphore, #tpu.memory_space<semaphore_mem>>)
          %dma_wait3A_109 = arith.constant 9600 : i32
          %dma_wait3A_110 = arith.constant 0 : i32
          %dma_wait3A_111 = tpu.memref_slice %arg4[%dma_wait3A_109, %dma_wait3A_110] : memref<10000x128xf32, #tpu.memory_space<hbm>> -> memref<400x128xf32, #tpu.memory_space<hbm>>
          %dma_wait3A_112 = arith.constant 9600 : i32
          %dma_wait3A_113 = arith.constant 0 : i32
          %dma_wait3A_114 = tpu.memref_slice %arg10[%dma_wait3A_112, %dma_wait3A_113] : memref<10240x128xf32, #tpu.memory_space<vmem_shared>> -> memref<400x128xf32, #tpu.memory_space<vmem_shared>>
          tpu.wait_dma2 semaphore(%run_scoped3A_102 : memref<!tpu.dma_semaphore, #tpu.memory_space<semaphore_mem>>) src(%dma_wait3A_114 : memref<400x128xf32, #tpu.memory_space<vmem_shared>>) dst(%dma_wait3A_111 : memref<400x128xf32, #tpu.memory_space<hbm>>)
          tpu.yield
        }) : () -> ()
      } else {
      }
    } else {
    }
    %eq3A_88 = arith.constant 1 : i32
    %eq3A_89 = arith.cmpi eq, %arg0, %eq3A_88 : i32
    %convert_element_type3A_90 = arith.extui %eq3A_89 : i1 to i32
    %cond3A_91 = arith.constant 0 : i32
    %cond3A_92 = arith.cmpi ne, %convert_element_type3A_90, %cond3A_91 : i32
    scf.if %cond3A_92 {
      %lt3A = arith.constant 15 : i32
      %lt3A_93 = arith.cmpi slt, %arg1, %lt3A : i32
      %convert_element_type3A_94 = arith.extui %lt3A_93 : i1 to i32
      %cond3A_95 = arith.constant 0 : i32
      %cond3A_96 = arith.cmpi ne, %convert_element_type3A_94, %cond3A_95 : i32
      scf.if %cond3A_96 {
        %mul3A_102 = arith.constant 640 : i32
        %mul3A_103 = arith.muli %arg1, %mul3A_102 : i32
        %mul3A_104 = arith.constant 640 : i32
        %mul3A_105 = arith.muli %arg1, %mul3A_104 : i32
        "tpu.region"() ({
          %run_scoped3A_106 = tpu.sem_alloc : memref<!tpu.dma_semaphore, #tpu.memory_space<semaphore_mem>>
          %dma_start3A_107 = arith.constant 0 : i32
          %dma_start3A_108 = tpu.memref_slice %arg5[%mul3A_105, %dma_start3A_107] : memref<10000x128xf32, #tpu.memory_space<hbm>> -> memref<640x128xf32, #tpu.memory_space<hbm>>
          %dma_start3A_109 = arith.constant 0 : i32
          %dma_start3A_110 = tpu.memref_slice %arg10[%mul3A_103, %dma_start3A_109] : memref<10240x128xf32, #tpu.memory_space<vmem_shared>> -> memref<640x128xf32, #tpu.memory_space<vmem_shared>>
          tpu.enqueue_dma source(%dma_start3A_110 : memref<640x128xf32, #tpu.memory_space<vmem_shared>>) target(%dma_start3A_108 : memref<640x128xf32, #tpu.memory_space<hbm>>) target_semaphore(%run_scoped3A_106 : memref<!tpu.dma_semaphore, #tpu.memory_space<semaphore_mem>>)
          %dma_wait3A_111 = arith.constant 0 : i32
          %dma_wait3A_112 = tpu.memref_slice %arg5[%mul3A_105, %dma_wait3A_111] : memref<10000x128xf32, #tpu.memory_space<hbm>> -> memref<640x128xf32, #tpu.memory_space<hbm>>
          %dma_wait3A_113 = arith.constant 0 : i32
          %dma_wait3A_114 = tpu.memref_slice %arg10[%mul3A_103, %dma_wait3A_113] : memref<10240x128xf32, #tpu.memory_space<vmem_shared>> -> memref<640x128xf32, #tpu.memory_space<vmem_shared>>
          tpu.wait_dma2 semaphore(%run_scoped3A_106 : memref<!tpu.dma_semaphore, #tpu.memory_space<semaphore_mem>>) src(%dma_wait3A_114 : memref<640x128xf32, #tpu.memory_space<vmem_shared>>) dst(%dma_wait3A_112 : memref<640x128xf32, #tpu.memory_space<hbm>>)
          tpu.yield
        }) : () -> ()
      } else {
      }
      %eq3A_97 = arith.constant 15 : i32
      %eq3A_98 = arith.cmpi eq, %arg1, %eq3A_97 : i32
      %convert_element_type3A_99 = arith.extui %eq3A_98 : i1 to i32
      %cond3A_100 = arith.constant 0 : i32
      %cond3A_101 = arith.cmpi ne, %convert_element_type3A_99, %cond3A_100 : i32
      scf.if %cond3A_101 {
        "tpu.region"() ({
          %run_scoped3A_102 = tpu.sem_alloc : memref<!tpu.dma_semaphore, #tpu.memory_space<semaphore_mem>>
          %dma_start3A_103 = arith.constant 9600 : i32
          %dma_start3A_104 = arith.constant 0 : i32
          %dma_start3A_105 = tpu.memref_slice %arg5[%dma_start3A_103, %dma_start3A_104] : memref<10000x128xf32, #tpu.memory_space<hbm>> -> memref<400x128xf32, #tpu.memory_space<hbm>>
          %dma_start3A_106 = arith.constant 9600 : i32
          %dma_start3A_107 = arith.constant 0 : i32
          %dma_start3A_108 = tpu.memref_slice %arg10[%dma_start3A_106, %dma_start3A_107] : memref<10240x128xf32, #tpu.memory_space<vmem_shared>> -> memref<400x128xf32, #tpu.memory_space<vmem_shared>>
          tpu.enqueue_dma source(%dma_start3A_108 : memref<400x128xf32, #tpu.memory_space<vmem_shared>>) target(%dma_start3A_105 : memref<400x128xf32, #tpu.memory_space<hbm>>) target_semaphore(%run_scoped3A_102 : memref<!tpu.dma_semaphore, #tpu.memory_space<semaphore_mem>>)
          %dma_wait3A_109 = arith.constant 9600 : i32
          %dma_wait3A_110 = arith.constant 0 : i32
          %dma_wait3A_111 = tpu.memref_slice %arg5[%dma_wait3A_109, %dma_wait3A_110] : memref<10000x128xf32, #tpu.memory_space<hbm>> -> memref<400x128xf32, #tpu.memory_space<hbm>>
          %dma_wait3A_112 = arith.constant 9600 : i32
          %dma_wait3A_113 = arith.constant 0 : i32
          %dma_wait3A_114 = tpu.memref_slice %arg10[%dma_wait3A_112, %dma_wait3A_113] : memref<10240x128xf32, #tpu.memory_space<vmem_shared>> -> memref<400x128xf32, #tpu.memory_space<vmem_shared>>
          tpu.wait_dma2 semaphore(%run_scoped3A_102 : memref<!tpu.dma_semaphore, #tpu.memory_space<semaphore_mem>>) src(%dma_wait3A_114 : memref<400x128xf32, #tpu.memory_space<vmem_shared>>) dst(%dma_wait3A_111 : memref<400x128xf32, #tpu.memory_space<hbm>>)
          tpu.yield
        }) : () -> ()
      } else {
      }
    } else {
    }
    return
  }
}

module attributes {stable_mosaic.version = 14 : i64} {
  func.func @body(%arg0: i32, %arg1: memref<5000x256xf32, #tpu.memory_space<vmem>>, %arg2: memref<256x256xf32, #tpu.memory_space<vmem>>, %arg3: memref<2x80000xi32, #tpu.memory_space<vmem>>, %arg4: memref<5000x128xf32, #tpu.memory_space<vmem>>, %arg5: memref<5000x128xf32, #tpu.memory_space<vmem>>, %arg6: memref<2x640x125xi32, #tpu.memory_space<vmem>>) attributes {dimension_semantics = [#tpu.dimension_semantics<arbitrary>], iteration_bounds = array<i64: 2>, scalar_prefetch = 0 : i64, scratch_operands = 0 : i64, tpu.core_type = #tpu.core_type<tc>, window_params = [{transform_indices = @transform_0, window_bounds = array<i64: 5000, 256>}, {pipeline_mode = #tpu.pipeline_mode<synchronous>, transform_indices = @transform_1, window_bounds = array<i64: 256, 256>}, {transform_indices = @transform_2, window_bounds = array<i64: 2, 80000>}, {transform_indices = @transform_3, window_bounds = array<i64: 5000, 128>}, {transform_indices = @transform_4, window_bounds = array<i64: 5000, 128>}, {transform_indices = @transform_5, window_bounds = array<i64: 2, 640, 125>}]} {
    %get3A = arith.constant 0 : index
    %get3A_0 = arith.constant 0 : index
    %get3A_1 = vector.load %arg1[%get3A, %get3A_0] : memref<5000x256xf32, #tpu.memory_space<vmem>>, vector<5000x256xf32>
    %get3A_2 = arith.constant 0 : index
    %get3A_3 = arith.constant 0 : index
    %get3A_4 = vector.load %arg2[%get3A_2, %get3A_3] : memref<256x256xf32, #tpu.memory_space<vmem>>, vector<256x256xf32>
    %dot_general3A = arith.constant dense<0.000000e+00> : vector<5000x256xf32>
    %dot_general3A_5 = tpu.matmul %get3A_1, %get3A_4, %dot_general3A {dimension_numbers = #tpu.dot_dimension_numbers<[1], [0], [0], [1], [0, 0, 1, 1], [], []>, transpose_lhs_hint = false} : vector<5000x256xf32>, vector<256x256xf32>, vector<5000x256xf32> -> vector<5000x256xf32>
    %slice3A = vector.extract_strided_slice %dot_general3A_5 {offsets = [0, 0], sizes = [5000, 128], strides = [1, 1]} : vector<5000x256xf32> to vector<5000x128xf32>
    %swap3A = arith.constant 0 : index
    %swap3A_6 = arith.constant 0 : index
    %swap3A_7 = vector.load %arg4[%swap3A, %swap3A_6] : memref<5000x128xf32, #tpu.memory_space<vmem>>, vector<5000x128xf32>
    tpu.vector_store %arg4[%swap3A, %swap3A_6], %slice3A {strides = array<i32>} : memref<5000x128xf32, #tpu.memory_space<vmem>>, vector<5000x128xf32>,
    %slice3A_8 = vector.extract_strided_slice %dot_general3A_5 {offsets = [0, 128], sizes = [5000, 128], strides = [1, 1]} : vector<5000x256xf32> to vector<5000x128xf32>
    %swap3A_9 = arith.constant 0 : index
    %swap3A_10 = arith.constant 0 : index
    %swap3A_11 = vector.load %arg5[%swap3A_9, %swap3A_10] : memref<5000x128xf32, #tpu.memory_space<vmem>>, vector<5000x128xf32>
    tpu.vector_store %arg5[%swap3A_9, %swap3A_10], %slice3A_8 {strides = array<i32>} : memref<5000x128xf32, #tpu.memory_space<vmem>>, vector<5000x128xf32>,
    %get3A_12 = arith.constant 0 : index
    %get3A_13 = arith.constant 0 : index
    %get3A_14 = vector.load %arg3[%get3A_12, %get3A_13] : memref<2x80000xi32, #tpu.memory_space<vmem>>, vector<2x80000xi32>
    %reshape3A = vector.shape_cast %get3A_14 : vector<2x80000xi32> to vector<2x640x125xi32>
    %swap3A_15 = arith.constant 0 : index
    %swap3A_16 = arith.constant 0 : index
    %swap3A_17 = arith.constant 0 : index
    %swap3A_18 = vector.load %arg6[%swap3A_15, %swap3A_16, %swap3A_17] : memref<2x640x125xi32, #tpu.memory_space<vmem>>, vector<2x640x125xi32>
    tpu.vector_store %arg6[%swap3A_15, %swap3A_16, %swap3A_17], %reshape3A {strides = array<i32>} : memref<2x640x125xi32, #tpu.memory_space<vmem>>, vector<2x640x125xi32>,
    return
  }
  func.func @transform_0(%arg0: i32) -> (i32, i32) {
    %c0_i32 = arith.constant 0 : i32
    %c0_i32_0 = arith.constant 0 : i32
    return %arg0, %c0_i32 : i32, i32
  }
  func.func @transform_1(%arg0: i32) -> (i32, i32) {
    %c0_i32 = arith.constant 0 : i32
    %c0_i32_0 = arith.constant 0 : i32
    %c0_i32_1 = arith.constant 0 : i32
    return %c0_i32, %c0_i32_0 : i32, i32
  }
  func.func @transform_2(%arg0: i32) -> (i32, i32) {
    %c0_i32 = arith.constant 0 : i32
    %c0_i32_0 = arith.constant 0 : i32
    return %c0_i32, %arg0 : i32, i32
  }
  func.func @transform_3(%arg0: i32) -> (i32, i32) {
    %c0_i32 = arith.constant 0 : i32
    %c0_i32_0 = arith.constant 0 : i32
    return %arg0, %c0_i32 : i32, i32
  }
  func.func @transform_4(%arg0: i32) -> (i32, i32) {
    %c0_i32 = arith.constant 0 : i32
    %c0_i32_0 = arith.constant 0 : i32
    return %arg0, %c0_i32 : i32, i32
  }
  func.func @transform_5(%arg0: i32) -> (i32, i32, i32) {
    %c0_i32 = arith.constant 0 : i32
    %c0_i32_0 = arith.constant 0 : i32
    %c0_i32_1 = arith.constant 0 : i32
    return %c0_i32, %arg0, %c0_i32_0 : i32, i32, i32
  }
}

module attributes {stable_mosaic.version = 14 : i64} {
  func.func @body(%arg0: i32, %arg1: memref<5000x128xf32, #tpu.memory_space<vmem>>, %arg2: memref<5000x128xf32, #tpu.memory_space<vmem>>, %arg3: memref<1x128xf32, #tpu.memory_space<vmem>>, %arg4: memref<5000x128xf32, #tpu.memory_space<vmem>>) attributes {dimension_semantics = [#tpu.dimension_semantics<arbitrary>], iteration_bounds = array<i64: 2>, scalar_prefetch = 0 : i64, scratch_operands = 0 : i64, tpu.core_type = #tpu.core_type<tc>, window_params = [{transform_indices = @transform_0, window_bounds = array<i64: 5000, 128>}, {transform_indices = @transform_1, window_bounds = array<i64: 5000, 128>}, {pipeline_mode = #tpu.pipeline_mode<synchronous>, transform_indices = @transform_2, window_bounds = array<i64: 1, 128>}, {transform_indices = @transform_3, window_bounds = array<i64: 5000, 128>}]} {
    %get3A = arith.constant 0 : index
    %get3A_0 = arith.constant 0 : index
    %get3A_1 = vector.load %arg1[%get3A, %get3A_0] : memref<5000x128xf32, #tpu.memory_space<vmem>>, vector<5000x128xf32>
    %get3A_2 = arith.constant 0 : index
    %get3A_3 = arith.constant 0 : index
    %get3A_4 = vector.load %arg2[%get3A_2, %get3A_3] : memref<5000x128xf32, #tpu.memory_space<vmem>>, vector<5000x128xf32>
    %add3A = arith.addf %get3A_1, %get3A_4 : vector<5000x128xf32>
    %get3A_5 = arith.constant 0 : index
    %get3A_6 = arith.constant 0 : index
    %get3A_7 = vector.load %arg3[%get3A_5, %get3A_6] : memref<1x128xf32, #tpu.memory_space<vmem>>, vector<1x128xf32>
    %add3A_8 = vector.broadcast %get3A_7 : vector<1x128xf32> to vector<5000x128xf32>
    %add3A_9 = arith.addf %add3A, %add3A_8 : vector<5000x128xf32>
    %max3A = arith.constant 0.000000e+00 : f32
    %max3A_10 = vector.broadcast %max3A : f32 to vector<5000x128xf32>
    %max3A_11 = arith.maximumf %add3A_9, %max3A_10 : vector<5000x128xf32>
    %swap3A = arith.constant 0 : index
    %swap3A_12 = arith.constant 0 : index
    %swap3A_13 = vector.load %arg4[%swap3A, %swap3A_12] : memref<5000x128xf32, #tpu.memory_space<vmem>>, vector<5000x128xf32>
    tpu.vector_store %arg4[%swap3A, %swap3A_12], %max3A_11 {strides = array<i32>} : memref<5000x128xf32, #tpu.memory_space<vmem>>, vector<5000x128xf32>,
    return
  }
  func.func @transform_0(%arg0: i32) -> (i32, i32) {
    %c0_i32 = arith.constant 0 : i32
    %c0_i32_0 = arith.constant 0 : i32
    return %arg0, %c0_i32 : i32, i32
  }
  func.func @transform_1(%arg0: i32) -> (i32, i32) {
    %c0_i32 = arith.constant 0 : i32
    %c0_i32_0 = arith.constant 0 : i32
    return %arg0, %c0_i32 : i32, i32
  }
  func.func @transform_2(%arg0: i32) -> (i32, i32) {
    %c0_i32 = arith.constant 0 : i32
    %c0_i32_0 = arith.constant 0 : i32
    %c0_i32_1 = arith.constant 0 : i32
    return %c0_i32, %c0_i32_0 : i32, i32
  }
  func.func @transform_3(%arg0: i32) -> (i32, i32) {
    %c0_i32 = arith.constant 0 : i32
    %c0_i32_0 = arith.constant 0 : i32
    return %arg0, %c0_i32 : i32, i32
  }
}

module attributes {stable_mosaic.version = 14 : i64} {
  func.func @body(%arg0: i32, %arg1: memref<5000x128xf32, #tpu.memory_space<vmem>>, %arg2: memref<5000x128xf32, #tpu.memory_space<vmem>>, %arg3: memref<1x256xf32, #tpu.memory_space<vmem>>, %arg4: memref<256x128xf32, #tpu.memory_space<vmem>>, %arg5: memref<5000x128xf32, #tpu.memory_space<vmem>>) attributes {dimension_semantics = [#tpu.dimension_semantics<arbitrary>], iteration_bounds = array<i64: 2>, scalar_prefetch = 0 : i64, scratch_operands = 0 : i64, tpu.core_type = #tpu.core_type<tc>, window_params = [{transform_indices = @transform_0, window_bounds = array<i64: 5000, 128>}, {transform_indices = @transform_1, window_bounds = array<i64: 5000, 128>}, {pipeline_mode = #tpu.pipeline_mode<synchronous>, transform_indices = @transform_2, window_bounds = array<i64: 1, 256>}, {pipeline_mode = #tpu.pipeline_mode<synchronous>, transform_indices = @transform_3, window_bounds = array<i64: 256, 128>}, {transform_indices = @transform_4, window_bounds = array<i64: 5000, 128>}]} {
    %get3A = arith.constant 0 : index
    %get3A_0 = arith.constant 0 : index
    %get3A_1 = vector.load %arg1[%get3A, %get3A_0] : memref<5000x128xf32, #tpu.memory_space<vmem>>, vector<5000x128xf32>
    %get3A_2 = arith.constant 0 : index
    %get3A_3 = arith.constant 0 : index
    %get3A_4 = vector.load %arg3[%get3A_2, %get3A_3] : memref<1x256xf32, #tpu.memory_space<vmem>>, vector<1x128xf32>
    %add3A = vector.broadcast %get3A_4 : vector<1x128xf32> to vector<5000x128xf32>
    %add3A_5 = arith.addf %get3A_1, %add3A : vector<5000x128xf32>
    %max3A = arith.constant 0.000000e+00 : f32
    %max3A_6 = vector.broadcast %max3A : f32 to vector<5000x128xf32>
    %max3A_7 = arith.maximumf %add3A_5, %max3A_6 : vector<5000x128xf32>
    %get3A_8 = arith.constant 0 : index
    %get3A_9 = arith.constant 0 : index
    %get3A_10 = vector.load %arg2[%get3A_8, %get3A_9] : memref<5000x128xf32, #tpu.memory_space<vmem>>, vector<5000x128xf32>
    %get3A_11 = arith.constant 0 : index
    %get3A_12 = arith.constant 128 : index
    %get3A_13 = vector.load %arg3[%get3A_11, %get3A_12] : memref<1x256xf32, #tpu.memory_space<vmem>>, vector<1x128xf32>
    %add3A_14 = vector.broadcast %get3A_13 : vector<1x128xf32> to vector<5000x128xf32>
    %add3A_15 = arith.addf %get3A_10, %add3A_14 : vector<5000x128xf32>
    %max3A_16 = arith.constant 0.000000e+00 : f32
    %max3A_17 = vector.broadcast %max3A_16 : f32 to vector<5000x128xf32>
    %max3A_18 = arith.maximumf %add3A_15, %max3A_17 : vector<5000x128xf32>
    %get3A_19 = arith.constant 0 : index
    %get3A_20 = arith.constant 0 : index
    %get3A_21 = vector.load %arg4[%get3A_19, %get3A_20] : memref<256x128xf32, #tpu.memory_space<vmem>>, vector<128x128xf32>
    %dot_general3A = arith.constant dense<0.000000e+00> : vector<5000x128xf32>
    %dot_general3A_22 = tpu.matmul %max3A_7, %get3A_21, %dot_general3A {dimension_numbers = #tpu.dot_dimension_numbers<[1], [0], [0], [1], [0, 0, 1, 1], [], []>, transpose_lhs_hint = false} : vector<5000x128xf32>, vector<128x128xf32>, vector<5000x128xf32> -> vector<5000x128xf32>
    %get3A_23 = arith.constant 128 : index
    %get3A_24 = arith.constant 0 : index
    %get3A_25 = vector.load %arg4[%get3A_23, %get3A_24] : memref<256x128xf32, #tpu.memory_space<vmem>>, vector<128x128xf32>
    %dot_general3A_26 = arith.constant dense<0.000000e+00> : vector<5000x128xf32>
    %dot_general3A_27 = tpu.matmul %max3A_18, %get3A_25, %dot_general3A_26 {dimension_numbers = #tpu.dot_dimension_numbers<[1], [0], [0], [1], [0, 0, 1, 1], [], []>, transpose_lhs_hint = false} : vector<5000x128xf32>, vector<128x128xf32>, vector<5000x128xf32> -> vector<5000x128xf32>
    %add3A_28 = arith.addf %dot_general3A_22, %dot_general3A_27 : vector<5000x128xf32>
    %swap3A = arith.constant 0 : index
    %swap3A_29 = arith.constant 0 : index
    %swap3A_30 = vector.load %arg5[%swap3A, %swap3A_29] : memref<5000x128xf32, #tpu.memory_space<vmem>>, vector<5000x128xf32>
    tpu.vector_store %arg5[%swap3A, %swap3A_29], %add3A_28 {strides = array<i32>} : memref<5000x128xf32, #tpu.memory_space<vmem>>, vector<5000x128xf32>,
    return
  }
  func.func @transform_0(%arg0: i32) -> (i32, i32) {
    %c0_i32 = arith.constant 0 : i32
    %c0_i32_0 = arith.constant 0 : i32
    return %arg0, %c0_i32 : i32, i32
  }
  func.func @transform_1(%arg0: i32) -> (i32, i32) {
    %c0_i32 = arith.constant 0 : i32
    %c0_i32_0 = arith.constant 0 : i32
    return %arg0, %c0_i32 : i32, i32
  }
  func.func @transform_2(%arg0: i32) -> (i32, i32) {
    %c0_i32 = arith.constant 0 : i32
    %c0_i32_0 = arith.constant 0 : i32
    %c0_i32_1 = arith.constant 0 : i32
    return %c0_i32, %c0_i32_0 : i32, i32
  }
  func.func @transform_3(%arg0: i32) -> (i32, i32) {
    %c0_i32 = arith.constant 0 : i32
    %c0_i32_0 = arith.constant 0 : i32
    %c0_i32_1 = arith.constant 0 : i32
    return %c0_i32, %c0_i32_0 : i32, i32
  }
  func.func @transform_4(%arg0: i32) -> (i32, i32) {
    %c0_i32 = arith.constant 0 : i32
    %c0_i32_0 = arith.constant 0 : i32
    return %arg0, %c0_i32 : i32, i32
  }
}

</mosaic_0001>

<sc_bundles>
// kernel: kernel.10.cloned.1.call-start
scs
__scs_entry_jumppad:
0x0: {  	(pc) =	sbr.rel $0x88, $3  }
0x1: {  	(tag) =	ssettag $0x0;
	lr =	simm.s32 $0x1  }
0x2: {  	[smem:$0x3F9B] =	sst lr;
	_ =	strace $0xD0000000  }
0x3: {  	_ = 	snop  }
0x4: {  	_ = 	snop  }
0x5: {  	_ = 	snop  }
0x6: {  	_ = 	snop  }
0x7: {  	_ = 	snop  }
__scs_overlays_trampoline_lowered:
0x8: {  	[smem:$0x3FAA] =	sst s0  }
0x9: {  	[smem:$0x3FAB] =	sst s1  }
0xa: {  	[smem:$0x3FAC] =	sst s2  }
0xb: {  	[smem:$0x3FAD] =	sst s3  }
0xc: {  	[smem:$0x3FAE] =	sst s4  }
0xd: {  	[smem:$0x3FAF] =	sst s5  }
0xe: {  	[smem:$0x3FB0] =	sst s6  }
0xf: {  	[smem:$0x3FB1] =	sst s7  }
0x10: {  	[smem:$0x3FB2] =	sst s8  }
0x11: {  	[smem:$0x3FB3] =	sst s9;
	s0 =	simm.s32 @!p0 $0x0  }
0x12: {  	s1 =	sld [smem:$0x3F99];
	s0 =	simm.s32 @p0 $0x1  }
0x13: {  	[smem:$0x3FB4] =	sst s0;
	s0 =	simm.s32 @!p1 $0x0  }
0x14: {  	s2 =	sld [smem:$0x3F98];
	s0 =	simm.s32 @p1 $0x1  }
0x15: {  	[smem:$0x3FB5] =	sst s0;
	s0 =	simm.s32 @!p2 $0x0  }
0x16: {  	s3 =	sld [smem:$0x3FDB];
	s0 =	simm.s32 @p2 $0x1  }
0x17: {  	s4 =	simm.s32 $0x1BF5;
	[smem:$0x3FB7] =	sst s0  }
0x18: {  	s0 =	sld [smem:$0x3F9A];
	_ =	swait.ge [sflag:s4], $0x0  }
0x19: {  	s7 =	sld [smem:$0x3F9B]  }
0x1a: {  	s8 =	sadd.s32 $0xFFFFE003, lr  }
0x1b: {  	s9 =	sadd.s32 $0xFFFFFEF7, lr;
	s5 =	simm.s32 $0xFFFFFFFF;
	p2 =	slt.u32 s8, $0xFFFFF086  }
0x1c: {  	p1 =	slt.u32 s9, $0xF7A;
	s5 =	simm.s32 @!p2 $0x0  }
0x1d: {  	s5 =	simm.s32 @p1 $0x1;
	p0 =	seq.s32 s7, s2  }
0x1e: {  	s7 =	smul.u32 @!p0 $0xF7A, s2;
	p2 =	seq.s32 @!p0 s5, $0x0  }
0x1f: {  	s9 =	smul.u32 $0xF7A, s1;
	s8 =	simm.s32 @!p0 $0x1BF5;
	p2 =	por !p2, p0  }
0x20: {  	[sflag:s8] =	ssyncset.s32 @!p0 $0xFFFFF086;
	s6 =	sadd.s32 @!p0 s3, s7;
	s7 =	simm.s32 @!p0 $0x108  }
0x21: {  	s3 =	sadd.s32 s3, s9;
	s6 =	sadd.s32 @!p0 $0x88, s6;
	s7 =	simm.s32 @p2 $0x1082  }
0x22: {  	[simem:s7], [sflag:s8] =	dma.local @!p0 [hbm:s6], $0xF7A  }
0x23: {  	s9 =	sor.u32 $0xD0000000, s2;
	s6 =	simm.s32 $0x108;
	_ =	swait.ge @!p0 [sflag:s8], $0x0  }
0x24: {  	s3 =	sadd.s32 $0x88, s3;
	s6 =	simm.s32 @!p1 $0x1082;
	[sflag:s4] =	ssyncset.s32 $0xFFFFF086  }
0x25: {  	[simem:s6], [sflag:s4] =	dma.local [hbm:s3], $0xF7A  }
0x26: {  	[smem:$0x3F9B] =	sst s1;
	(tag) =	ssettag s2;
	_ =	strace s9  }
0x27: {  	s1 =	sld [smem:$0x3FAB]  }
0x28: {  	s2 =	sld [smem:$0x3FAC]  }
0x29: {  	s4 =	sld [smem:$0x3FAE]  }
0x2a: {  	p0 =	seq.s32 s5, $0x0;
	s5 =	sld [smem:$0x3FAF]  }
0x2b: {  	s6 =	sld [smem:$0x3FB0]  }
0x2c: {  	s7 =	sld [smem:$0x3FB1]  }
0x2d: {  	s3 =	simm.s32 $0x108;
	s8 =	sld [smem:$0x3FB2]  }
0x2e: {  	s3 =	simm.s32 @!p0 $0x1082;
	s9 =	sld [smem:$0x3FB3]  }
0x2f: {  	lr =	sadd.s32 s0, s3;
	s0 =	sld [smem:$0x3FAA]  }
0x30: {  	s3 =	sld [smem:$0x3FAD]  }
0x31: {  	[smem:$0x3FB6] =	sst s10  }
0x32: {  	s10 =	sld [smem:$0x3FB4];
	_ =	sdelay $0x3  }
0x33: {  	p0 =	seq.s32 s10, $0x1;
	s10 =	sld [smem:$0x3FB6];
	_ =	sdelay $0x3  }
0x34: {  	[smem:$0x3FB6] =	sst s10  }
0x35: {  	s10 =	sld [smem:$0x3FB5];
	_ =	sdelay $0x3  }
0x36: {  	p1 =	seq.s32 s10, $0x1;
	s10 =	sld [smem:$0x3FB6];
	_ =	sdelay $0x3  }
0x37: {  	[smem:$0x3FB6] =	sst s10  }
0x38: {  	s10 =	sld [smem:$0x3FB7]  }
0x39: {  	_ = 	snop;
	(pc) =	sbr.ind lr, $3  }
0x3a: {  	_ = 	snop  }
0x3b: {  	_ = 	snop  }
0x3c: {  	p2 =	seq.s32 s10, $0x1;
	s10 =	sld [smem:$0x3FB6]  }
0x3d: {  	_ =	shalt  }
0x3e: {  	_ =	shalt  }
0x3f: {  	_ =	shalt  }
0x40: {  	_ =	shalt  }
0x41: {  	_ =	shalt  }
0x42: {  	_ =	shalt  }
0x43: {  	_ =	shalt  }
0x44: {  	_ =	shalt  }
0x45: {  	_ =	shalt  }
0x46: {  	_ =	shalt  }
0x47: {  	_ =	shalt  }
0x48: {  	_ =	shalt  }
0x49: {  	_ =	shalt  }
0x4a: {  	_ =	shalt  }
0x4b: {  	_ =	shalt  }
0x4c: {  	_ =	shalt  }
0x4d: {  	_ =	shalt  }
0x4e: {  	_ =	shalt  }
0x4f: {  	_ =	shalt  }
0x50: {  	_ =	shalt  }
0x51: {  	_ =	shalt  }
0x52: {  	_ =	shalt  }
0x53: {  	_ =	shalt  }
0x54: {  	_ =	shalt  }
0x55: {  	_ =	shalt  }
0x56: {  	_ =	shalt  }
0x57: {  	_ =	shalt  }
0x58: {  	_ =	shalt  }
0x59: {  	_ =	shalt  }
0x5a: {  	_ =	shalt  }
0x5b: {  	_ =	shalt  }
0x5c: {  	_ =	shalt  }
0x5d: {  	_ =	shalt  }
0x5e: {  	_ =	shalt  }
0x5f: {  	_ =	shalt  }
0x60: {  	_ =	shalt  }
0x61: {  	_ =	shalt  }
0x62: {  	_ =	shalt  }
0x63: {  	_ =	shalt  }
0x64: {  	_ =	shalt  }
0x65: {  	_ =	shalt  }
0x66: {  	_ =	shalt  }
0x67: {  	_ =	shalt  }
0x68: {  	_ =	shalt  }
0x69: {  	_ =	shalt  }
0x6a: {  	_ =	shalt  }
0x6b: {  	_ =	shalt  }
0x6c: {  	_ =	shalt  }
0x6d: {  	_ =	shalt  }
0x6e: {  	_ =	shalt  }
0x6f: {  	_ =	shalt  }
0x70: {  	_ =	shalt  }
0x71: {  	_ =	shalt  }
0x72: {  	_ =	shalt  }
0x73: {  	_ =	shalt  }
0x74: {  	_ =	shalt  }
0x75: {  	_ =	shalt  }
0x76: {  	_ =	shalt  }
0x77: {  	_ =	shalt  }
0x78: {  	_ =	shalt  }
0x79: {  	_ =	shalt  }
0x7a: {  	_ =	shalt  }
0x7b: {  	_ =	shalt  }
0x7c: {  	_ =	shalt  }
0x7d: {  	_ =	shalt  }
0x7e: {  	_ =	shalt  }
0x7f: {  	_ =	shalt  }
0x80: {  	_ =	shalt  }
0x81: {  	_ =	shalt  }
0x82: {  	_ =	shalt  }
0x83: {  	_ =	shalt  }
0x84: {  	_ =	shalt  }
0x85: {  	_ =	shalt  }
0x86: {  	_ =	shalt  }
0x87: {  	_ =	shalt  }
.Lfunc_end0:
.L_simem_size_0:
called_computation.1_lowered:
.L_overlay_start_0:
0x88: {  	s2 =	sld [smem:$0x3FD9]  }
0x89: {  	s3 =	sld [smem:$0x3FFE];
	_ =	sdelay $0x1  }
0x8a: {  	s1 =	srdreg.scid  }
0x8b: {  	s0 =	sand.u32 $0x1, s1  }
0x8c: {  	s17 =	sshll.u32 s0, $0xA;
	s2 =	sadd.s32 s3, s2  }
0x8d: {  	s2 =	sadd.s32 s2, s17  }
0x8e: {  	[smem:$0x3FC2] =	sst s2  }
0x8f: {  	_ = 	snop  }
0x90: {  	s2 =	sld [smem:$0x3FD0];
	(tm) =	ssettm $0x1  }
0x91: {  	s18 =	sld [smem:$0x3FFB];
	_ =	sdelay $0x3  }
0x92: {  	_ =	strace s18  }
0x93: {  	s3 =	sld [smem:$0x3FFC];
	_ =	sdelay $0x3  }
0x94: {  	_ =	strace s3  }
0x95: {  	s3 =	sld [smem:$0x3FFD];
	_ =	sdelay $0x3  }
0x96: {  	_ =	strace s3  }
0x97: {  	_ =	strace $0x8FFFFFFF  }
0x98: {  	s19 =	sld [smem:$0x3FDB];
	_ =	sdelay $0x1  }
0x99: {  	s4 =	simm.s32 $_scs_section_size  }
0x9a: {  	s5 =	simm.s32 $_size__tile_overlayer_lowered;
	s6 =	simm.s32 $_tile_overlayer_lowered  }
0x9b: {  	s22 =	simm.s32 $0x1BFF;
	s21 =	sshll.u32 s6, $0x1;
	s3 =	sadd.s32 s4, s19  }
0x9c: {  	s7 =	simm.s32 $0x0;
	s20 =	sshll.u32 s5, $0x1;
	s5 =	sadd.s32 s21, s3  }
0x9d: {  	[timem:s7], [sflag:s22] =	dma.local [hbm:s5], s20  }
0x9e: {  	_ =	swait.ge [sflag:s22], s20  }
0x9f: {  	s4 =	ssub.s32 $0x0, s20;
	[sflag:s22] =	ssyncset.done $0x0  }
0xa0: {  	[sflag:s22] =	ssyncadd.s32 s4;
	_ =	sdelay $0x1  }
0xa1: {  	s23 =	simm.s32 $0x1B8B  }
0xa2: {  	_ =	swait.ge [sflag:s23], $0x1  }
0xa3: {  	[sflag:s23] =	ssyncset.done $0x0  }
0xa4: {  	s25 =	simm.s32 $0x1B8E;
	s24 =	sld [smem:$0x3FFE];
	[sflag:s23] =	ssyncadd.s32 $0xFFFFFFFF  }
0xa5: {  	s26 =	simm.s32 $execute0_lowered;
	[smem:$0x3FD2] =	sst s25  }
0xa6: {  	s5 =	sshll.u32 s26, $0x1;
	_ =	strace $0x80000049;
	[dreg:$0x1] =	wrdreg $0xFFFFFFFF  }
0xa7: {  	s28 =	simm.s32 $_size_execute0_lowered;
	s3 =	sadd.s32 s3, s5;
	[dreg:$0x0] =	wrdreg $0x0  }
0xa8: {  	s5 =	sshll.u32 s28, $0x1;
	[dreg:$0x2] =	wrdreg s3  }
0xa9: {  	[dreg:$0x3] =	wrdreg s5  }
0xaa: {  	[dreg:$0x4] =	wrdreg $0xC0  }
0xab: {  	_ =	task [dreg:s7], $0x5FFFF  }
0xac: {  	[dreg:$0x1] =	wrdreg $0xFFFFFFFF  }
0xad: {  	[dreg:$0x0] =	wrdreg $0x60  }
0xae: {  	[dreg:$0x2] =	wrdreg s2  }
0xaf: {  	[dreg:$0x3] =	wrdreg s24  }
0xb0: {  	[dreg:$0x4] =	wrdreg $0xA8000  }
0xb1: {  	[dreg:$0x5] =	wrdreg $0x9  }
0xb2: {  	_ =	task.clear_ibuf [dreg:s7], $0x6FFFF;
	_ =	strace $0x90000049  }
0xb3: {  	s29 =	simm.s32 $0x9;
	_ =	strace $0x8000004B  }
0xb4: {  	_ =	swait.ge [sflag:s29], $0x1  }
0xb5: {  	[sflag:s29] =	ssyncadd.s32 $0xFFFFFFFF  }
0xb6: {  	_ =	strace $0x9000004B  }
0xb7: {  	_ =	sfence  }
0xb8: {  	s30 =	sld [smem:$0x0];
	_ =	sdelay $0x2  }
0xb9: {  	s31 =	sshll.u32 s1, $0xD;
	s1 =	sshrl.u32 s1, $0x2  }
0xba: {  	s3 =	sand.u32 $0x4000, s31;
	s1 =	sadd.s32 s1, s30  }
0xbb: {  	s0 =	sor.u32 s3, s0;
	s1 =	sshll.u32 s1, $0x11  }
0xbc: {  	s0 =	sor.u32 s1, s0  }
0xbd: {  	s0 =	sadd.s32 $0x8F2B, s0  }
0xbe: {  	[sflag:s0] =	ssyncadd.remote.s32 $0x1  }
0xbf: {  	_ =	sfence.sel $0xFFFF  }
0xc0: {  	[dreg:$0x0] =	wrdreg $0xFFFFFFFF;
	(pc) =	sbr.abs _section_cstart, $3  }
0xc1: {  	[dreg:$0x1] =	wrdreg $0xFFFFFFFF  }
0xc2: {  	_ =	task.clear_ibuf [dreg:s7], $0x2FFFF;
	_ =	strace $0x9FFFFFFF  }
0xc3: {  	(tm) =	ssettm $0x7FFFFFFF  }
tec
execute0_lowered:
.L_overlay_start_1:
0x0: {  	(tag) =	ssettag $0x1  }
0x1: {  	s1 =	rddreg [dreg:$0x0]  }
0x2: {  	s21 =	rddreg [dreg:$0x1]  }
0x3: {  	s0 =	srdreg.scid;
	s3 =	rddreg [dreg:$0x2];
	s23 =	simm.s32 $0x2800  }
0x4: {  	s24 =	simm.s32 $0x3;
	s26 =	simm.s32 $0x7D;
	s28 =	simm.s32 $0x6800  }
0x5: {  	s29 =	simm.s32 $0x1;
	s2 =	sand.u32 $0x1, s0;
	s0 =	stileid.u32  }
0x6: {  	s30 =	simm.s32 $0x2;
	s18 =	sadd.s32 $0x12C000, s3;
	s6 =	smul.u32 $0x50000, s0  }
0x7: {  	s19 =	sadd.s32 $0x32200, s21;
	s4 =	sshll.u32 s2, $0x4;
	s7 =	smul.u32 $0x2800, s0  }
0x8: {  	s8 =	ssub.s32 $0x2, s2;
	p3 =	seq.s32 s2, $0x1;
	s5 =	sor.u32 s0, s4  }
0x9: {  	s4 =	simm.s32 $0x0;
	s9 =	sshrl.u32 s8, $0x1;
	p1 =	seq.s32 @p3 s0, $0xF  }
0xa: {  	p4 =	seq.s32 @!p3 s0, $0xF;
	s5 =	smul.u32 $0x1400, s5;
	[smem:$0x7FF] =	sst s4  }
0xb: {  	s6 =	sshrl.u32 s6, $0x2;
	s20 =	sadd.s32 s7, s21;
	s22 =	ssub.s32 s8, s9  }
0xc: {  	p0 =	por !p1, !p3;
	p1 =	por p1, !p3;
	p2 =	por !p4, p3  }
0xd: {  	p3 =	por p4, p3;
	_ =	strace $0x8000004A;
	s17 =	sadd.s32 $0xCA00, s20  }
0xe: {  	s20 =	sadd.s32 $0x33C00, s20;
	s22 =	smax.u32 s22, $0x1;
	s5 =	sshrl.u32 s5, $0x3  }
0xf: {  	s16 =	sadd.s32 s5, s21;
	s5 =	sadd.s32 s6, s3;
	s21 =	sadd.s32 $0x59400, s21  }
0x10: {  	s6 =	sadd.s32 $0x2000, s5;
	s7 =	sadd.s32 $0x4000, s5;
	s8 =	sadd.s32 $0x6000, s5  }
0x11: {  	s9 =	sadd.s32 $0x8000, s5;
	s10 =	sadd.s32 $0xA000, s5;
	s11 =	sadd.s32 $0xC000, s5  }
0x12: {  	s12 =	sadd.s32 $0xE000, s5;
	s13 =	sadd.s32 $0x10000, s5;
	s14 =	sadd.s32 $0x12000, s5  }
0x13: {  	v0 =	vimm.f32 $0.0e+00;
	s15 =	sadd.s32 $0x2A00, s16;
	s16 =	sadd.s32 $0x7A00, s16;
	[dreg:$0x4] =	wrdreg s6  }
.LBB2_1:
0x14: {  	s31 =	simm.s32 $0x0;
	s2 =	simm.s32 $0x200  }
.LBB2_2:
0x15: {  	p4 =	sne.s32 s2, $0x7E00;
	[tilespmem:s31+$0x2870] =	vst v0  }
0x16: {  	[tilespmem:s31+$0x2800] =	vst v0  }
0x17: {  	[tilespmem:s31+$0x2810] =	vst v0  }
.Ltmp0:
0x18: {  	[tilespmem:s31+$0x2820] =	vst v0;
	(pc) =	sbr.rel @p4 .LBB2_2-.Ltmp0, $4  }
0x19: {  	[tilespmem:s31+$0x2830] =	vst v0  }
0x1a: {  	[tilespmem:s31+$0x2840] =	vst v0  }
0x1b: {  	[tilespmem:s31+$0x2850] =	vst v0  }
0x1c: {  	[tilespmem:s31+$0x2860] =	vst v0;
	s31 =	sshra.s32 s2, $0x2;
	s2 =	sadd.s32 $0x200, s2  }
0x1d: {  	[tilespmem:s31+$0x2870] =	vst v0  }
0x1e: {  	[tilespmem:s31+$0x2800] =	vst v0  }
0x1f: {  	[tilespmem:s31+$0x2810] =	vst v0  }
0x20: {  	[tilespmem:s31+$0x2820] =	vst v0  }
0x21: {  	[tilespmem:s31+$0x2830] =	vst v0  }
0x22: {  	[tilespmem:s31+$0x2840] =	vst v0  }
0x23: {  	[tilespmem:s31+$0x2850] =	vst v0  }
0x24: {  	[tilespmem:s31+$0x2860] =	vst v0  }
0x25: {  	[spmem:s5] =	stream.linear.scatter [tilespmem:s23], [sflag:$0x3], $0x2000, $0x38;
	[tilespmem:$0x1E800] =	vst v63  }
0x26: {  	_ =	swait.ge [sflag:s24], $0x2000  }
0x27: {  	[sflag:s24] =	ssyncset.done $0x0  }
0x28: {  	s0 =	rddreg [dreg:$0x4];
	[sflag:s24] =	ssyncadd.s32 $0xFFFFE000  }
0x29: {  	[spmem:s0] =	stream.linear.scatter [tilespmem:s23], [sflag:$0x3], $0x2000, $0x38;
	[tilespmem:$0x1E800] =	vst v63  }
0x2a: {  	_ =	swait.ge [sflag:s24], $0x2000  }
0x2b: {  	[sflag:s24] =	ssyncset.done $0x0  }
0x2c: {  	[sflag:s24] =	ssyncadd.s32 $0xFFFFE000  }
0x2d: {  	[spmem:s7] =	stream.linear.scatter [tilespmem:s23], [sflag:$0x3], $0x2000, $0x38;
	[tilespmem:$0x1E800] =	vst v63  }
0x2e: {  	_ =	swait.ge [sflag:s24], $0x2000  }
0x2f: {  	[sflag:s24] =	ssyncset.done $0x0  }
0x30: {  	[sflag:s24] =	ssyncadd.s32 $0xFFFFE000  }
0x31: {  	[spmem:s8] =	stream.linear.scatter [tilespmem:s23], [sflag:$0x3], $0x2000, $0x38;
	[tilespmem:$0x1E800] =	vst v63  }
0x32: {  	_ =	swait.ge [sflag:s24], $0x2000  }
0x33: {  	[sflag:s24] =	ssyncset.done $0x0  }
0x34: {  	[sflag:s24] =	ssyncadd.s32 $0xFFFFE000  }
0x35: {  	[spmem:s9] =	stream.linear.scatter [tilespmem:s23], [sflag:$0x3], $0x2000, $0x38;
	[tilespmem:$0x1E800] =	vst v63  }
0x36: {  	_ =	swait.ge [sflag:s24], $0x2000  }
0x37: {  	[sflag:s24] =	ssyncset.done $0x0  }
0x38: {  	[sflag:s24] =	ssyncadd.s32 $0xFFFFE000  }
0x39: {  	[spmem:s10] =	stream.linear.scatter [tilespmem:s23], [sflag:$0x3], $0x2000, $0x38;
	[tilespmem:$0x1E800] =	vst v63  }
0x3a: {  	_ =	swait.ge [sflag:s24], $0x2000  }
0x3b: {  	[sflag:s24] =	ssyncset.done $0x0  }
0x3c: {  	[sflag:s24] =	ssyncadd.s32 $0xFFFFE000  }
0x3d: {  	[spmem:s11] =	stream.linear.scatter [tilespmem:s23], [sflag:$0x3], $0x2000, $0x38;
	[tilespmem:$0x1E800] =	vst v63  }
0x3e: {  	_ =	swait.ge [sflag:s24], $0x2000  }
0x3f: {  	[sflag:s24] =	ssyncset.done $0x0  }
0x40: {  	[sflag:s24] =	ssyncadd.s32 $0xFFFFE000  }
0x41: {  	[spmem:s12] =	stream.linear.scatter [tilespmem:s23], [sflag:$0x3], $0x2000, $0x38;
	[tilespmem:$0x1E800] =	vst v63  }
0x42: {  	_ =	swait.ge [sflag:s24], $0x2000  }
0x43: {  	[sflag:s24] =	ssyncset.done $0x0  }
0x44: {  	[sflag:s24] =	ssyncadd.s32 $0xFFFFE000  }
0x45: {  	[spmem:s13] =	stream.linear.scatter [tilespmem:s23], [sflag:$0x3], $0x2000, $0x38;
	[tilespmem:$0x1E800] =	vst v63  }
0x46: {  	_ =	swait.ge [sflag:s24], $0x2000  }
0x47: {  	[sflag:s24] =	ssyncset.done $0x0  }
0x48: {  	[sflag:s24] =	ssyncadd.s32 $0xFFFFE000  }
0x49: {  	[spmem:s14] =	stream.linear.scatter [tilespmem:s23], [sflag:$0x3], $0x2000, $0x38;
	[tilespmem:$0x1E800] =	vst v63  }
0x4a: {  	_ =	swait.ge [sflag:s24], $0x2000  }
0x4b: {  	[sflag:s24] =	ssyncset.done $0x0  }
0x4c: {  	[sflag:s24] =	ssyncadd.s32 $0xFFFFE000  }
0x4d: {  	s2 =	simm.s32 $0x0;
	[bflag:$0x0] =	sbarrier.arrive $0xFFFF  }
0x4e: {  	[tilespmem:s2], [sflag:$0x3] =	stream.linear.gather [hbm4b:s15+s2], $0x1400, $0x38;
	[tilespmem:$0x1E800] =	vst v63  }
0x4f: {  	_ =	swait.ge [sflag:s24], $0x1400  }
0x50: {  	[sflag:s24] =	ssyncset.done $0x0  }
0x51: {  	s6 =	simm.s32 $0x1400;
	[sflag:s24] =	ssyncadd.s32 $0xFFFFEC00  }
0x52: {  	[tilespmem:s6], [sflag:$0x3] =	stream.linear.gather [hbm4b:s16+s2], $0x1400, $0x38;
	[tilespmem:$0x1E800] =	vst v63  }
0x53: {  	_ =	swait.ge [sflag:s24], $0x1400  }
0x54: {  	[sflag:s24] =	ssyncset.done $0x0  }
0x55: {  	[sflag:s24] =	ssyncadd.s32 $0xFFFFEC00  }
0x56: {  	[tilespmem:s23], [sflag:$0x1] =	stream.indirect.gather [hbm4b:s1+s26], $0x80, s2, s26, $0xb8;
	[tilespmem:$0x1E800] =	vst v63  }
0x57: {  	s25 =	simm.s32 $0x80  }
0x58: {  	[tilespmem:s28], [sflag:$0x2] =	stream.indirect.gather [hbm4b:s1+s26], $0x80, s25, s26, $0xb8;
	[tilespmem:$0x1E800] =	vst v63  }
0x59: {  	_ =	swait.ge [sflag:s29], $0x3E80  }
0x5a: {  	[sflag:s29] =	ssyncset.done $0x0  }
0x5b: {  	s0 =	simm.s32 $0x1400;
	[sflag:s29] =	ssyncadd.s32 $0xFFFFC180  }
0x5c: {  	[spmem:s3] =	stream.indirect.scatter.add.f32 [tilespmem:s23], [sflag:$0x3], $0x80, s0, s26, $0xb8;
	[tilespmem:$0x1E800] =	vst v63  }
0x5d: {  	_ =	swait.ge [sflag:s24], $0x3E80  }
0x5e: {  	[sflag:s24] =	ssyncset.done $0x0  }
0x5f: {  	s6 =	simm.s32 $0x100;
	[sflag:s24] =	ssyncadd.s32 $0xFFFFC180  }
0x60: {  	[tilespmem:s23], [sflag:$0x1] =	stream.indirect.gather [hbm4b:s1+s26], $0x80, s6, s26, $0xb8;
	[tilespmem:$0x1E800] =	vst v63  }
0x61: {  	_ =	swait.ge [sflag:s30], $0x3E80  }
0x62: {  	[sflag:s30] =	ssyncset.done $0x0  }
0x63: {  	s25 =	simm.s32 $0x1480;
	[sflag:s30] =	ssyncadd.s32 $0xFFFFC180  }
0x64: {  	[spmem:s3] =	stream.indirect.scatter.add.f32 [tilespmem:s28], [sflag:$0x3], $0x80, s25, s26, $0xb8;
	[tilespmem:$0x1E800] =	vst v63  }
0x65: {  	_ =	swait.ge [sflag:s24], $0x3E80  }
0x66: {  	s31 =	simm.s32 $0x100;
	s2 =	simm.s32 $0x800;
	[sflag:s24] =	ssyncset.done $0x0  }
.LBB2_4:
0x67: {  	s25 =	sadd.s32 $0x80, s31  }
0x68: {  	[sflag:s24] =	ssyncadd.s32 $0xFFFFC180;
	s0 =	smov.u32 s2;
	s6 =	sadd.s32 $0x400, s2  }
0x69: {  	[tilespmem:s28], [sflag:$0x2] =	stream.indirect.gather [hbm4b:s1+s26], $0x80, s25, s26, $0xb8;
	[tilespmem:$0x1E800] =	vst v63  }
0x6a: {  	p4 =	sne.s32 s2, $0x4800;
	_ =	swait.ge [sflag:s29], $0x3E80  }
0x6b: {  	[sflag:s29] =	ssyncset.done $0x0  }
0x6c: {  	s2 =	sadd.s32 $0x1400, s31;
	[sflag:s29] =	ssyncadd.s32 $0xFFFFC180  }
0x6d: {  	[spmem:s3] =	stream.indirect.scatter.add.f32 [tilespmem:s23], [sflag:$0x3], $0x80, s2, s26, $0xb8;
	[tilespmem:$0x1E800] =	vst v63  }
0x6e: {  	_ =	swait.ge [sflag:s24], $0x3E80  }
0x6f: {  	[sflag:s24] =	ssyncset.done $0x0  }
0x70: {  	s2 =	sadd.s32 $0x100, s31;
	[sflag:s24] =	ssyncadd.s32 $0xFFFFC180  }
0x71: {  	[tilespmem:s23], [sflag:$0x1] =	stream.indirect.gather [hbm4b:s1+s26], $0x80, s2, s26, $0xb8;
	[tilespmem:$0x1E800] =	vst v63  }
0x72: {  	_ =	swait.ge [sflag:s30], $0x3E80  }
.Ltmp1:
0x73: {  	[sflag:s30] =	ssyncset.done $0x0;
	(pc) =	sbr.rel @p4 .LBB2_4-.Ltmp1, $4  }
0x74: {  	s2 =	sadd.s32 $0x1480, s31;
	[sflag:s30] =	ssyncadd.s32 $0xFFFFC180  }
0x75: {  	[spmem:s3] =	stream.indirect.scatter.add.f32 [tilespmem:s28], [sflag:$0x3], $0x80, s2, s26, $0xb8;
	[tilespmem:$0x1E800] =	vst v63  }
0x76: {  	_ =	swait.ge [sflag:s24], $0x3E80  }
0x77: {  	s31 =	sshra.s32 s0, $0x2;
	s2 =	smov.u32 s6;
	[sflag:s24] =	ssyncset.done $0x0  }
0x78: {  	s0 =	sadd.s32 $0x80, s31;
	[sflag:s24] =	ssyncadd.s32 $0xFFFFC180  }
0x79: {  	[tilespmem:s28], [sflag:$0x2] =	stream.indirect.gather [hbm4b:s1+s26], $0x80, s0, s26, $0xb8;
	[tilespmem:$0x1E800] =	vst v63  }
0x7a: {  	_ =	swait.ge [sflag:s29], $0x3E80  }
0x7b: {  	[sflag:s29] =	ssyncset.done $0x0  }
0x7c: {  	s6 =	sadd.s32 $0x1400, s31;
	[sflag:s29] =	ssyncadd.s32 $0xFFFFC180  }
0x7d: {  	[spmem:s3] =	stream.indirect.scatter.add.f32 [tilespmem:s23], [sflag:$0x3], $0x80, s6, s26, $0xb8;
	[tilespmem:$0x1E800] =	vst v63  }
0x7e: {  	_ =	swait.ge [sflag:s24], $0x3E80  }
0x7f: {  	[sflag:s24] =	ssyncset.done $0x0  }
0x80: {  	s25 =	sadd.s32 $0x100, s31;
	[sflag:s24] =	ssyncadd.s32 $0xFFFFC180  }
0x81: {  	[tilespmem:s23], [sflag:$0x1] =	stream.indirect.gather [hbm4b:s1+s26], $0x80, s25, s26, $0xb8;
	[tilespmem:$0x1E800] =	vst v63  }
0x82: {  	_ =	swait.ge [sflag:s30], $0x3E80  }
0x83: {  	[sflag:s30] =	ssyncset.done $0x0  }
0x84: {  	s2 =	sadd.s32 $0x1480, s31;
	[sflag:s30] =	ssyncadd.s32 $0xFFFFC180  }
0x85: {  	[spmem:s3] =	stream.indirect.scatter.add.f32 [tilespmem:s28], [sflag:$0x3], $0x80, s2, s26, $0xb8;
	[tilespmem:$0x1E800] =	vst v63  }
0x86: {  	_ =	swait.ge [sflag:s24], $0x3E80  }
0x87: {  	[sflag:s24] =	ssyncset.done $0x0  }
0x88: {  	s6 =	simm.s32 $0x1380;
	[sflag:s24] =	ssyncadd.s32 $0xFFFFC180  }
0x89: {  	[tilespmem:s28], [sflag:$0x2] =	stream.indirect.gather [hbm4b:s1+s26], $0x80, s6, s26, $0xb8;
	[tilespmem:$0x1E800] =	vst v63  }
0x8a: {  	_ =	swait.ge [sflag:s29], $0x3E80  }
0x8b: {  	[sflag:s29] =	ssyncset.done $0x0  }
0x8c: {  	s25 =	simm.s32 $0x2700;
	[sflag:s29] =	ssyncadd.s32 $0xFFFFC180  }
0x8d: {  	[spmem:s3] =	stream.indirect.scatter.add.f32 [tilespmem:s23], [sflag:$0x3], $0x80, s25, s26, $0xb8;
	[tilespmem:$0x1E800] =	vst v63  }
0x8e: {  	_ =	swait.ge [sflag:s24], $0x3E80  }
0x8f: {  	[sflag:s24] =	ssyncset.done $0x0  }
0x90: {  	[sflag:s24] =	ssyncadd.s32 $0xFFFFC180  }
0x91: {  	_ =	swait.ge [sflag:s30], $0x3E80  }
0x92: {  	[sflag:s30] =	ssyncset.done $0x0  }
0x93: {  	s31 =	simm.s32 $0x2780;
	[sflag:s30] =	ssyncadd.s32 $0xFFFFC180  }
0x94: {  	[spmem:s3] =	stream.indirect.scatter.add.f32 [tilespmem:s28], [sflag:$0x3], $0x80, s31, s26, $0xb8;
	[tilespmem:$0x1E800] =	vst v63  }
0x95: {  	_ =	swait.ge [sflag:s24], $0x3E80  }
0x96: {  	[sflag:s24] =	ssyncset.done $0x0  }
0x97: {  	[sflag:s24] =	ssyncadd.s32 $0xFFFFC180  }
0x98: {  	s0 =	sshrl.u32 @!p0 s18, $0x3;
	s2 =	simm.s32 @!p0 $0x1FC3;
	[bflag:$0x0] =	sbarrier.arrive $0xFFFF  }
0x99: {  	[hbm:s21], [sflag:s2] =	dma.local @!p0 [spmem:s0], $0x1900  }
0x9a: {  	s0 =	simm.s32 @!p0 $0x3  }
0x9b: {  	s25 =	stileid.u32;
	_ =	swait.ge @!p0 [sflag:s0], $0x1900  }
0x9c: {  	s2 =	sshll.u32 @!p1 s25, $0x6;
	[sflag:s0] =	ssyncset.done @!p0 $0x0  }
0x9d: {  	[sflag:s0] =	ssyncadd.s32 @!p0 $0xFFFFE700;
	s0 =	sor.u32 @!p1 $0x1C03, s2;
	s2 =	sshrl.u32 @!p1 s5, $0x3  }
0x9e: {  	[hbm:s20], [sflag:s0] =	dma.local @!p1 [spmem:s2], $0x2800  }
0x9f: {  	s0 =	simm.s32 @!p1 $0x3  }
0xa0: {  	_ =	swait.ge @!p1 [sflag:s0], $0x2800  }
0xa1: {  	[sflag:s0] =	ssyncset.done @!p1 $0x0  }
0xa2: {  	s2 =	simm.s32 @!p2 $0x1FC3;
	[sflag:s0] =	ssyncadd.s32 @!p1 $0xFFFFD800;
	s0 =	sshrl.u32 @!p2 s18, $0x3  }
0xa3: {  	[hbm:s19], [sflag:s2] =	dma.local @!p2 [spmem:s0], $0x1900  }
0xa4: {  	s0 =	simm.s32 @!p2 $0x3  }
0xa5: {  	s4 =	sadd.s32 $0x1, s4;
	_ =	swait.ge @!p2 [sflag:s0], $0x1900  }
0xa6: {  	p4 =	sne.s32 s4, s22;
	s2 =	sshll.u32 @!p3 s25, $0x6;
	[sflag:s0] =	ssyncset.done @!p2 $0x0  }
0xa7: {  	[sflag:s0] =	ssyncadd.s32 @!p2 $0xFFFFE700;
	s0 =	sor.u32 @!p3 $0x1C03, s2;
	s2 =	sshrl.u32 @!p3 s5, $0x3  }
0xa8: {  	[hbm:s17], [sflag:s0] =	dma.local @!p3 [spmem:s2], $0x2800  }
.Ltmp2:
0xa9: {  	_ = 	snop;
	(pc) =	sbr.rel @p4 .LBB2_1-.Ltmp2, $4  }
0xaa: {  	s0 =	simm.s32 @!p3 $0x3  }
0xab: {  	_ =	swait.ge @!p3 [sflag:s0], $0x2800  }
0xac: {  	[sflag:s0] =	ssyncset.done @!p3 $0x0  }
0xad: {  	s6 =	stileid.u32;
	[sflag:s0] =	ssyncadd.s32 @!p3 $0xFFFFD800  }
0xae: {  	_ =	sfence.sel $0x180000  }
0xaf: {  	[bflag:$0x0] =	sbarrier.arrive $0xFFFF  }
0xb0: {  	_ =	strace $0x9000004A  }
0xb1: {  	[bflag:$0x2] =	sbarrier.arrive $0xFFFF  }
0xb2: {  	p0 =	sne.s32 s6, $0x0;
	s0 =	rddreg [dreg:$0x3]  }
0xb3: {  	s0 =	sadd.s32 @!p0 $0x100000, s0  }
0xb4: {  	[sflag:s0] =	ssyncadd.tile.s32 @!p0 $0x1;
	_ =	shalt  }
.Lfunc_end2:
_tile_overlayer_lowered:
.L_overlay_start_2:
0xb5: {  	(tag) =	ssettag $0x2  }
0xb6: {  	s0 =	rddreg [dreg:$0x0];
	s2 =	stileid.u32  }
0xb7: {  	s1 =	rddreg [dreg:$0x1];
	p0 =	sne.s32 s2, $0x0  }
0xb8: {  	s3 =	rddreg [dreg:$0x2];
	[bflag:$0x3] =	sbarrier.arrive $0xFFFF;
	s2 =	simm.s32 @!p0 $0x1C03  }
0xb9: {  	[timem:s3], [sflag:s2] =	dma.local @!p0 [hbm:s0], s1  }
0xba: {  	s0 =	simm.s32 @!p0 $0x3  }
0xbb: {  	_ =	swait.ge @!p0 [sflag:s0], s1  }
0xbc: {  	s1 =	ssub.s32 @!p0 $0x0, s1;
	[sflag:s0] =	ssyncset.done @!p0 $0x0  }
0xbd: {  	[sflag:s0] =	ssyncadd.s32 @!p0 s1  }
0xbe: {  	[bflag:$0x3] =	sbarrier.arrive $0xFFFF  }
0xbf: {  	_ =	shalt  }

// kernel: kernel.7.cloned.1.call-start
scs
__scs_entry_jumppad:
0x0: {  	(pc) =	sbr.rel $0x88, $3  }
0x1: {  	(tag) =	ssettag $0x0;
	lr =	simm.s32 $0x1  }
0x2: {  	[smem:$0x3F9B] =	sst lr;
	_ =	strace $0xD0000000  }
0x3: {  	_ = 	snop  }
0x4: {  	_ = 	snop  }
0x5: {  	_ = 	snop  }
0x6: {  	_ = 	snop  }
0x7: {  	_ = 	snop  }
__scs_overlays_trampoline_lowered:
0x8: {  	[smem:$0x3FAA] =	sst s0  }
0x9: {  	[smem:$0x3FAB] =	sst s1  }
0xa: {  	[smem:$0x3FAC] =	sst s2  }
0xb: {  	[smem:$0x3FAD] =	sst s3  }
0xc: {  	[smem:$0x3FAE] =	sst s4  }
0xd: {  	[smem:$0x3FAF] =	sst s5  }
0xe: {  	[smem:$0x3FB0] =	sst s6  }
0xf: {  	[smem:$0x3FB1] =	sst s7  }
0x10: {  	[smem:$0x3FB2] =	sst s8  }
0x11: {  	[smem:$0x3FB3] =	sst s9;
	s0 =	simm.s32 @!p0 $0x0  }
0x12: {  	s1 =	sld [smem:$0x3F99];
	s0 =	simm.s32 @p0 $0x1  }
0x13: {  	[smem:$0x3FB4] =	sst s0;
	s0 =	simm.s32 @!p1 $0x0  }
0x14: {  	s2 =	sld [smem:$0x3F98];
	s0 =	simm.s32 @p1 $0x1  }
0x15: {  	[smem:$0x3FB5] =	sst s0;
	s0 =	simm.s32 @!p2 $0x0  }
0x16: {  	s3 =	sld [smem:$0x3FDB];
	s0 =	simm.s32 @p2 $0x1  }
0x17: {  	s4 =	simm.s32 $0x1BF5;
	[smem:$0x3FB7] =	sst s0  }
0x18: {  	s0 =	sld [smem:$0x3F9A];
	_ =	swait.ge [sflag:s4], $0x0  }
0x19: {  	s7 =	sld [smem:$0x3F9B]  }
0x1a: {  	s8 =	sadd.s32 $0xFFFFE003, lr  }
0x1b: {  	s9 =	sadd.s32 $0xFFFFFEF7, lr;
	s5 =	simm.s32 $0xFFFFFFFF;
	p2 =	slt.u32 s8, $0xFFFFF086  }
0x1c: {  	p1 =	slt.u32 s9, $0xF7A;
	s5 =	simm.s32 @!p2 $0x0  }
0x1d: {  	s5 =	simm.s32 @p1 $0x1;
	p0 =	seq.s32 s7, s2  }
0x1e: {  	s7 =	smul.u32 @!p0 $0xF7A, s2;
	p2 =	seq.s32 @!p0 s5, $0x0  }
0x1f: {  	s9 =	smul.u32 $0xF7A, s1;
	s8 =	simm.s32 @!p0 $0x1BF5;
	p2 =	por !p2, p0  }
0x20: {  	[sflag:s8] =	ssyncset.s32 @!p0 $0xFFFFF086;
	s6 =	sadd.s32 @!p0 s3, s7;
	s7 =	simm.s32 @!p0 $0x108  }
0x21: {  	s3 =	sadd.s32 s3, s9;
	s6 =	sadd.s32 @!p0 $0x88, s6;
	s7 =	simm.s32 @p2 $0x1082  }
0x22: {  	[simem:s7], [sflag:s8] =	dma.local @!p0 [hbm:s6], $0xF7A  }
0x23: {  	s9 =	sor.u32 $0xD0000000, s2;
	s6 =	simm.s32 $0x108;
	_ =	swait.ge @!p0 [sflag:s8], $0x0  }
0x24: {  	s3 =	sadd.s32 $0x88, s3;
	s6 =	simm.s32 @!p1 $0x1082;
	[sflag:s4] =	ssyncset.s32 $0xFFFFF086  }
0x25: {  	[simem:s6], [sflag:s4] =	dma.local [hbm:s3], $0xF7A  }
0x26: {  	[smem:$0x3F9B] =	sst s1;
	(tag) =	ssettag s2;
	_ =	strace s9  }
0x27: {  	s1 =	sld [smem:$0x3FAB]  }
0x28: {  	s2 =	sld [smem:$0x3FAC]  }
0x29: {  	s4 =	sld [smem:$0x3FAE]  }
0x2a: {  	p0 =	seq.s32 s5, $0x0;
	s5 =	sld [smem:$0x3FAF]  }
0x2b: {  	s6 =	sld [smem:$0x3FB0]  }
0x2c: {  	s7 =	sld [smem:$0x3FB1]  }
0x2d: {  	s3 =	simm.s32 $0x108;
	s8 =	sld [smem:$0x3FB2]  }
0x2e: {  	s3 =	simm.s32 @!p0 $0x1082;
	s9 =	sld [smem:$0x3FB3]  }
0x2f: {  	lr =	sadd.s32 s0, s3;
	s0 =	sld [smem:$0x3FAA]  }
0x30: {  	s3 =	sld [smem:$0x3FAD]  }
0x31: {  	[smem:$0x3FB6] =	sst s10  }
0x32: {  	s10 =	sld [smem:$0x3FB4];
	_ =	sdelay $0x3  }
0x33: {  	p0 =	seq.s32 s10, $0x1;
	s10 =	sld [smem:$0x3FB6];
	_ =	sdelay $0x3  }
0x34: {  	[smem:$0x3FB6] =	sst s10  }
0x35: {  	s10 =	sld [smem:$0x3FB5];
	_ =	sdelay $0x3  }
0x36: {  	p1 =	seq.s32 s10, $0x1;
	s10 =	sld [smem:$0x3FB6];
	_ =	sdelay $0x3  }
0x37: {  	[smem:$0x3FB6] =	sst s10  }
0x38: {  	s10 =	sld [smem:$0x3FB7]  }
0x39: {  	_ = 	snop;
	(pc) =	sbr.ind lr, $3  }
0x3a: {  	_ = 	snop  }
0x3b: {  	_ = 	snop  }
0x3c: {  	p2 =	seq.s32 s10, $0x1;
	s10 =	sld [smem:$0x3FB6]  }
0x3d: {  	_ =	shalt  }
0x3e: {  	_ =	shalt  }
0x3f: {  	_ =	shalt  }
0x40: {  	_ =	shalt  }
0x41: {  	_ =	shalt  }
0x42: {  	_ =	shalt  }
0x43: {  	_ =	shalt  }
0x44: {  	_ =	shalt  }
0x45: {  	_ =	shalt  }
0x46: {  	_ =	shalt  }
0x47: {  	_ =	shalt  }
0x48: {  	_ =	shalt  }
0x49: {  	_ =	shalt  }
0x4a: {  	_ =	shalt  }
0x4b: {  	_ =	shalt  }
0x4c: {  	_ =	shalt  }
0x4d: {  	_ =	shalt  }
0x4e: {  	_ =	shalt  }
0x4f: {  	_ =	shalt  }
0x50: {  	_ =	shalt  }
0x51: {  	_ =	shalt  }
0x52: {  	_ =	shalt  }
0x53: {  	_ =	shalt  }
0x54: {  	_ =	shalt  }
0x55: {  	_ =	shalt  }
0x56: {  	_ =	shalt  }
0x57: {  	_ =	shalt  }
0x58: {  	_ =	shalt  }
0x59: {  	_ =	shalt  }
0x5a: {  	_ =	shalt  }
0x5b: {  	_ =	shalt  }
0x5c: {  	_ =	shalt  }
0x5d: {  	_ =	shalt  }
0x5e: {  	_ =	shalt  }
0x5f: {  	_ =	shalt  }
0x60: {  	_ =	shalt  }
0x61: {  	_ =	shalt  }
0x62: {  	_ =	shalt  }
0x63: {  	_ =	shalt  }
0x64: {  	_ =	shalt  }
0x65: {  	_ =	shalt  }
0x66: {  	_ =	shalt  }
0x67: {  	_ =	shalt  }
0x68: {  	_ =	shalt  }
0x69: {  	_ =	shalt  }
0x6a: {  	_ =	shalt  }
0x6b: {  	_ =	shalt  }
0x6c: {  	_ =	shalt  }
0x6d: {  	_ =	shalt  }
0x6e: {  	_ =	shalt  }
0x6f: {  	_ =	shalt  }
0x70: {  	_ =	shalt  }
0x71: {  	_ =	shalt  }
0x72: {  	_ =	shalt  }
0x73: {  	_ =	shalt  }
0x74: {  	_ =	shalt  }
0x75: {  	_ =	shalt  }
0x76: {  	_ =	shalt  }
0x77: {  	_ =	shalt  }
0x78: {  	_ =	shalt  }
0x79: {  	_ =	shalt  }
0x7a: {  	_ =	shalt  }
0x7b: {  	_ =	shalt  }
0x7c: {  	_ =	shalt  }
0x7d: {  	_ =	shalt  }
0x7e: {  	_ =	shalt  }
0x7f: {  	_ =	shalt  }
0x80: {  	_ =	shalt  }
0x81: {  	_ =	shalt  }
0x82: {  	_ =	shalt  }
0x83: {  	_ =	shalt  }
0x84: {  	_ =	shalt  }
0x85: {  	_ =	shalt  }
0x86: {  	_ =	shalt  }
0x87: {  	_ =	shalt  }
.Lfunc_end0:
.L_simem_size_0:
called_computation_lowered:
.L_overlay_start_0:
0x88: {  	s2 =	sld [smem:$0x3FD9]  }
0x89: {  	s3 =	sld [smem:$0x3FFE];
	_ =	sdelay $0x1  }
0x8a: {  	s1 =	srdreg.scid  }
0x8b: {  	s0 =	sand.u32 $0x1, s1  }
0x8c: {  	s17 =	sshll.u32 s0, $0xA;
	s2 =	sadd.s32 s3, s2  }
0x8d: {  	s2 =	sadd.s32 s2, s17  }
0x8e: {  	[smem:$0x3FC2] =	sst s2  }
0x8f: {  	_ = 	snop  }
0x90: {  	s2 =	sld [smem:$0x3FD0];
	(tm) =	ssettm $0x1  }
0x91: {  	s18 =	sld [smem:$0x3FFB];
	_ =	sdelay $0x3  }
0x92: {  	_ =	strace s18  }
0x93: {  	s3 =	sld [smem:$0x3FFC];
	_ =	sdelay $0x3  }
0x94: {  	_ =	strace s3  }
0x95: {  	s3 =	sld [smem:$0x3FFD];
	_ =	sdelay $0x3  }
0x96: {  	_ =	strace s3  }
0x97: {  	_ =	strace $0x8FFFFFFF  }
0x98: {  	s19 =	sld [smem:$0x3FDB];
	_ =	sdelay $0x1  }
0x99: {  	s4 =	simm.s32 $_scs_section_size  }
0x9a: {  	s5 =	simm.s32 $_size__tile_overlayer_lowered;
	s6 =	simm.s32 $_tile_overlayer_lowered  }
0x9b: {  	s22 =	simm.s32 $0x1BFF;
	s21 =	sshll.u32 s6, $0x1;
	s3 =	sadd.s32 s4, s19  }
0x9c: {  	s7 =	simm.s32 $0x0;
	s20 =	sshll.u32 s5, $0x1;
	s5 =	sadd.s32 s21, s3  }
0x9d: {  	[timem:s7], [sflag:s22] =	dma.local [hbm:s5], s20  }
0x9e: {  	_ =	swait.ge [sflag:s22], s20  }
0x9f: {  	s4 =	ssub.s32 $0x0, s20;
	[sflag:s22] =	ssyncset.done $0x0  }
0xa0: {  	[sflag:s22] =	ssyncadd.s32 s4;
	_ =	sdelay $0x1  }
0xa1: {  	s23 =	simm.s32 $0x1B8B  }
0xa2: {  	_ =	swait.ge [sflag:s23], $0x1  }
0xa3: {  	[sflag:s23] =	ssyncset.done $0x0  }
0xa4: {  	s25 =	simm.s32 $0x1B8E;
	s24 =	sld [smem:$0x3FFE];
	[sflag:s23] =	ssyncadd.s32 $0xFFFFFFFF  }
0xa5: {  	s26 =	simm.s32 $execute0_lowered;
	[smem:$0x3FD2] =	sst s25  }
0xa6: {  	s5 =	sshll.u32 s26, $0x1;
	_ =	strace $0x80000046;
	[dreg:$0x1] =	wrdreg $0xFFFFFFFF  }
0xa7: {  	s28 =	simm.s32 $_size_execute0_lowered;
	s3 =	sadd.s32 s3, s5;
	[dreg:$0x0] =	wrdreg $0x0  }
0xa8: {  	s5 =	sshll.u32 s28, $0x1;
	[dreg:$0x2] =	wrdreg s3  }
0xa9: {  	[dreg:$0x3] =	wrdreg s5  }
0xaa: {  	[dreg:$0x4] =	wrdreg $0xC0  }
0xab: {  	_ =	task [dreg:s7], $0x5FFFF  }
0xac: {  	[dreg:$0x1] =	wrdreg $0xFFFFFFFF  }
0xad: {  	[dreg:$0x0] =	wrdreg $0x60  }
0xae: {  	[dreg:$0x2] =	wrdreg s2  }
0xaf: {  	[dreg:$0x3] =	wrdreg s24  }
0xb0: {  	[dreg:$0x4] =	wrdreg $0xA8000  }
0xb1: {  	[dreg:$0x5] =	wrdreg $0x9  }
0xb2: {  	_ =	task.clear_ibuf [dreg:s7], $0x6FFFF;
	_ =	strace $0x90000046  }
0xb3: {  	s29 =	simm.s32 $0x9;
	_ =	strace $0x80000048  }
0xb4: {  	_ =	swait.ge [sflag:s29], $0x1  }
0xb5: {  	[sflag:s29] =	ssyncadd.s32 $0xFFFFFFFF  }
0xb6: {  	_ =	strace $0x90000048  }
0xb7: {  	_ =	sfence  }
0xb8: {  	s30 =	sld [smem:$0x0];
	_ =	sdelay $0x2  }
0xb9: {  	s31 =	sshll.u32 s1, $0xD;
	s1 =	sshrl.u32 s1, $0x2  }
0xba: {  	s3 =	sand.u32 $0x4000, s31;
	s1 =	sadd.s32 s1, s30  }
0xbb: {  	s0 =	sor.u32 s3, s0;
	s1 =	sshll.u32 s1, $0x11  }
0xbc: {  	s0 =	sor.u32 s1, s0  }
0xbd: {  	s0 =	sadd.s32 $0x8F2B, s0  }
0xbe: {  	[sflag:s0] =	ssyncadd.remote.s32 $0x1  }
0xbf: {  	_ =	sfence.sel $0xFFFF  }
0xc0: {  	[dreg:$0x0] =	wrdreg $0xFFFFFFFF;
	(pc) =	sbr.abs _section_cstart, $3  }
0xc1: {  	[dreg:$0x1] =	wrdreg $0xFFFFFFFF  }
0xc2: {  	_ =	task.clear_ibuf [dreg:s7], $0x2FFFF;
	_ =	strace $0x9FFFFFFF  }
0xc3: {  	(tm) =	ssettm $0x7FFFFFFF  }
tec
execute0_lowered:
.L_overlay_start_1:
0x0: {  	(tag) =	ssettag $0x1  }
0x1: {  	s1 =	rddreg [dreg:$0x0]  }
0x2: {  	s0 =	rddreg [dreg:$0x1]  }
0x3: {  	s3 =	rddreg [dreg:$0x2];
	s2 =	simm.s32 $0x0  }
0x4: {  	s10 =	stileid.u32;
	s4 =	srdreg.scid;
	s28 =	simm.s32 $0x3  }
0x5: {  	s29 =	simm.s32 $0x1400;
	s30 =	simm.s32 $0x7D;
	s17 =	smul.u32 $0x2800, s10  }
0x6: {  	s31 =	simm.s32 $0x6800;
	[smem:$0x7FF] =	sst s2;
	s6 =	smul.u32 $0x50000, s10  }
0x7: {  	s5 =	sadd.s32 $0xCA00, s0;
	s4 =	sand.u32 $0x1, s4;
	s26 =	sadd.s32 $0x59400, s0  }
0x8: {  	p1 =	seq.s32 s10, $0xF;
	_ =	strace $0x80000047;
	s8 =	ssub.s32 $0x2, s4  }
0x9: {  	p0 =	seq.s32 s4, $0x1;
	[dreg:$0xc] =	wrdreg s26;
	s26 =	simm.s32 $0x2800  }
0xa: {  	s7 =	sshrl.u32 s17, $0x3;
	s6 =	sshrl.u32 s6, $0x2;
	s2 =	sadd.s32 s17, s0  }
0xb: {  	s9 =	sshrl.u32 s8, $0x1;
	s7 =	sadd.s32 s7, s0;
	s25 =	sadd.s32 $0x33C00, s2  }
0xc: {  	s6 =	sadd.s32 s6, s3;
	s2 =	sadd.s32 $0x5AE00, s2;
	[dreg:$0xb] =	wrdreg s25  }
0xd: {  	s8 =	ssub.s32 s8, s9;
	s0 =	sadd.s32 $0x80600, s0;
	[dreg:$0xd] =	wrdreg s2  }
0xe: {  	s18 =	sadd.s32 $0x2000, s6;
	s19 =	sadd.s32 $0x4000, s6;
	[dreg:$0xe] =	wrdreg s0  }
0xf: {  	s20 =	sadd.s32 $0x6000, s6;
	s21 =	sadd.s32 $0x8000, s6;
	[dreg:$0x4] =	wrdreg s18  }
0x10: {  	s22 =	sadd.s32 $0xA000, s6;
	s23 =	sadd.s32 $0xC000, s6;
	[dreg:$0x5] =	wrdreg s19  }
0x11: {  	s24 =	sadd.s32 $0xE000, s6;
	s14 =	sadd.s32 $0x10000, s6;
	[dreg:$0x6] =	wrdreg s20  }
0x12: {  	s15 =	sadd.s32 $0x12000, s6;
	s16 =	sadd.s32 $0x2A00, s7;
	[dreg:$0x7] =	wrdreg s21  }
.Ltmp0:
0x13: {  	s17 =	sadd.s32 $0x7A00, s7;
	[dreg:$0x8] =	wrdreg s22;
	(pc) =	sbr.rel .LBB2_1-.Ltmp0, $4  }
0x14: {  	s25 =	smax.u32 s8, $0x1;
	s0 =	simm.s32 $0x1;
	[dreg:$0x9] =	wrdreg s23  }
0x15: {  	s2 =	simm.s32 $0x0;
	[dreg:$0xa] =	wrdreg s24;
	s18 =	sadd.s32 $0x2C80, s7  }
0x16: {  	s19 =	sadd.s32 $0x7C80, s7;
	s21 =	sadd.s32 $0x12C000, s3;
	s20 =	simm.s32 $0x2  }
0x17: {  	v0 =	vimm.f32 $0.0e+00;
	s22 =	simm.s32 $0x1380;
	s23 =	simm.s32 $0x2700;
	s24 =	simm.s32 $0x2780  }
.LBB2_8:
0x18: {  	s10 =	sadd.s32 $0x80, s9;
	[sflag:s28] =	ssyncadd.s32 $0xFFFFC180  }
0x19: {  	[tilespmem:s31], [sflag:$0x2] =	stream.indirect.gather [hbm4b:s1+s30], $0x80, s10, s30, $0xb8;
	[tilespmem:$0x1E800] =	vst v63  }
0x1a: {  	_ =	swait.ge [sflag:s0], $0x3E80  }
0x1b: {  	[sflag:s0] =	ssyncset.done $0x0  }
0x1c: {  	s11 =	sadd.s32 $0x1400, s9;
	[sflag:s0] =	ssyncadd.s32 $0xFFFFC180  }
0x1d: {  	[spmem:s3] =	stream.indirect.scatter.add.f32 [tilespmem:s26], [sflag:$0x3], $0x80, s11, s30, $0xb8;
	[tilespmem:$0x1E800] =	vst v63  }
0x1e: {  	_ =	swait.ge [sflag:s28], $0x3E80  }
0x1f: {  	[sflag:s28] =	ssyncset.done $0x0  }
0x20: {  	s12 =	sadd.s32 $0x100, s9;
	[sflag:s28] =	ssyncadd.s32 $0xFFFFC180  }
0x21: {  	[tilespmem:s26], [sflag:$0x1] =	stream.indirect.gather [hbm4b:s1+s30], $0x80, s12, s30, $0xb8;
	[tilespmem:$0x1E800] =	vst v63  }
0x22: {  	_ =	swait.ge [sflag:s20], $0x3E80  }
0x23: {  	[sflag:s20] =	ssyncset.done $0x0  }
0x24: {  	s13 =	sadd.s32 $0x1480, s9;
	[sflag:s20] =	ssyncadd.s32 $0xFFFFC180  }
0x25: {  	[spmem:s3] =	stream.indirect.scatter.add.f32 [tilespmem:s31], [sflag:$0x3], $0x80, s13, s30, $0xb8;
	[tilespmem:$0x1E800] =	vst v63  }
0x26: {  	_ =	swait.ge [sflag:s28], $0x3E80  }
0x27: {  	[sflag:s28] =	ssyncset.done $0x0  }
0x28: {  	[sflag:s28] =	ssyncadd.s32 $0xFFFFC180  }
0x29: {  	[tilespmem:s31], [sflag:$0x2] =	stream.indirect.gather [hbm4b:s1+s30], $0x80, s22, s30, $0xb8;
	[tilespmem:$0x1E800] =	vst v63  }
0x2a: {  	_ =	swait.ge [sflag:s0], $0x3E80  }
0x2b: {  	[sflag:s0] =	ssyncset.done $0x0  }
0x2c: {  	[sflag:s0] =	ssyncadd.s32 $0xFFFFC180  }
0x2d: {  	[spmem:s3] =	stream.indirect.scatter.add.f32 [tilespmem:s26], [sflag:$0x3], $0x80, s23, s30, $0xb8;
	[tilespmem:$0x1E800] =	vst v63  }
0x2e: {  	_ =	swait.ge [sflag:s28], $0x3E80  }
0x2f: {  	[sflag:s28] =	ssyncset.done $0x0  }
0x30: {  	[sflag:s28] =	ssyncadd.s32 $0xFFFFC180  }
0x31: {  	_ =	swait.ge [sflag:s20], $0x3E80  }
0x32: {  	[sflag:s20] =	ssyncset.done $0x0  }
0x33: {  	[sflag:s20] =	ssyncadd.s32 $0xFFFFC180  }
0x34: {  	[spmem:s3] =	stream.indirect.scatter.add.f32 [tilespmem:s31], [sflag:$0x3], $0x80, s24, s30, $0xb8;
	[tilespmem:$0x1E800] =	vst v63  }
0x35: {  	_ =	swait.ge [sflag:s28], $0x3E80  }
0x36: {  	[sflag:s28] =	ssyncset.done $0x0  }
0x37: {  	[sflag:s28] =	ssyncadd.s32 $0xFFFFC180  }
0x38: {  	[bflag:$0x0] =	sbarrier.arrive $0xFFFF  }
0x39: {  	s9 =	simm.s32 @p1 $0x1FC3;
	s10 =	rddreg [dreg:$0xc]  }
0x3a: {  	[hbm:s10], [sflag:s9] =	dma.local @p1 [spmem:s8], $0x1900  }
0x3b: {  	s8 =	simm.s32 @p1 $0x3  }
0x3c: {  	_ =	swait.ge @p1 [sflag:s8], $0x1900  }
0x3d: {  	[sflag:s8] =	ssyncset.done @p1 $0x0  }
0x3e: {  	[sflag:s8] =	ssyncadd.s32 @p1 $0xFFFFE700;
	s8 =	rddreg [dreg:$0xb]  }
0x3f: {  	[hbm:s8], [sflag:s7] =	dma.local @!p1 [spmem:s4], $0x2800  }
0x40: {  	s4 =	simm.s32 @!p1 $0x3  }
0x41: {  	_ =	swait.ge @!p1 [sflag:s4], $0x2800  }
0x42: {  	[sflag:s4] =	ssyncset.done @!p1 $0x0  }
0x43: {  	[sflag:s4] =	ssyncadd.s32 @!p1 $0xFFFFD800  }
.LBB2_14:
0x44: {  	s2 =	sadd.s32 $0x1, s2  }
0x45: {  	p2 =	sne.s32 s2, s25  }
.Ltmp1:
0x46: {  	_ = 	snop;
	(pc) =	sbr.rel @!p2 .LBB2_15-.Ltmp1, $1  }
0x47: {  	_ =	sdelay $0x3  }
.LBB2_1:
0x48: {  	s4 =	simm.s32 $0x0;
	s7 =	simm.s32 $0x200  }
.LBB2_2:
0x49: {  	p2 =	sne.s32 s7, $0x7E00;
	[tilespmem:s4+$0x2870] =	vst v0  }
0x4a: {  	[tilespmem:s4+$0x2800] =	vst v0  }
0x4b: {  	[tilespmem:s4+$0x2810] =	vst v0  }
.Ltmp2:
0x4c: {  	[tilespmem:s4+$0x2820] =	vst v0;
	(pc) =	sbr.rel @p2 .LBB2_2-.Ltmp2, $4  }
0x4d: {  	[tilespmem:s4+$0x2830] =	vst v0  }
0x4e: {  	[tilespmem:s4+$0x2840] =	vst v0  }
0x4f: {  	[tilespmem:s4+$0x2850] =	vst v0  }
0x50: {  	[tilespmem:s4+$0x2860] =	vst v0;
	s4 =	sshra.s32 s7, $0x2;
	s7 =	sadd.s32 $0x200, s7  }
0x51: {  	[tilespmem:s4+$0x2870] =	vst v0  }
0x52: {  	[tilespmem:s4+$0x2800] =	vst v0  }
0x53: {  	[tilespmem:s4+$0x2810] =	vst v0  }
0x54: {  	[tilespmem:s4+$0x2820] =	vst v0  }
0x55: {  	[tilespmem:s4+$0x2830] =	vst v0  }
0x56: {  	[tilespmem:s4+$0x2840] =	vst v0  }
0x57: {  	[tilespmem:s4+$0x2850] =	vst v0  }
0x58: {  	[tilespmem:s4+$0x2860] =	vst v0  }
0x59: {  	[spmem:s6] =	stream.linear.scatter [tilespmem:s26], [sflag:$0x3], $0x2000, $0x38;
	[tilespmem:$0x1E800] =	vst v63  }
0x5a: {  	_ =	swait.ge [sflag:s28], $0x2000  }
0x5b: {  	[sflag:s28] =	ssyncset.done $0x0  }
0x5c: {  	s13 =	rddreg [dreg:$0x4];
	[sflag:s28] =	ssyncadd.s32 $0xFFFFE000  }
0x5d: {  	[spmem:s13] =	stream.linear.scatter [tilespmem:s26], [sflag:$0x3], $0x2000, $0x38;
	[tilespmem:$0x1E800] =	vst v63  }
0x5e: {  	_ =	swait.ge [sflag:s28], $0x2000  }
0x5f: {  	[sflag:s28] =	ssyncset.done $0x0  }
0x60: {  	s7 =	rddreg [dreg:$0x5];
	[sflag:s28] =	ssyncadd.s32 $0xFFFFE000  }
0x61: {  	[spmem:s7] =	stream.linear.scatter [tilespmem:s26], [sflag:$0x3], $0x2000, $0x38;
	[tilespmem:$0x1E800] =	vst v63  }
0x62: {  	_ =	swait.ge [sflag:s28], $0x2000  }
0x63: {  	[sflag:s28] =	ssyncset.done $0x0  }
0x64: {  	s8 =	rddreg [dreg:$0x6];
	[sflag:s28] =	ssyncadd.s32 $0xFFFFE000  }
0x65: {  	[spmem:s8] =	stream.linear.scatter [tilespmem:s26], [sflag:$0x3], $0x2000, $0x38;
	[tilespmem:$0x1E800] =	vst v63  }
0x66: {  	_ =	swait.ge [sflag:s28], $0x2000  }
0x67: {  	[sflag:s28] =	ssyncset.done $0x0  }
0x68: {  	s9 =	rddreg [dreg:$0x7];
	[sflag:s28] =	ssyncadd.s32 $0xFFFFE000  }
0x69: {  	[spmem:s9] =	stream.linear.scatter [tilespmem:s26], [sflag:$0x3], $0x2000, $0x38;
	[tilespmem:$0x1E800] =	vst v63  }
0x6a: {  	_ =	swait.ge [sflag:s28], $0x2000  }
0x6b: {  	[sflag:s28] =	ssyncset.done $0x0  }
0x6c: {  	s10 =	rddreg [dreg:$0x8];
	[sflag:s28] =	ssyncadd.s32 $0xFFFFE000  }
0x6d: {  	[spmem:s10] =	stream.linear.scatter [tilespmem:s26], [sflag:$0x3], $0x2000, $0x38;
	[tilespmem:$0x1E800] =	vst v63  }
0x6e: {  	_ =	swait.ge [sflag:s28], $0x2000  }
0x6f: {  	[sflag:s28] =	ssyncset.done $0x0  }
0x70: {  	s11 =	rddreg [dreg:$0x9];
	[sflag:s28] =	ssyncadd.s32 $0xFFFFE000  }
0x71: {  	[spmem:s11] =	stream.linear.scatter [tilespmem:s26], [sflag:$0x3], $0x2000, $0x38;
	[tilespmem:$0x1E800] =	vst v63  }
0x72: {  	_ =	swait.ge [sflag:s28], $0x2000  }
0x73: {  	[sflag:s28] =	ssyncset.done $0x0  }
0x74: {  	s12 =	rddreg [dreg:$0xa];
	[sflag:s28] =	ssyncadd.s32 $0xFFFFE000  }
0x75: {  	[spmem:s12] =	stream.linear.scatter [tilespmem:s26], [sflag:$0x3], $0x2000, $0x38;
	[tilespmem:$0x1E800] =	vst v63  }
0x76: {  	_ =	swait.ge [sflag:s28], $0x2000  }
0x77: {  	[sflag:s28] =	ssyncset.done $0x0  }
0x78: {  	[sflag:s28] =	ssyncadd.s32 $0xFFFFE000  }
0x79: {  	[spmem:s14] =	stream.linear.scatter [tilespmem:s26], [sflag:$0x3], $0x2000, $0x38;
	[tilespmem:$0x1E800] =	vst v63  }
0x7a: {  	_ =	swait.ge [sflag:s28], $0x2000  }
0x7b: {  	[sflag:s28] =	ssyncset.done $0x0  }
0x7c: {  	[sflag:s28] =	ssyncadd.s32 $0xFFFFE000  }
0x7d: {  	[spmem:s15] =	stream.linear.scatter [tilespmem:s26], [sflag:$0x3], $0x2000, $0x38;
	[tilespmem:$0x1E800] =	vst v63  }
0x7e: {  	_ =	swait.ge [sflag:s28], $0x2000  }
0x7f: {  	[sflag:s28] =	ssyncset.done $0x0  }
0x80: {  	[sflag:s28] =	ssyncadd.s32 $0xFFFFE000  }
0x81: {  	s13 =	simm.s32 $0x0;
	[bflag:$0x0] =	sbarrier.arrive $0xFFFF  }
0x82: {  	[tilespmem:s13], [sflag:$0x3] =	stream.linear.gather [hbm4b:s16+s13], $0x1400, $0x38;
	[tilespmem:$0x1E800] =	vst v63  }
0x83: {  	_ =	swait.ge [sflag:s28], $0x1400  }
0x84: {  	[sflag:s28] =	ssyncset.done $0x0  }
.Ltmp3:
0x85: {  	s4 =	stileid.u32;
	[sflag:s28] =	ssyncadd.s32 $0xFFFFEC00;
	(pc) =	sbr.rel @!p0 .LBB2_4-.Ltmp3, $4  }
0x86: {  	[tilespmem:s29], [sflag:$0x3] =	stream.linear.gather [hbm4b:s17+s13], $0x1400, $0x38;
	[tilespmem:$0x1E800] =	vst v63  }
0x87: {  	s7 =	sshll.u32 @!p1 s4, $0x6;
	_ =	swait.ge [sflag:s28], $0x1400  }
0x88: {  	s4 =	sshrl.u32 @!p1 s6, $0x3;
	s7 =	sor.u32 @!p1 $0x1C03, s7;
	[sflag:s28] =	ssyncset.done $0x0  }
0x89: {  	s8 =	sshrl.u32 @p1 s21, $0x3;
	s9 =	simm.s32 $0x0;
	[sflag:s28] =	ssyncadd.s32 $0xFFFFEC00  }
0x8a: {  	[tilespmem:s26], [sflag:$0x1] =	stream.indirect.gather [hbm4b:s5+s30], $0x80, s9, s30, $0xb8;
	[tilespmem:$0x1E800] =	vst v63  }
0x8b: {  	s10 =	simm.s32 $0x80  }
0x8c: {  	[tilespmem:s31], [sflag:$0x2] =	stream.indirect.gather [hbm4b:s5+s30], $0x80, s10, s30, $0xb8;
	[tilespmem:$0x1E800] =	vst v63  }
0x8d: {  	_ =	swait.ge [sflag:s0], $0x3E80  }
0x8e: {  	[sflag:s0] =	ssyncset.done $0x0  }
0x8f: {  	s11 =	simm.s32 $0x1400;
	[sflag:s0] =	ssyncadd.s32 $0xFFFFC180  }
0x90: {  	[spmem:s3] =	stream.indirect.scatter.add.f32 [tilespmem:s26], [sflag:$0x3], $0x80, s11, s30, $0xb8;
	[tilespmem:$0x1E800] =	vst v63  }
0x91: {  	_ =	swait.ge [sflag:s28], $0x3E80  }
0x92: {  	[sflag:s28] =	ssyncset.done $0x0  }
0x93: {  	s12 =	simm.s32 $0x100;
	[sflag:s28] =	ssyncadd.s32 $0xFFFFC180  }
0x94: {  	[tilespmem:s26], [sflag:$0x1] =	stream.indirect.gather [hbm4b:s5+s30], $0x80, s12, s30, $0xb8;
	[tilespmem:$0x1E800] =	vst v63  }
0x95: {  	_ =	swait.ge [sflag:s20], $0x3E80  }
0x96: {  	[sflag:s20] =	ssyncset.done $0x0  }
0x97: {  	s13 =	simm.s32 $0x1480;
	[sflag:s20] =	ssyncadd.s32 $0xFFFFC180  }
0x98: {  	[spmem:s3] =	stream.indirect.scatter.add.f32 [tilespmem:s31], [sflag:$0x3], $0x80, s13, s30, $0xb8;
	[tilespmem:$0x1E800] =	vst v63  }
0x99: {  	_ =	swait.ge [sflag:s28], $0x3E80  }
0x9a: {  	s9 =	simm.s32 $0x100;
	s10 =	simm.s32 $0x800;
	[sflag:s28] =	ssyncset.done $0x0  }
.LBB2_10:
0x9b: {  	s11 =	sadd.s32 $0x80, s9  }
0x9c: {  	[sflag:s28] =	ssyncadd.s32 $0xFFFFC180;
	s12 =	smov.u32 s10;
	s13 =	sadd.s32 $0x400, s10  }
0x9d: {  	[tilespmem:s31], [sflag:$0x2] =	stream.indirect.gather [hbm4b:s5+s30], $0x80, s11, s30, $0xb8;
	[tilespmem:$0x1E800] =	vst v63  }
0x9e: {  	p2 =	sne.s32 s10, $0x4800;
	_ =	swait.ge [sflag:s0], $0x3E80  }
0x9f: {  	[sflag:s0] =	ssyncset.done $0x0  }
0xa0: {  	s10 =	sadd.s32 $0x1400, s9;
	[sflag:s0] =	ssyncadd.s32 $0xFFFFC180  }
0xa1: {  	[spmem:s3] =	stream.indirect.scatter.add.f32 [tilespmem:s26], [sflag:$0x3], $0x80, s10, s30, $0xb8;
	[tilespmem:$0x1E800] =	vst v63  }
0xa2: {  	_ =	swait.ge [sflag:s28], $0x3E80  }
0xa3: {  	[sflag:s28] =	ssyncset.done $0x0  }
0xa4: {  	s10 =	sadd.s32 $0x100, s9;
	[sflag:s28] =	ssyncadd.s32 $0xFFFFC180  }
0xa5: {  	[tilespmem:s26], [sflag:$0x1] =	stream.indirect.gather [hbm4b:s5+s30], $0x80, s10, s30, $0xb8;
	[tilespmem:$0x1E800] =	vst v63  }
0xa6: {  	_ =	swait.ge [sflag:s20], $0x3E80  }
.Ltmp4:
0xa7: {  	[sflag:s20] =	ssyncset.done $0x0;
	(pc) =	sbr.rel @p2 .LBB2_10-.Ltmp4, $4  }
0xa8: {  	s9 =	sadd.s32 $0x1480, s9;
	[sflag:s20] =	ssyncadd.s32 $0xFFFFC180  }
0xa9: {  	[spmem:s3] =	stream.indirect.scatter.add.f32 [tilespmem:s31], [sflag:$0x3], $0x80, s9, s30, $0xb8;
	[tilespmem:$0x1E800] =	vst v63  }
0xaa: {  	_ =	swait.ge [sflag:s28], $0x3E80  }
0xab: {  	s10 =	smov.u32 s13;
	s9 =	sshra.s32 s12, $0x2;
	[sflag:s28] =	ssyncset.done $0x0  }
0xac: {  	s10 =	sadd.s32 $0x80, s9;
	[sflag:s28] =	ssyncadd.s32 $0xFFFFC180  }
0xad: {  	[tilespmem:s31], [sflag:$0x2] =	stream.indirect.gather [hbm4b:s5+s30], $0x80, s10, s30, $0xb8;
	[tilespmem:$0x1E800] =	vst v63  }
0xae: {  	_ =	swait.ge [sflag:s0], $0x3E80  }
0xaf: {  	[sflag:s0] =	ssyncset.done $0x0  }
0xb0: {  	s13 =	sadd.s32 $0x1400, s9;
	[sflag:s0] =	ssyncadd.s32 $0xFFFFC180  }
0xb1: {  	[spmem:s3] =	stream.indirect.scatter.add.f32 [tilespmem:s26], [sflag:$0x3], $0x80, s13, s30, $0xb8;
	[tilespmem:$0x1E800] =	vst v63  }
0xb2: {  	_ =	swait.ge [sflag:s28], $0x3E80  }
0xb3: {  	[sflag:s28] =	ssyncset.done $0x0  }
0xb4: {  	s11 =	sadd.s32 $0x100, s9;
	[sflag:s28] =	ssyncadd.s32 $0xFFFFC180  }
0xb5: {  	[tilespmem:s26], [sflag:$0x1] =	stream.indirect.gather [hbm4b:s5+s30], $0x80, s11, s30, $0xb8;
	[tilespmem:$0x1E800] =	vst v63  }
0xb6: {  	_ =	swait.ge [sflag:s20], $0x3E80  }
0xb7: {  	[sflag:s20] =	ssyncset.done $0x0  }
0xb8: {  	s12 =	sadd.s32 $0x1480, s9;
	[sflag:s20] =	ssyncadd.s32 $0xFFFFC180  }
0xb9: {  	[spmem:s3] =	stream.indirect.scatter.add.f32 [tilespmem:s31], [sflag:$0x3], $0x80, s12, s30, $0xb8;
	[tilespmem:$0x1E800] =	vst v63  }
0xba: {  	_ =	swait.ge [sflag:s28], $0x3E80  }
0xbb: {  	[sflag:s28] =	ssyncset.done $0x0  }
0xbc: {  	[sflag:s28] =	ssyncadd.s32 $0xFFFFC180  }
0xbd: {  	[tilespmem:s31], [sflag:$0x2] =	stream.indirect.gather [hbm4b:s5+s30], $0x80, s22, s30, $0xb8;
	[tilespmem:$0x1E800] =	vst v63  }
0xbe: {  	_ =	swait.ge [sflag:s0], $0x3E80  }
0xbf: {  	[sflag:s0] =	ssyncset.done $0x0  }
0xc0: {  	[sflag:s0] =	ssyncadd.s32 $0xFFFFC180  }
0xc1: {  	[spmem:s3] =	stream.indirect.scatter.add.f32 [tilespmem:s26], [sflag:$0x3], $0x80, s23, s30, $0xb8;
	[tilespmem:$0x1E800] =	vst v63  }
0xc2: {  	_ =	swait.ge [sflag:s28], $0x3E80  }
0xc3: {  	[sflag:s28] =	ssyncset.done $0x0  }
0xc4: {  	[sflag:s28] =	ssyncadd.s32 $0xFFFFC180  }
0xc5: {  	_ =	swait.ge [sflag:s20], $0x3E80  }
0xc6: {  	[sflag:s20] =	ssyncset.done $0x0  }
0xc7: {  	[sflag:s20] =	ssyncadd.s32 $0xFFFFC180  }
0xc8: {  	[spmem:s3] =	stream.indirect.scatter.add.f32 [tilespmem:s31], [sflag:$0x3], $0x80, s24, s30, $0xb8;
	[tilespmem:$0x1E800] =	vst v63  }
0xc9: {  	_ =	swait.ge [sflag:s28], $0x3E80  }
0xca: {  	[sflag:s28] =	ssyncset.done $0x0  }
0xcb: {  	s13 =	simm.s32 $0x0;
	[sflag:s28] =	ssyncadd.s32 $0xFFFFC180  }
0xcc: {  	[tilespmem:s13], [sflag:$0x3] =	stream.linear.gather [hbm4b:s18+s13], $0x1400, $0x38;
	[tilespmem:$0x1E800] =	vst v63  }
0xcd: {  	_ =	swait.ge [sflag:s28], $0x1400  }
0xce: {  	[sflag:s28] =	ssyncset.done $0x0  }
0xcf: {  	[sflag:s28] =	ssyncadd.s32 $0xFFFFEC00  }
0xd0: {  	[tilespmem:s29], [sflag:$0x3] =	stream.linear.gather [hbm4b:s19+s13], $0x1400, $0x38;
	[tilespmem:$0x1E800] =	vst v63  }
0xd1: {  	_ =	swait.ge [sflag:s28], $0x1400  }
0xd2: {  	[sflag:s28] =	ssyncset.done $0x0  }
0xd3: {  	[sflag:s28] =	ssyncadd.s32 $0xFFFFEC00  }
0xd4: {  	[tilespmem:s26], [sflag:$0x1] =	stream.indirect.gather [hbm4b:s5+s30], $0x80, s13, s30, $0xb8;
	[tilespmem:$0x1E800] =	vst v63  }
0xd5: {  	s10 =	simm.s32 $0x80  }
0xd6: {  	[tilespmem:s31], [sflag:$0x2] =	stream.indirect.gather [hbm4b:s5+s30], $0x80, s10, s30, $0xb8;
	[tilespmem:$0x1E800] =	vst v63  }
0xd7: {  	_ =	swait.ge [sflag:s0], $0x3E80  }
0xd8: {  	[sflag:s0] =	ssyncset.done $0x0  }
0xd9: {  	s11 =	simm.s32 $0x1400;
	[sflag:s0] =	ssyncadd.s32 $0xFFFFC180  }
0xda: {  	[spmem:s3] =	stream.indirect.scatter.add.f32 [tilespmem:s26], [sflag:$0x3], $0x80, s11, s30, $0xb8;
	[tilespmem:$0x1E800] =	vst v63  }
0xdb: {  	_ =	swait.ge [sflag:s28], $0x3E80  }
0xdc: {  	[sflag:s28] =	ssyncset.done $0x0  }
0xdd: {  	s12 =	simm.s32 $0x100;
	[sflag:s28] =	ssyncadd.s32 $0xFFFFC180  }
0xde: {  	[tilespmem:s26], [sflag:$0x1] =	stream.indirect.gather [hbm4b:s5+s30], $0x80, s12, s30, $0xb8;
	[tilespmem:$0x1E800] =	vst v63  }
0xdf: {  	_ =	swait.ge [sflag:s20], $0x3E80  }
0xe0: {  	[sflag:s20] =	ssyncset.done $0x0  }
0xe1: {  	s13 =	simm.s32 $0x1480;
	[sflag:s20] =	ssyncadd.s32 $0xFFFFC180  }
0xe2: {  	[spmem:s3] =	stream.indirect.scatter.add.f32 [tilespmem:s31], [sflag:$0x3], $0x80, s13, s30, $0xb8;
	[tilespmem:$0x1E800] =	vst v63  }
0xe3: {  	_ =	swait.ge [sflag:s28], $0x3E80  }
0xe4: {  	s9 =	simm.s32 $0x100;
	s10 =	simm.s32 $0x800;
	[sflag:s28] =	ssyncset.done $0x0  }
.LBB2_12:
0xe5: {  	s11 =	sadd.s32 $0x80, s9  }
0xe6: {  	[sflag:s28] =	ssyncadd.s32 $0xFFFFC180;
	s12 =	smov.u32 s10;
	s13 =	sadd.s32 $0x400, s10  }
0xe7: {  	[tilespmem:s31], [sflag:$0x2] =	stream.indirect.gather [hbm4b:s5+s30], $0x80, s11, s30, $0xb8;
	[tilespmem:$0x1E800] =	vst v63  }
0xe8: {  	p2 =	sne.s32 s10, $0x4800;
	_ =	swait.ge [sflag:s0], $0x3E80  }
0xe9: {  	[sflag:s0] =	ssyncset.done $0x0  }
0xea: {  	s10 =	sadd.s32 $0x1400, s9;
	[sflag:s0] =	ssyncadd.s32 $0xFFFFC180  }
0xeb: {  	[spmem:s3] =	stream.indirect.scatter.add.f32 [tilespmem:s26], [sflag:$0x3], $0x80, s10, s30, $0xb8;
	[tilespmem:$0x1E800] =	vst v63  }
0xec: {  	_ =	swait.ge [sflag:s28], $0x3E80  }
0xed: {  	[sflag:s28] =	ssyncset.done $0x0  }
0xee: {  	s10 =	sadd.s32 $0x100, s9;
	[sflag:s28] =	ssyncadd.s32 $0xFFFFC180  }
0xef: {  	[tilespmem:s26], [sflag:$0x1] =	stream.indirect.gather [hbm4b:s5+s30], $0x80, s10, s30, $0xb8;
	[tilespmem:$0x1E800] =	vst v63  }
0xf0: {  	_ =	swait.ge [sflag:s20], $0x3E80  }
.Ltmp5:
0xf1: {  	[sflag:s20] =	ssyncset.done $0x0;
	(pc) =	sbr.rel @p2 .LBB2_12-.Ltmp5, $4  }
0xf2: {  	s9 =	sadd.s32 $0x1480, s9;
	[sflag:s20] =	ssyncadd.s32 $0xFFFFC180  }
0xf3: {  	[spmem:s3] =	stream.indirect.scatter.add.f32 [tilespmem:s31], [sflag:$0x3], $0x80, s9, s30, $0xb8;
	[tilespmem:$0x1E800] =	vst v63  }
0xf4: {  	_ =	swait.ge [sflag:s28], $0x3E80  }
0xf5: {  	s10 =	smov.u32 s13;
	s9 =	sshra.s32 s12, $0x2;
	[sflag:s28] =	ssyncset.done $0x0  }
0xf6: {  	s10 =	sadd.s32 $0x80, s9;
	[sflag:s28] =	ssyncadd.s32 $0xFFFFC180  }
0xf7: {  	[tilespmem:s31], [sflag:$0x2] =	stream.indirect.gather [hbm4b:s5+s30], $0x80, s10, s30, $0xb8;
	[tilespmem:$0x1E800] =	vst v63  }
0xf8: {  	_ =	swait.ge [sflag:s0], $0x3E80  }
0xf9: {  	[sflag:s0] =	ssyncset.done $0x0  }
0xfa: {  	s11 =	sadd.s32 $0x1400, s9;
	[sflag:s0] =	ssyncadd.s32 $0xFFFFC180  }
0xfb: {  	[spmem:s3] =	stream.indirect.scatter.add.f32 [tilespmem:s26], [sflag:$0x3], $0x80, s11, s30, $0xb8;
	[tilespmem:$0x1E800] =	vst v63  }
0xfc: {  	_ =	swait.ge [sflag:s28], $0x3E80  }
0xfd: {  	[sflag:s28] =	ssyncset.done $0x0  }
0xfe: {  	s12 =	sadd.s32 $0x100, s9;
	[sflag:s28] =	ssyncadd.s32 $0xFFFFC180  }
0xff: {  	[tilespmem:s26], [sflag:$0x1] =	stream.indirect.gather [hbm4b:s5+s30], $0x80, s12, s30, $0xb8;
	[tilespmem:$0x1E800] =	vst v63  }
0x100: {  	_ =	swait.ge [sflag:s20], $0x3E80  }
0x101: {  	[sflag:s20] =	ssyncset.done $0x0  }
0x102: {  	s13 =	sadd.s32 $0x1480, s9;
	[sflag:s20] =	ssyncadd.s32 $0xFFFFC180  }
0x103: {  	[spmem:s3] =	stream.indirect.scatter.add.f32 [tilespmem:s31], [sflag:$0x3], $0x80, s13, s30, $0xb8;
	[tilespmem:$0x1E800] =	vst v63  }
0x104: {  	_ =	swait.ge [sflag:s28], $0x3E80  }
0x105: {  	[sflag:s28] =	ssyncset.done $0x0  }
0x106: {  	[sflag:s28] =	ssyncadd.s32 $0xFFFFC180  }
0x107: {  	[tilespmem:s31], [sflag:$0x2] =	stream.indirect.gather [hbm4b:s5+s30], $0x80, s22, s30, $0xb8;
	[tilespmem:$0x1E800] =	vst v63  }
0x108: {  	_ =	swait.ge [sflag:s0], $0x3E80  }
0x109: {  	[sflag:s0] =	ssyncset.done $0x0  }
0x10a: {  	[sflag:s0] =	ssyncadd.s32 $0xFFFFC180  }
0x10b: {  	[spmem:s3] =	stream.indirect.scatter.add.f32 [tilespmem:s26], [sflag:$0x3], $0x80, s23, s30, $0xb8;
	[tilespmem:$0x1E800] =	vst v63  }
0x10c: {  	_ =	swait.ge [sflag:s28], $0x3E80  }
0x10d: {  	[sflag:s28] =	ssyncset.done $0x0  }
0x10e: {  	[sflag:s28] =	ssyncadd.s32 $0xFFFFC180  }
0x10f: {  	_ =	swait.ge [sflag:s20], $0x3E80  }
0x110: {  	[sflag:s20] =	ssyncset.done $0x0  }
0x111: {  	[sflag:s20] =	ssyncadd.s32 $0xFFFFC180  }
0x112: {  	[spmem:s3] =	stream.indirect.scatter.add.f32 [tilespmem:s31], [sflag:$0x3], $0x80, s24, s30, $0xb8;
	[tilespmem:$0x1E800] =	vst v63  }
0x113: {  	_ =	swait.ge [sflag:s28], $0x3E80  }
0x114: {  	[sflag:s28] =	ssyncset.done $0x0  }
0x115: {  	[sflag:s28] =	ssyncadd.s32 $0xFFFFC180  }
0x116: {  	[bflag:$0x0] =	sbarrier.arrive $0xFFFF  }
0x117: {  	s9 =	simm.s32 @p1 $0x1FC3;
	s10 =	rddreg [dreg:$0xe]  }
0x118: {  	[hbm:s10], [sflag:s9] =	dma.local @p1 [spmem:s8], $0x1900  }
0x119: {  	s8 =	simm.s32 @p1 $0x3  }
0x11a: {  	_ =	swait.ge @p1 [sflag:s8], $0x1900  }
0x11b: {  	[sflag:s8] =	ssyncset.done @p1 $0x0  }
0x11c: {  	[sflag:s8] =	ssyncadd.s32 @p1 $0xFFFFE700;
	s8 =	rddreg [dreg:$0xd]  }
0x11d: {  	[hbm:s8], [sflag:s7] =	dma.local @!p1 [spmem:s4], $0x2800  }
.Ltmp6:
0x11e: {  	_ = 	snop;
	(pc) =	sbr.rel .LBB2_14-.Ltmp6, $4  }
0x11f: {  	s4 =	simm.s32 @!p1 $0x3  }
0x120: {  	_ =	swait.ge @!p1 [sflag:s4], $0x2800  }
0x121: {  	[sflag:s4] =	ssyncset.done @!p1 $0x0  }
0x122: {  	[sflag:s4] =	ssyncadd.s32 @!p1 $0xFFFFD800  }
.LBB2_4:
0x123: {  	[tilespmem:s26], [sflag:$0x1] =	stream.indirect.gather [hbm4b:s1+s30], $0x80, s9, s30, $0xb8;
	[tilespmem:$0x1E800] =	vst v63  }
0x124: {  	s10 =	simm.s32 $0x80  }
0x125: {  	[tilespmem:s31], [sflag:$0x2] =	stream.indirect.gather [hbm4b:s1+s30], $0x80, s10, s30, $0xb8;
	[tilespmem:$0x1E800] =	vst v63  }
0x126: {  	_ =	swait.ge [sflag:s0], $0x3E80  }
0x127: {  	[sflag:s0] =	ssyncset.done $0x0  }
0x128: {  	s11 =	simm.s32 $0x1400;
	[sflag:s0] =	ssyncadd.s32 $0xFFFFC180  }
0x129: {  	[spmem:s3] =	stream.indirect.scatter.add.f32 [tilespmem:s26], [sflag:$0x3], $0x80, s11, s30, $0xb8;
	[tilespmem:$0x1E800] =	vst v63  }
0x12a: {  	_ =	swait.ge [sflag:s28], $0x3E80  }
0x12b: {  	[sflag:s28] =	ssyncset.done $0x0  }
0x12c: {  	s12 =	simm.s32 $0x100;
	[sflag:s28] =	ssyncadd.s32 $0xFFFFC180  }
0x12d: {  	[tilespmem:s26], [sflag:$0x1] =	stream.indirect.gather [hbm4b:s1+s30], $0x80, s12, s30, $0xb8;
	[tilespmem:$0x1E800] =	vst v63  }
0x12e: {  	_ =	swait.ge [sflag:s20], $0x3E80  }
0x12f: {  	[sflag:s20] =	ssyncset.done $0x0  }
0x130: {  	s13 =	simm.s32 $0x1480;
	[sflag:s20] =	ssyncadd.s32 $0xFFFFC180  }
0x131: {  	[spmem:s3] =	stream.indirect.scatter.add.f32 [tilespmem:s31], [sflag:$0x3], $0x80, s13, s30, $0xb8;
	[tilespmem:$0x1E800] =	vst v63  }
0x132: {  	_ =	swait.ge [sflag:s28], $0x3E80  }
0x133: {  	s9 =	simm.s32 $0x100;
	s10 =	simm.s32 $0x800;
	[sflag:s28] =	ssyncset.done $0x0  }
.LBB2_5:
0x134: {  	s11 =	sadd.s32 $0x80, s9  }
0x135: {  	[sflag:s28] =	ssyncadd.s32 $0xFFFFC180;
	s12 =	smov.u32 s10;
	s13 =	sadd.s32 $0x400, s10  }
0x136: {  	[tilespmem:s31], [sflag:$0x2] =	stream.indirect.gather [hbm4b:s1+s30], $0x80, s11, s30, $0xb8;
	[tilespmem:$0x1E800] =	vst v63  }
0x137: {  	p2 =	sne.s32 s10, $0x4800;
	_ =	swait.ge [sflag:s0], $0x3E80  }
0x138: {  	[sflag:s0] =	ssyncset.done $0x0  }
0x139: {  	s10 =	sadd.s32 $0x1400, s9;
	[sflag:s0] =	ssyncadd.s32 $0xFFFFC180  }
0x13a: {  	[spmem:s3] =	stream.indirect.scatter.add.f32 [tilespmem:s26], [sflag:$0x3], $0x80, s10, s30, $0xb8;
	[tilespmem:$0x1E800] =	vst v63  }
0x13b: {  	_ =	swait.ge [sflag:s28], $0x3E80  }
0x13c: {  	[sflag:s28] =	ssyncset.done $0x0  }
0x13d: {  	s10 =	sadd.s32 $0x100, s9;
	[sflag:s28] =	ssyncadd.s32 $0xFFFFC180  }
0x13e: {  	[tilespmem:s26], [sflag:$0x1] =	stream.indirect.gather [hbm4b:s1+s30], $0x80, s10, s30, $0xb8;
	[tilespmem:$0x1E800] =	vst v63  }
0x13f: {  	_ =	swait.ge [sflag:s20], $0x3E80  }
.Ltmp7:
0x140: {  	[sflag:s20] =	ssyncset.done $0x0;
	(pc) =	sbr.rel @p2 .LBB2_5-.Ltmp7, $4  }
0x141: {  	s9 =	sadd.s32 $0x1480, s9;
	[sflag:s20] =	ssyncadd.s32 $0xFFFFC180  }
0x142: {  	[spmem:s3] =	stream.indirect.scatter.add.f32 [tilespmem:s31], [sflag:$0x3], $0x80, s9, s30, $0xb8;
	[tilespmem:$0x1E800] =	vst v63  }
0x143: {  	_ =	swait.ge [sflag:s28], $0x3E80  }
0x144: {  	s10 =	smov.u32 s13;
	s9 =	sshra.s32 s12, $0x2;
	[sflag:s28] =	ssyncset.done $0x0  }
0x145: {  	s10 =	sadd.s32 $0x80, s9;
	[sflag:s28] =	ssyncadd.s32 $0xFFFFC180  }
0x146: {  	[tilespmem:s31], [sflag:$0x2] =	stream.indirect.gather [hbm4b:s1+s30], $0x80, s10, s30, $0xb8;
	[tilespmem:$0x1E800] =	vst v63  }
0x147: {  	_ =	swait.ge [sflag:s0], $0x3E80  }
0x148: {  	[sflag:s0] =	ssyncset.done $0x0  }
0x149: {  	s13 =	sadd.s32 $0x1400, s9;
	[sflag:s0] =	ssyncadd.s32 $0xFFFFC180  }
0x14a: {  	[spmem:s3] =	stream.indirect.scatter.add.f32 [tilespmem:s26], [sflag:$0x3], $0x80, s13, s30, $0xb8;
	[tilespmem:$0x1E800] =	vst v63  }
0x14b: {  	_ =	swait.ge [sflag:s28], $0x3E80  }
0x14c: {  	[sflag:s28] =	ssyncset.done $0x0  }
0x14d: {  	s11 =	sadd.s32 $0x100, s9;
	[sflag:s28] =	ssyncadd.s32 $0xFFFFC180  }
0x14e: {  	[tilespmem:s26], [sflag:$0x1] =	stream.indirect.gather [hbm4b:s1+s30], $0x80, s11, s30, $0xb8;
	[tilespmem:$0x1E800] =	vst v63  }
0x14f: {  	_ =	swait.ge [sflag:s20], $0x3E80  }
0x150: {  	[sflag:s20] =	ssyncset.done $0x0  }
0x151: {  	s12 =	sadd.s32 $0x1480, s9;
	[sflag:s20] =	ssyncadd.s32 $0xFFFFC180  }
0x152: {  	[spmem:s3] =	stream.indirect.scatter.add.f32 [tilespmem:s31], [sflag:$0x3], $0x80, s12, s30, $0xb8;
	[tilespmem:$0x1E800] =	vst v63  }
0x153: {  	_ =	swait.ge [sflag:s28], $0x3E80  }
0x154: {  	[sflag:s28] =	ssyncset.done $0x0  }
0x155: {  	[sflag:s28] =	ssyncadd.s32 $0xFFFFC180  }
0x156: {  	[tilespmem:s31], [sflag:$0x2] =	stream.indirect.gather [hbm4b:s1+s30], $0x80, s22, s30, $0xb8;
	[tilespmem:$0x1E800] =	vst v63  }
0x157: {  	_ =	swait.ge [sflag:s0], $0x3E80  }
0x158: {  	[sflag:s0] =	ssyncset.done $0x0  }
0x159: {  	[sflag:s0] =	ssyncadd.s32 $0xFFFFC180  }
0x15a: {  	[spmem:s3] =	stream.indirect.scatter.add.f32 [tilespmem:s26], [sflag:$0x3], $0x80, s23, s30, $0xb8;
	[tilespmem:$0x1E800] =	vst v63  }
0x15b: {  	_ =	swait.ge [sflag:s28], $0x3E80  }
0x15c: {  	[sflag:s28] =	ssyncset.done $0x0  }
0x15d: {  	[sflag:s28] =	ssyncadd.s32 $0xFFFFC180  }
0x15e: {  	_ =	swait.ge [sflag:s20], $0x3E80  }
0x15f: {  	[sflag:s20] =	ssyncset.done $0x0  }
0x160: {  	[sflag:s20] =	ssyncadd.s32 $0xFFFFC180  }
0x161: {  	[spmem:s3] =	stream.indirect.scatter.add.f32 [tilespmem:s31], [sflag:$0x3], $0x80, s24, s30, $0xb8;
	[tilespmem:$0x1E800] =	vst v63  }
0x162: {  	_ =	swait.ge [sflag:s28], $0x3E80  }
0x163: {  	[sflag:s28] =	ssyncset.done $0x0  }
0x164: {  	s13 =	simm.s32 $0x0;
	[sflag:s28] =	ssyncadd.s32 $0xFFFFC180  }
0x165: {  	[tilespmem:s13], [sflag:$0x3] =	stream.linear.gather [hbm4b:s18+s13], $0x1400, $0x38;
	[tilespmem:$0x1E800] =	vst v63  }
0x166: {  	_ =	swait.ge [sflag:s28], $0x1400  }
0x167: {  	[sflag:s28] =	ssyncset.done $0x0  }
0x168: {  	[sflag:s28] =	ssyncadd.s32 $0xFFFFEC00  }
0x169: {  	[tilespmem:s29], [sflag:$0x3] =	stream.linear.gather [hbm4b:s19+s13], $0x1400, $0x38;
	[tilespmem:$0x1E800] =	vst v63  }
0x16a: {  	_ =	swait.ge [sflag:s28], $0x1400  }
0x16b: {  	[sflag:s28] =	ssyncset.done $0x0  }
0x16c: {  	[sflag:s28] =	ssyncadd.s32 $0xFFFFEC00  }
0x16d: {  	[tilespmem:s26], [sflag:$0x1] =	stream.indirect.gather [hbm4b:s1+s30], $0x80, s13, s30, $0xb8;
	[tilespmem:$0x1E800] =	vst v63  }
0x16e: {  	s10 =	simm.s32 $0x80  }
0x16f: {  	[tilespmem:s31], [sflag:$0x2] =	stream.indirect.gather [hbm4b:s1+s30], $0x80, s10, s30, $0xb8;
	[tilespmem:$0x1E800] =	vst v63  }
0x170: {  	_ =	swait.ge [sflag:s0], $0x3E80  }
0x171: {  	[sflag:s0] =	ssyncset.done $0x0  }
0x172: {  	s11 =	simm.s32 $0x1400;
	[sflag:s0] =	ssyncadd.s32 $0xFFFFC180  }
0x173: {  	[spmem:s3] =	stream.indirect.scatter.add.f32 [tilespmem:s26], [sflag:$0x3], $0x80, s11, s30, $0xb8;
	[tilespmem:$0x1E800] =	vst v63  }
0x174: {  	_ =	swait.ge [sflag:s28], $0x3E80  }
0x175: {  	[sflag:s28] =	ssyncset.done $0x0  }
0x176: {  	s12 =	simm.s32 $0x100;
	[sflag:s28] =	ssyncadd.s32 $0xFFFFC180  }
0x177: {  	[tilespmem:s26], [sflag:$0x1] =	stream.indirect.gather [hbm4b:s1+s30], $0x80, s12, s30, $0xb8;
	[tilespmem:$0x1E800] =	vst v63  }
0x178: {  	_ =	swait.ge [sflag:s20], $0x3E80  }
0x179: {  	[sflag:s20] =	ssyncset.done $0x0  }
0x17a: {  	s13 =	simm.s32 $0x1480;
	[sflag:s20] =	ssyncadd.s32 $0xFFFFC180  }
0x17b: {  	[spmem:s3] =	stream.indirect.scatter.add.f32 [tilespmem:s31], [sflag:$0x3], $0x80, s13, s30, $0xb8;
	[tilespmem:$0x1E800] =	vst v63  }
0x17c: {  	_ =	swait.ge [sflag:s28], $0x3E80  }
0x17d: {  	s9 =	simm.s32 $0x100;
	s10 =	simm.s32 $0x800;
	[sflag:s28] =	ssyncset.done $0x0  }
.LBB2_7:
0x17e: {  	s11 =	sadd.s32 $0x80, s9  }
0x17f: {  	[sflag:s28] =	ssyncadd.s32 $0xFFFFC180;
	s12 =	smov.u32 s10;
	s13 =	sadd.s32 $0x400, s10  }
0x180: {  	[tilespmem:s31], [sflag:$0x2] =	stream.indirect.gather [hbm4b:s1+s30], $0x80, s11, s30, $0xb8;
	[tilespmem:$0x1E800] =	vst v63  }
0x181: {  	p2 =	sne.s32 s10, $0x4800;
	_ =	swait.ge [sflag:s0], $0x3E80  }
0x182: {  	[sflag:s0] =	ssyncset.done $0x0  }
0x183: {  	s10 =	sadd.s32 $0x1400, s9;
	[sflag:s0] =	ssyncadd.s32 $0xFFFFC180  }
0x184: {  	[spmem:s3] =	stream.indirect.scatter.add.f32 [tilespmem:s26], [sflag:$0x3], $0x80, s10, s30, $0xb8;
	[tilespmem:$0x1E800] =	vst v63  }
0x185: {  	_ =	swait.ge [sflag:s28], $0x3E80  }
0x186: {  	[sflag:s28] =	ssyncset.done $0x0  }
0x187: {  	s10 =	sadd.s32 $0x100, s9;
	[sflag:s28] =	ssyncadd.s32 $0xFFFFC180  }
0x188: {  	[tilespmem:s26], [sflag:$0x1] =	stream.indirect.gather [hbm4b:s1+s30], $0x80, s10, s30, $0xb8;
	[tilespmem:$0x1E800] =	vst v63  }
0x189: {  	_ =	swait.ge [sflag:s20], $0x3E80  }
.Ltmp8:
0x18a: {  	[sflag:s20] =	ssyncset.done $0x0;
	(pc) =	sbr.rel @p2 .LBB2_7-.Ltmp8, $4  }
0x18b: {  	s9 =	sadd.s32 $0x1480, s9;
	[sflag:s20] =	ssyncadd.s32 $0xFFFFC180  }
0x18c: {  	[spmem:s3] =	stream.indirect.scatter.add.f32 [tilespmem:s31], [sflag:$0x3], $0x80, s9, s30, $0xb8;
	[tilespmem:$0x1E800] =	vst v63  }
0x18d: {  	_ =	swait.ge [sflag:s28], $0x3E80  }
0x18e: {  	s10 =	smov.u32 s13;
	s9 =	sshra.s32 s12, $0x2;
	[sflag:s28] =	ssyncset.done $0x0  }
.Ltmp9:
0x18f: {  	_ = 	snop;
	(pc) =	sbr.rel .LBB2_8-.Ltmp9, $1  }
0x190: {  	_ =	sdelay $0x3  }
.LBB2_15:
0x191: {  	_ =	sfence.sel $0x180000  }
0x192: {  	[bflag:$0x0] =	sbarrier.arrive $0xFFFF  }
0x193: {  	_ =	strace $0x90000047  }
0x194: {  	s0 =	stileid.u32;
	[bflag:$0x2] =	sbarrier.arrive $0xFFFF  }
0x195: {  	p0 =	sne.s32 s0, $0x0;
	s0 =	rddreg [dreg:$0x3]  }
0x196: {  	s0 =	sadd.s32 @!p0 $0x100000, s0  }
0x197: {  	[sflag:s0] =	ssyncadd.tile.s32 @!p0 $0x1;
	_ =	shalt  }
.Lfunc_end2:
_tile_overlayer_lowered:
.L_overlay_start_2:
0x198: {  	(tag) =	ssettag $0x2  }
0x199: {  	s0 =	rddreg [dreg:$0x0];
	s2 =	stileid.u32  }
0x19a: {  	s1 =	rddreg [dreg:$0x1];
	p0 =	sne.s32 s2, $0x0  }
0x19b: {  	s3 =	rddreg [dreg:$0x2];
	[bflag:$0x3] =	sbarrier.arrive $0xFFFF;
	s2 =	simm.s32 @!p0 $0x1C03  }
0x19c: {  	[timem:s3], [sflag:s2] =	dma.local @!p0 [hbm:s0], s1  }
0x19d: {  	s0 =	simm.s32 @!p0 $0x3  }
0x19e: {  	_ =	swait.ge @!p0 [sflag:s0], s1  }
0x19f: {  	s1 =	ssub.s32 @!p0 $0x0, s1;
	[sflag:s0] =	ssyncset.done @!p0 $0x0  }
0x1a0: {  	[sflag:s0] =	ssyncadd.s32 @!p0 s1  }
0x1a1: {  	[bflag:$0x3] =	sbarrier.arrive $0xFFFF  }
0x1a2: {  	_ =	shalt  }

</sc_bundles>
